<compile_context>
chip_gen: v7x
topology: tpu7x:2x2x1
jax: 0.10.2.dev20260603
libtpu: 0.0.44.dev20260713+nightly
codegen_flags: <defaults>
</compile_context>

<pallas_src>
import functools

import jax
import jax.numpy as jnp
import numpy as np
from jax import lax
from jax.experimental import pallas as pl
from jax.experimental.pallas import tpu as pltpu
from jax.experimental.pallas import tpu_sc as plsc

N = 10000
K = 32
NK = N * K
D_IN = 128
D_OUT = 128
H = 64
EPS = 1e-5

_NC = 2
_NS = 16
_NW = _NC * _NS
_CH = 128
_GRP = 8
_CPW = 80
_NKP = _NW * _CPW * _CH

_T = 200
_R = _T * K
_GRID = N // _T
_TE = 2000
_TF = 400

_F32 = jnp.float32
_BF16 = jnp.bfloat16
_HI = lax.Precision.HIGHEST


def _gather_rows(table, idx3, d, dtype=_F32):
  mesh = plsc.VectorSubcoreMesh(core_axis_name="c", subcore_axis_name="s")

  @functools.partial(
      pl.kernel,
      out_type=jax.ShapeDtypeStruct((_NKP, d), dtype),
      mesh=mesh,
      scratch_types=[
          pltpu.VMEM((_CPW, _CH), jnp.int32),
          pltpu.VMEM((_GRP * _CH, d), dtype),
          pltpu.SemaphoreType.DMA,
      ],
      compiler_params=pltpu.CompilerParams(use_tc_tiling_on_sc=False),
  )
  def k(table_hbm, idx_hbm, out_hbm, idx_v, rows_v, sem):
    cid = lax.axis_index("c")
    sid = lax.axis_index("s")
    wid = sid * _NC + cid
    base = wid * _CPW * _CH
    pltpu.sync_copy(idx_hbm.at[wid], idx_v)

    def body(g, carry):
      cps = []
      for b in range(_GRP):
        cps.append(pltpu.async_copy(
            table_hbm.at[idx_v.at[g * _GRP + b]],
            rows_v.at[pl.ds(b * _CH, _CH)], sem))
      for cp in cps:
        cp.wait()
      pltpu.sync_copy(rows_v,
                      out_hbm.at[pl.ds(base + g * (_GRP * _CH), _GRP * _CH)])
      return carry

    lax.fori_loop(0, _CPW // _GRP, body, 0)

  return k(table, idx3)


_A_NP = np.zeros((16, 16), np.float32)
_B_NP = np.zeros((16, 16), np.float32)
for _i in range(3):
  _A_NP[_i, 1 + _i] = 1.0
  _A_NP[_i, 4 + _i] = 1.0
  _B_NP[_i, 1 + _i] = -1.0
  _B_NP[_i, 7 + _i] = 1.0


def _dotT(a, b):
  return lax.dot_general(a.astype(_BF16), b.astype(_BF16),
                         (((1,), (1,)), ((), ())),
                         preferred_element_type=_F32)


def _dotN(a, b):
  return lax.dot_general(a.astype(_BF16), b.astype(_BF16),
                         (((1,), (0,)), ((), ())),
                         preferred_element_type=_F32)


def _dotM(a, b):
  return lax.dot_general(a.astype(_BF16), b.astype(_BF16),
                         (((0,), (0,)), ((), ())),
                         preferred_element_type=_F32)


def _rel_dis(xt, nb):
  xtr = jnp.broadcast_to(xt[:, None, :], (_T, K, 16)).reshape(_R, 16)
  rel = xtr - nb
  dis = jnp.sqrt(jnp.sum(rel * rel, axis=1, keepdims=True))
  return rel, dis


def _kernel_ab(x_ref, xyz_ref, nxyz_ref, w1_ref, am_ref, bm_ref,
               y0_ref, s0_ref, sx_ref, m1_ref, s1_ref):
  i = pl.program_id(0)
  x = x_ref[...]
  y0_ref[...] = _dotT(x, w1_ref[...]).astype(_BF16)

  @pl.when(i == 0)
  def _():
    s0_ref[...] = jnp.zeros_like(s0_ref)
    sx_ref[...] = jnp.zeros_like(sx_ref)
    m1_ref[...] = jnp.zeros_like(m1_ref)
    s1_ref[...] = jnp.zeros_like(s1_ref)

  s0_ref[...] += _dotM(x, x)
  sx_ref[...] += jnp.sum(x, axis=0, keepdims=True)

  nb = nxyz_ref[...]
  xt = xyz_ref[...]
  xtr = jnp.broadcast_to(xt[:, None, :], (_T, K, 16)).reshape(_R, 16)
  rel = xtr - nb
  dis = jnp.sqrt(jnp.sum(rel * rel, axis=1, keepdims=True))
  li = lax.broadcasted_iota(jnp.int32, (_R, 16), 1)
  f10 = (_dotN(xtr, am_ref[...]) + _dotN(nb, bm_ref[...])
         + jnp.where(li == 0, dis, 0.0))
  m1_ref[...] += _dotM(f10, f10)
  s1_ref[...] += jnp.sum(f10, axis=0, keepdims=True)


def _fxyz(xyz_ref, nxyz_ref, wxt_ref, wnb_ref, w0_ref, a1_ref, c1_ref):
  nb = nxyz_ref[...]
  xt = xyz_ref[...]
  rel, dis = _rel_dis(xt, nb)
  px = _dotN(xt, wxt_ref[...])
  pxb = jnp.broadcast_to(px[:, None, :], (_T, K, D_OUT)).reshape(_R, D_OUT)
  pn = _dotN(nb, wnb_ref[...])
  y1 = pxb + pn + dis * w0_ref[...]
  return jax.nn.relu(y1 * a1_ref[...] + c1_ref[...])


def _att_pool_tile(fcat, wfc_ref, wm_ref):
  att = _dotT(fcat, wfc_ref[...])
  a3 = att.reshape(_T, K, D_OUT)
  m = jnp.max(a3, axis=1, keepdims=True)
  e = jnp.exp(a3 - m)
  sc = e / jnp.sum(e, axis=1, keepdims=True)
  agg = jnp.sum(fcat.reshape(_T, K, D_OUT) * sc, axis=1)
  return _dotT(agg, wm_ref[...])


def _kernel_att1(xyz_ref, nxyz_ref, nb1_ref, wxt_ref, wnb_ref,
                 w0_ref, a1_ref, c1_ref, a0_ref, c0_ref,
                 wfc_ref, wm_ref,
                 z1_ref, sz_ref, qz_ref, mf_ref, sf_ref):
  i = pl.program_id(0)
  fx = _fxyz(xyz_ref, nxyz_ref, wxt_ref, wnb_ref, w0_ref, a1_ref, c1_ref)
  fn = jax.nn.relu(nb1_ref[...].astype(_F32) * a0_ref[...] + c0_ref[...])
  fcat = jnp.pad(fn, ((0, 0), (0, H))) + fx
  z1 = _att_pool_tile(fcat, wfc_ref, wm_ref)
  z1_ref[...] = z1

  @pl.when(i == 0)
  def _():
    sz_ref[...] = jnp.zeros_like(sz_ref)
    qz_ref[...] = jnp.zeros_like(qz_ref)
    mf_ref[...] = jnp.zeros_like(mf_ref)
    sf_ref[...] = jnp.zeros_like(sf_ref)

  sz_ref[...] += jnp.sum(z1, axis=0, keepdims=True)
  qz_ref[...] += jnp.sum(z1 * z1, axis=0, keepdims=True)
  mf_ref[...] += _dotM(fcat, fcat)
  sf_ref[...] += jnp.sum(fcat, axis=0, keepdims=True)


def _kernel_att2(xyz_ref, nxyz_ref, nb2_ref, wxt_ref, wnb_ref,
                 w0_ref, a1_ref, c1_ref, w2_ref, a2_ref, c2_ref,
                 az_ref, cz_ref, wfc_ref, wm_ref,
                 z2_ref, sz_ref, qz_ref):
  i = pl.program_id(0)
  fx1 = _fxyz(xyz_ref, nxyz_ref, wxt_ref, wnb_ref, w0_ref, a1_ref, c1_ref)
  fx2 = jax.nn.relu(_dotT(fx1, w2_ref[...]) * a2_ref[...] + c2_ref[...])
  fn2 = jax.nn.relu(nb2_ref[...].astype(_F32) * az_ref[...] + cz_ref[...])
  fcat = jnp.pad(fn2, ((0, 0), (0, H))) + fx2
  z2 = _att_pool_tile(fcat, wfc_ref, wm_ref)
  z2_ref[...] = z2

  @pl.when(i == 0)
  def _():
    sz_ref[...] = jnp.zeros_like(sz_ref)
    qz_ref[...] = jnp.zeros_like(qz_ref)

  sz_ref[...] += jnp.sum(z2, axis=0, keepdims=True)
  qz_ref[...] += jnp.sum(z2 * z2, axis=0, keepdims=True)


def _kernel_stats3(z2_ref, az2_ref, cz2_ref, m3_ref, s3_ref):
  i = pl.program_id(0)
  fa = jax.nn.relu(z2_ref[...] * az2_ref[...] + cz2_ref[...])

  @pl.when(i == 0)
  def _():
    m3_ref[...] = jnp.zeros_like(m3_ref)
    s3_ref[...] = jnp.zeros_like(s3_ref)

  m3_ref[...] += _dotM(fa, fa)
  s3_ref[...] += jnp.sum(fa, axis=0, keepdims=True)


def _kernel_final(z2_ref, x_ref, az2_ref, cz2_ref, w3_ref, a3_ref, b3_ref,
                  wsc_ref, asc_ref, bsc_ref, out_ref):
  fa = jax.nn.relu(z2_ref[...] * az2_ref[...] + cz2_ref[...])
  y3 = _dotT(fa, w3_ref[...]) * a3_ref[...] + b3_ref[...]
  ysc = _dotT(x_ref[...], wsc_ref[...]) * asc_ref[...] + bsc_ref[...]
  o = y3 + ysc
  out_ref[...] = jnp.where(o >= 0, o, 0.2 * o)


def _full(shape):
  return pl.BlockSpec(shape, lambda i: (0,) * len(shape))


def _fold_moment(w, g, b, s2m, s1m, n):
  mu = s1m / n
  mean_y = jnp.matmul(w, mu, precision=_HI)
  ey2 = jnp.sum(jnp.matmul(w, s2m / n, precision=_HI) * w, axis=1)
  var = jnp.maximum(ey2 - mean_y * mean_y, 0.0)
  a = g * lax.rsqrt(var + EPS)
  return a, b - mean_y * a


def _fold_direct(g, b, ssum, sq, n):
  mean = ssum / n
  var = jnp.maximum(sq / n - mean * mean, 0.0)
  a = g * lax.rsqrt(var + EPS)
  return a, b - mean * a


def kernel(feature, xyz, neigh_idx, W_mlp1, g_mlp1, b_mlp1, W_bb1, g_bb1,
           b_bb1, W_att1_fc, W_att1_mlp, g_att1, b_att1, W_bb2, g_bb2, b_bb2,
           W_att2_fc, W_att2_mlp, g_att2, b_att2, W_mlp2, g_mlp2, b_mlp2,
           W_sc, g_sc, b_sc):
  x = feature[0, :, :, 0].T
  xyz16 = jnp.pad(xyz[0], ((0, 0), (0, 13)))
  idxf = neigh_idx[0].reshape(-1).astype(jnp.int32)
  idx3 = jnp.pad(idxf, (0, _NKP - NK)).reshape(_NW, _CPW, _CH)

  nxyz = _gather_rows(xyz16, idx3, 16)

  grid_nk = lambda i: (i, 0)
  y0, s0, sx, m1, s1 = pl.pallas_call(
      _kernel_ab,
      grid=(_GRID,),
      in_specs=[
          pl.BlockSpec((_T, D_IN), grid_nk),
          pl.BlockSpec((_T, 16), grid_nk),
          pl.BlockSpec((_R, 16), grid_nk),
          _full((H, D_IN)),
          _full((16, 16)), _full((16, 16)),
      ],
      out_specs=[
          pl.BlockSpec((_T, H), grid_nk),
          _full((D_IN, D_IN)),
          _full((1, D_IN)),
          _full((16, 16)),
          _full((1, 16)),
      ],
      out_shape=[
          jax.ShapeDtypeStruct((N, H), _BF16),
          jax.ShapeDtypeStruct((D_IN, D_IN), _F32),
          jax.ShapeDtypeStruct((1, D_IN), _F32),
          jax.ShapeDtypeStruct((16, 16), _F32),
          jax.ShapeDtypeStruct((1, 16), _F32),
      ],
  )(x, xyz16, nxyz, W_mlp1,
    jnp.asarray(_A_NP), jnp.asarray(_B_NP))

  a0, c0 = _fold_moment(W_mlp1, g_mlp1, b_mlp1, s0, sx[0], N)
  w1p = jnp.pad(W_bb1, ((0, 0), (0, 6)))
  a1, c1 = _fold_moment(w1p, g_bb1, b_bb1, m1, s1[0], NK)
  w1b = W_bb1
  zpad = jnp.zeros((13, H), _F32)
  wrel = jnp.concatenate([w1b[:, 1:4].T, zpad], axis=0)
  wxt = jnp.concatenate([w1b[:, 4:7].T, zpad], axis=0) + wrel
  wnb = jnp.concatenate([w1b[:, 7:10].T, zpad], axis=0) - wrel
  wxt128 = jnp.pad(wxt, ((0, 0), (H, 0)))
  wnb128 = jnp.pad(wnb, ((0, 0), (H, 0)))
  w0row128 = jnp.pad(w1b[:, 0][None, :], ((0, 0), (H, 0)))
  a1p = jnp.pad(a1[None, :], ((0, 0), (H, 0)))
  c1p = jnp.pad(c1[None, :], ((0, 0), (H, 0)))

  nb1 = _gather_rows(y0, idx3, H, _BF16)

  z1, sz1, qz1, mf, sf = pl.pallas_call(
      _kernel_att1,
      grid=(_GRID,),
      in_specs=[
          pl.BlockSpec((_T, 16), grid_nk),
          pl.BlockSpec((_R, 16), grid_nk),
          pl.BlockSpec((_R, H), grid_nk),
          _full((16, D_OUT)), _full((16, D_OUT)), _full((1, D_OUT)),
          _full((1, D_OUT)), _full((1, D_OUT)),
          _full((1, H)), _full((1, H)),
          _full((D_OUT, D_OUT)), _full((H, D_OUT)),
      ],
      out_specs=[
          pl.BlockSpec((_T, H), grid_nk),
          _full((1, H)), _full((1, H)),
          _full((D_OUT, D_OUT)), _full((1, D_OUT)),
      ],
      out_shape=[
          jax.ShapeDtypeStruct((N, H), _F32),
          jax.ShapeDtypeStruct((1, H), _F32),
          jax.ShapeDtypeStruct((1, H), _F32),
          jax.ShapeDtypeStruct((D_OUT, D_OUT), _F32),
          jax.ShapeDtypeStruct((1, D_OUT), _F32),
      ],
  )(xyz16, nxyz, nb1, wxt128, wnb128, w0row128,
    a1p, c1p, a0[None, :], c0[None, :],
    W_att1_fc, W_att1_mlp)

  az1, cz1 = _fold_direct(g_att1, b_att1, sz1[0], qz1[0], N)
  a2, c2 = _fold_moment(W_bb2, g_bb2, b_bb2, mf[H:, H:], sf[0, H:], NK)
  w2ext = jnp.pad(W_bb2, ((H, 0), (H, 0)))
  a2p = jnp.pad(a2[None, :], ((0, 0), (H, 0)))
  c2p = jnp.pad(c2[None, :], ((0, 0), (H, 0)))

  nb2 = _gather_rows(z1.astype(_BF16), idx3, H, _BF16)

  z2, sz2, qz2 = pl.pallas_call(
      _kernel_att2,
      grid=(_GRID,),
      in_specs=[
          pl.BlockSpec((_T, 16), grid_nk),
          pl.BlockSpec((_R, 16), grid_nk),
          pl.BlockSpec((_R, H), grid_nk),
          _full((16, D_OUT)), _full((16, D_OUT)), _full((1, D_OUT)),
          _full((1, D_OUT)), _full((1, D_OUT)),
          _full((D_OUT, D_OUT)), _full((1, D_OUT)), _full((1, D_OUT)),
          _full((1, H)), _full((1, H)),
          _full((D_OUT, D_OUT)), _full((D_OUT, D_OUT)),
      ],
      out_specs=[
          pl.BlockSpec((_T, D_OUT), grid_nk),
          _full((1, D_OUT)), _full((1, D_OUT)),
      ],
      out_shape=[
          jax.ShapeDtypeStruct((N, D_OUT), _F32),
          jax.ShapeDtypeStruct((1, D_OUT), _F32),
          jax.ShapeDtypeStruct((1, D_OUT), _F32),
      ],
  )(xyz16, nxyz, nb2, wxt128, wnb128, w0row128,
    a1p, c1p,
    w2ext, a2p, c2p,
    az1[None, :], cz1[None, :],
    W_att2_fc, W_att2_mlp)

  az2, cz2 = _fold_direct(g_att2, b_att2, sz2[0], qz2[0], N)

  m3, s3 = pl.pallas_call(
      _kernel_stats3,
      grid=(N // _TE,),
      in_specs=[
          pl.BlockSpec((_TE, D_OUT), grid_nk),
          _full((1, D_OUT)), _full((1, D_OUT)),
      ],
      out_specs=[_full((D_OUT, D_OUT)), _full((1, D_OUT))],
      out_shape=[
          jax.ShapeDtypeStruct((D_OUT, D_OUT), _F32),
          jax.ShapeDtypeStruct((1, D_OUT), _F32),
      ],
  )(z2, az2[None, :], cz2[None, :])

  a3, c3 = _fold_moment(W_mlp2, g_mlp2, b_mlp2, m3, s3[0], N)
  asc, csc = _fold_moment(W_sc, g_sc, b_sc, s0, sx[0], N)

  out = pl.pallas_call(
      _kernel_final,
      grid=(N // _TF,),
      in_specs=[
          pl.BlockSpec((_TF, D_OUT), grid_nk),
          pl.BlockSpec((_TF, D_IN), grid_nk),
          _full((1, D_OUT)), _full((1, D_OUT)),
          _full((2 * D_OUT, D_OUT)), _full((1, 2 * D_OUT)),
          _full((1, 2 * D_OUT)),
          _full((2 * D_OUT, D_IN)), _full((1, 2 * D_OUT)),
          _full((1, 2 * D_OUT)),
      ],
      out_specs=pl.BlockSpec((_TF, 2 * D_OUT), grid_nk),
      out_shape=jax.ShapeDtypeStruct((N, 2 * D_OUT), _F32),
  )(z2, x, az2[None, :], cz2[None, :],
    W_mlp2, a3[None, :], c3[None, :],
    W_sc, asc[None, :], csc[None, :])

  return out.T[None, :, :, None]

# --- scband reference (transcript-rebuilt; emitter-appended) ---
"""Pipeline reference for scband-dilated-res-block-1872605741520 (READ-ONLY COPY).

The authoritative reference and input builder live on the scoring server;
editing this copy changes nothing except your own understanding.
"""

import jax, jax.numpy as jnp
import numpy as np

B, N, K = 1, 10000, 32
D_IN, D_OUT = 128, 128

def setup_inputs(seed: int = 0):
    key = jax.random.key(seed)
    ks = jax.random.split(key, 16)
    def w(k, o, i):
        return jax.random.normal(k, (o, i), dtype=jnp.float32) * 0.05
    h = D_OUT // 2
    return {
        "feature": jax.random.normal(ks[0], (B, D_IN, N, 1), dtype=jnp.float32),
        "xyz": jax.random.normal(ks[1], (B, N, 3), dtype=jnp.float32),
        "neigh_idx": jax.random.randint(ks[2], (B, N, K), 0, N),
        "W_mlp1": w(ks[3], h, D_IN), "g_mlp1": jnp.ones((h,), jnp.float32), "b_mlp1": jnp.zeros((h,), jnp.float32),
        "W_bb1": w(ks[4], h, 10), "g_bb1": jnp.ones((h,), jnp.float32), "b_bb1": jnp.zeros((h,), jnp.float32),
        "W_att1_fc": w(ks[5], D_OUT, D_OUT),
        "W_att1_mlp": w(ks[6], h, D_OUT), "g_att1": jnp.ones((h,), jnp.float32), "b_att1": jnp.zeros((h,), jnp.float32),
        "W_bb2": w(ks[7], h, h), "g_bb2": jnp.ones((h,), jnp.float32), "b_bb2": jnp.zeros((h,), jnp.float32),
        "W_att2_fc": w(ks[8], D_OUT, D_OUT),
        "W_att2_mlp": w(ks[9], D_OUT, D_OUT), "g_att2": jnp.ones((D_OUT,), jnp.float32), "b_att2": jnp.zeros((D_OUT,), jnp.float32),
        "W_mlp2": w(ks[10], D_OUT * 2, D_OUT), "g_mlp2": jnp.ones((D_OUT * 2,), jnp.float32), "b_mlp2": jnp.zeros((D_OUT * 2,), jnp.float32),
        "W_sc": w(ks[11], D_OUT * 2, D_IN), "g_sc": jnp.ones((D_OUT * 2,), jnp.float32), "b_sc": jnp.zeros((D_OUT * 2,), jnp.float32),
    }

def _conv(x, W):
    # 1x1 conv: x [B,C,N,K], W [O,C] -> [B,O,N,K]
    return jnp.einsum('bcnk,oc->bonk', x, W)

def _bn(x, g, b, eps=1e-5):
    # training-mode batch norm over (B, N, K) per channel
    m = jnp.mean(x, axis=(0, 2, 3), keepdims=True)
    v = jnp.var(x, axis=(0, 2, 3), keepdims=True)
    xn = (x - m) / jnp.sqrt(v + eps)
    return xn * g[None, :, None, None] + b[None, :, None, None]

def _gather(pc, idx):
    # pc [B,N,d], idx [B,N,K] -> [B,N,K,d]
    b, n, d = pc.shape
    k = idx.shape[-1]
    flat = idx.reshape(b, n * k)
    feats = jnp.take_along_axis(pc, flat[:, :, None], axis=1)
    return feats.reshape(b, n, k, d)

def _att_pool(fs, Wfc, Wmlp, g, b):
    att = _conv(fs, Wfc)
    scores = jax.nn.softmax(att, axis=3)
    agg = jnp.sum(fs * scores, axis=3, keepdims=True)
    return jax.nn.relu(_bn(_conv(agg, Wmlp), g, b))

def reference(feature, xyz, neigh_idx, W_mlp1, g_mlp1, b_mlp1, W_bb1, g_bb1, b_bb1, W_att1_fc, W_att1_mlp, g_att1, b_att1, W_bb2, g_bb2, b_bb2, W_att2_fc, W_att2_mlp, g_att2, b_att2, W_mlp2, g_mlp2, b_mlp2, W_sc, g_sc, b_sc):
    f_pc = jax.nn.relu(_bn(_conv(feature, W_mlp1), g_mlp1, b_mlp1))  # [B,h,N,1]
    # Building_block: relative position encoding
    neigh_xyz = _gather(xyz, neigh_idx)                               # [B,N,K,3]
    xyz_tile = jnp.repeat(xyz[:, :, None, :], neigh_idx.shape[-1], axis=2)
    rel = xyz_tile - neigh_xyz
    dis = jnp.sqrt(jnp.sum(rel ** 2, axis=-1, keepdims=True))
    f_xyz = jnp.concatenate([dis, rel, xyz_tile, neigh_xyz], axis=-1)  # [B,N,K,10]
    f_xyz = jnp.transpose(f_xyz, (0, 3, 1, 2))                         # [B,10,N,K]
    f_xyz = jax.nn.relu(_bn(_conv(f_xyz, W_bb1), g_bb1, b_bb1))        # [B,h,N,K]
    f_nb = _gather(jnp.transpose(f_pc[..., 0], (0, 2, 1)), neigh_idx)  # [B,N,K,h]
    f_nb = jnp.transpose(f_nb, (0, 3, 1, 2))                           # [B,h,N,K]
    f_concat = jnp.concatenate([f_nb, f_xyz], axis=1)                  # [B,d_out,N,K]
    f_agg = _att_pool(f_concat, W_att1_fc, W_att1_mlp, g_att1, b_att1) # [B,h,N,1]
    f_xyz = jax.nn.relu(_bn(_conv(f_xyz, W_bb2), g_bb2, b_bb2))        # [B,h,N,K]
    f_nb = _gather(jnp.transpose(f_agg[..., 0], (0, 2, 1)), neigh_idx)
    f_nb = jnp.transpose(f_nb, (0, 3, 1, 2))
    f_concat = jnp.concatenate([f_nb, f_xyz], axis=1)
    f_agg = _att_pool(f_concat, W_att2_fc, W_att2_mlp, g_att2, b_att2) # [B,d_out,N,1]
    f_out = _bn(_conv(f_agg, W_mlp2), g_mlp2, b_mlp2)                  # [B,2*d_out,N,1]
    sc = _bn(_conv(feature, W_sc), g_sc, b_sc)
    return jax.nn.leaky_relu(f_out + sc, negative_slope=0.2)

if __name__ == "__main__":
    import jax
    _d = setup_inputs()
    print(jax.jit(kernel)(*tuple(_d.values())))

</pallas_src>

<mosaic_0001>
#map = affine_map<(d0, d1) -> (0, 0)>
#map1 = affine_map<(d0, d1) -> (0, 0, 0)>
module attributes {stable_mosaic.version = 14 : i64} {
  func.func @k(%arg0: i32, %arg1: i32, %arg2: memref<10000x64xbf16, #tpu.memory_space<hbm>>, %arg3: memref<32x80x128xi32, #tpu.memory_space<hbm>>, %arg4: memref<327680x64xbf16, #tpu.memory_space<hbm>>, %arg5: memref<80x128xi32, #tpu.memory_space<vmem>>, %arg6: memref<1024x64xbf16, #tpu.memory_space<vmem>>, %arg7: memref<!tpu.dma_semaphore, #tpu.memory_space<semaphore_mem>>) attributes {dimension_semantics = [#tpu.dimension_semantics<core_parallel>, #tpu.dimension_semantics<subcore_parallel>], iteration_bounds = array<i64: 2, 16>, scalar_prefetch = 0 : i64, scratch_operands = 3 : i64, tpu.core_type = #tpu.core_type<sc_vector_subcore>, window_params = [{transform_indices = #map}, {transform_indices = #map1}, {transform_indices = #map}]} {
    %mul3A = arith.constant 2 : i32
    %mul3A_0 = arith.muli %arg1, %mul3A : i32
    %add3A = arith.addi %mul3A_0, %arg0 : i32
    %mul3A_1 = arith.constant 80 : i32
    %mul3A_2 = arith.muli %add3A, %mul3A_1 : i32
    %mul3A_3 = arith.constant 128 : i32
    %mul3A_4 = arith.muli %mul3A_2, %mul3A_3 : i32
    "tpu.region"() ({
      %run_scoped3A = tpu.sem_alloc : memref<!tpu.dma_semaphore, #tpu.memory_space<semaphore_mem>>
      %dma_start3A = arith.constant 0 : i32
      %dma_start3A_10 = arith.constant 0 : i32
      %dma_start3A_11 = tpu.memref_slice %arg3[%add3A, %dma_start3A, %dma_start3A_10] : memref<32x80x128xi32, #tpu.memory_space<hbm>> -> memref<1x80x128xi32, #tpu.memory_space<hbm>>
      %dma_start3A_12 = tpu.memref_squeeze %dma_start3A_11 : memref<1x80x128xi32, #tpu.memory_space<hbm>> -> memref<80x128xi32, #tpu.memory_space<hbm>>
      %dma_start3A_13 = arith.constant 0 : i32
      %dma_start3A_14 = arith.constant 0 : i32
      %dma_start3A_15 = tpu.memref_slice %arg3[%add3A, %dma_start3A_13, %dma_start3A_14] : memref<32x80x128xi32, #tpu.memory_space<hbm>> -> memref<1x80x128xi32, #tpu.memory_space<hbm>>
      %dma_start3A_16 = tpu.memref_squeeze %dma_start3A_15 : memref<1x80x128xi32, #tpu.memory_space<hbm>> -> memref<80x128xi32, #tpu.memory_space<hbm>>
      tpu.enqueue_dma source(%dma_start3A_16 : memref<80x128xi32, #tpu.memory_space<hbm>>) target(%arg5 : memref<80x128xi32, #tpu.memory_space<vmem>>) target_semaphore(%run_scoped3A : memref<!tpu.dma_semaphore, #tpu.memory_space<semaphore_mem>>)
      %dma_wait3A = arith.constant 0 : i32
      %dma_wait3A_17 = arith.constant 0 : i32
      %dma_wait3A_18 = tpu.memref_slice %arg3[%add3A, %dma_wait3A, %dma_wait3A_17] : memref<32x80x128xi32, #tpu.memory_space<hbm>> -> memref<1x80x128xi32, #tpu.memory_space<hbm>>
      %dma_wait3A_19 = tpu.memref_squeeze %dma_wait3A_18 : memref<1x80x128xi32, #tpu.memory_space<hbm>> -> memref<80x128xi32, #tpu.memory_space<hbm>>
      %dma_wait3A_20 = arith.constant 0 : i32
      %dma_wait3A_21 = arith.constant 0 : i32
      %dma_wait3A_22 = tpu.memref_slice %arg3[%add3A, %dma_wait3A_20, %dma_wait3A_21] : memref<32x80x128xi32, #tpu.memory_space<hbm>> -> memref<1x80x128xi32, #tpu.memory_space<hbm>>
      %dma_wait3A_23 = tpu.memref_squeeze %dma_wait3A_22 : memref<1x80x128xi32, #tpu.memory_space<hbm>> -> memref<80x128xi32, #tpu.memory_space<hbm>>
      tpu.wait_dma2 semaphore(%run_scoped3A : memref<!tpu.dma_semaphore, #tpu.memory_space<semaphore_mem>>) src(%dma_wait3A_23 : memref<80x128xi32, #tpu.memory_space<hbm>>) dst(%arg5 : memref<80x128xi32, #tpu.memory_space<vmem>>)
      tpu.yield
    }) : () -> ()
    %scan3A = arith.constant 0 : i32
    %scan3A_5 = arith.constant 0 : i32
    %scan3A_6 = arith.constant 10 : i32
    %scan3A_7 = arith.addi %scan3A_5, %scan3A_6 : i32
    %scan3A_8 = arith.constant 1 : i32
    scf.for %scan3A_10 = %scan3A_5 to %scan3A_7 step %scan3A_8  : i32 {
      %mul3A_11 = arith.constant 8 : i32
      %mul3A_12 = arith.muli %scan3A_10, %mul3A_11 : i32
      %add3A_13 = arith.constant 0 : i32
      %add3A_14 = arith.addi %mul3A_12, %add3A_13 : i32
      %dma_start3A = arith.constant 0 : i32
      %dma_start3A_15 = arith.constant 0 : i32
      %dma_start3A_16 = tpu.memref_slice %arg6[%dma_start3A, %dma_start3A_15] : memref<1024x64xbf16, #tpu.memory_space<vmem>> -> memref<128x64xbf16, #tpu.memory_space<vmem>>
      %dma_start3A_17 = arith.constant 0 : i32
      %dma_start3A_18 = tpu.memref_slice %arg5[%add3A_14, %dma_start3A_17] : memref<80x128xi32, #tpu.memory_space<vmem>> -> memref<1x128xi32, #tpu.memory_space<vmem>>
      %dma_start3A_19 = tpu.memref_squeeze %dma_start3A_18 : memref<1x128xi32, #tpu.memory_space<vmem>> -> memref<128xi32, #tpu.memory_space<vmem>>
      %dma_start3A_20 = arith.constant 0 : i32
      %dma_start3A_21 = arith.constant 0 : i32
      %dma_start3A_22 = tpu.memref_slice %arg2[%dma_start3A_20, %dma_start3A_21] : memref<10000x64xbf16, #tpu.memory_space<hbm>> -> memref<10000x64xbf16, #tpu.memory_space<hbm>>
      tpu.enqueue_indirect_dma source(%dma_start3A_22 : memref<10000x64xbf16, #tpu.memory_space<hbm>>) target(%dma_start3A_16 : memref<128x64xbf16, #tpu.memory_space<vmem>>) offsets(%dma_start3A_19 : memref<128xi32, #tpu.memory_space<vmem>>) semaphore(%arg7 : memref<!tpu.dma_semaphore, #tpu.memory_space<semaphore_mem>>)
      %mul3A_23 = arith.constant 8 : i32
      %mul3A_24 = arith.muli %scan3A_10, %mul3A_23 : i32
      %add3A_25 = arith.constant 1 : i32
      %add3A_26 = arith.addi %mul3A_24, %add3A_25 : i32
      %dma_start3A_27 = arith.constant 128 : i32
      %dma_start3A_28 = arith.constant 0 : i32
      %dma_start3A_29 = tpu.memref_slice %arg6[%dma_start3A_27, %dma_start3A_28] : memref<1024x64xbf16, #tpu.memory_space<vmem>> -> memref<128x64xbf16, #tpu.memory_space<vmem>>
      %dma_start3A_30 = arith.constant 0 : i32
      %dma_start3A_31 = tpu.memref_slice %arg5[%add3A_26, %dma_start3A_30] : memref<80x128xi32, #tpu.memory_space<vmem>> -> memref<1x128xi32, #tpu.memory_space<vmem>>
      %dma_start3A_32 = tpu.memref_squeeze %dma_start3A_31 : memref<1x128xi32, #tpu.memory_space<vmem>> -> memref<128xi32, #tpu.memory_space<vmem>>
      %dma_start3A_33 = arith.constant 0 : i32
      %dma_start3A_34 = arith.constant 0 : i32
      %dma_start3A_35 = tpu.memref_slice %arg2[%dma_start3A_33, %dma_start3A_34] : memref<10000x64xbf16, #tpu.memory_space<hbm>> -> memref<10000x64xbf16, #tpu.memory_space<hbm>>
      tpu.enqueue_indirect_dma source(%dma_start3A_35 : memref<10000x64xbf16, #tpu.memory_space<hbm>>) target(%dma_start3A_29 : memref<128x64xbf16, #tpu.memory_space<vmem>>) offsets(%dma_start3A_32 : memref<128xi32, #tpu.memory_space<vmem>>) semaphore(%arg7 : memref<!tpu.dma_semaphore, #tpu.memory_space<semaphore_mem>>)
      %mul3A_36 = arith.constant 8 : i32
      %mul3A_37 = arith.muli %scan3A_10, %mul3A_36 : i32
      %add3A_38 = arith.constant 2 : i32
      %add3A_39 = arith.addi %mul3A_37, %add3A_38 : i32
      %dma_start3A_40 = arith.constant 256 : i32
      %dma_start3A_41 = arith.constant 0 : i32
      %dma_start3A_42 = tpu.memref_slice %arg6[%dma_start3A_40, %dma_start3A_41] : memref<1024x64xbf16, #tpu.memory_space<vmem>> -> memref<128x64xbf16, #tpu.memory_space<vmem>>
      %dma_start3A_43 = arith.constant 0 : i32
      %dma_start3A_44 = tpu.memref_slice %arg5[%add3A_39, %dma_start3A_43] : memref<80x128xi32, #tpu.memory_space<vmem>> -> memref<1x128xi32, #tpu.memory_space<vmem>>
      %dma_start3A_45 = tpu.memref_squeeze %dma_start3A_44 : memref<1x128xi32, #tpu.memory_space<vmem>> -> memref<128xi32, #tpu.memory_space<vmem>>
      %dma_start3A_46 = arith.constant 0 : i32
      %dma_start3A_47 = arith.constant 0 : i32
      %dma_start3A_48 = tpu.memref_slice %arg2[%dma_start3A_46, %dma_start3A_47] : memref<10000x64xbf16, #tpu.memory_space<hbm>> -> memref<10000x64xbf16, #tpu.memory_space<hbm>>
      tpu.enqueue_indirect_dma source(%dma_start3A_48 : memref<10000x64xbf16, #tpu.memory_space<hbm>>) target(%dma_start3A_42 : memref<128x64xbf16, #tpu.memory_space<vmem>>) offsets(%dma_start3A_45 : memref<128xi32, #tpu.memory_space<vmem>>) semaphore(%arg7 : memref<!tpu.dma_semaphore, #tpu.memory_space<semaphore_mem>>)
      %mul3A_49 = arith.constant 8 : i32
      %mul3A_50 = arith.muli %scan3A_10, %mul3A_49 : i32
      %add3A_51 = arith.constant 3 : i32
      %add3A_52 = arith.addi %mul3A_50, %add3A_51 : i32
      %dma_start3A_53 = arith.constant 384 : i32
      %dma_start3A_54 = arith.constant 0 : i32
      %dma_start3A_55 = tpu.memref_slice %arg6[%dma_start3A_53, %dma_start3A_54] : memref<1024x64xbf16, #tpu.memory_space<vmem>> -> memref<128x64xbf16, #tpu.memory_space<vmem>>
      %dma_start3A_56 = arith.constant 0 : i32
      %dma_start3A_57 = tpu.memref_slice %arg5[%add3A_52, %dma_start3A_56] : memref<80x128xi32, #tpu.memory_space<vmem>> -> memref<1x128xi32, #tpu.memory_space<vmem>>
      %dma_start3A_58 = tpu.memref_squeeze %dma_start3A_57 : memref<1x128xi32, #tpu.memory_space<vmem>> -> memref<128xi32, #tpu.memory_space<vmem>>
      %dma_start3A_59 = arith.constant 0 : i32
      %dma_start3A_60 = arith.constant 0 : i32
      %dma_start3A_61 = tpu.memref_slice %arg2[%dma_start3A_59, %dma_start3A_60] : memref<10000x64xbf16, #tpu.memory_space<hbm>> -> memref<10000x64xbf16, #tpu.memory_space<hbm>>
      tpu.enqueue_indirect_dma source(%dma_start3A_61 : memref<10000x64xbf16, #tpu.memory_space<hbm>>) target(%dma_start3A_55 : memref<128x64xbf16, #tpu.memory_space<vmem>>) offsets(%dma_start3A_58 : memref<128xi32, #tpu.memory_space<vmem>>) semaphore(%arg7 : memref<!tpu.dma_semaphore, #tpu.memory_space<semaphore_mem>>)
      %mul3A_62 = arith.constant 8 : i32
      %mul3A_63 = arith.muli %scan3A_10, %mul3A_62 : i32
      %add3A_64 = arith.constant 4 : i32
      %add3A_65 = arith.addi %mul3A_63, %add3A_64 : i32
      %dma_start3A_66 = arith.constant 512 : i32
      %dma_start3A_67 = arith.constant 0 : i32
      %dma_start3A_68 = tpu.memref_slice %arg6[%dma_start3A_66, %dma_start3A_67] : memref<1024x64xbf16, #tpu.memory_space<vmem>> -> memref<128x64xbf16, #tpu.memory_space<vmem>>
      %dma_start3A_69 = arith.constant 0 : i32
      %dma_start3A_70 = tpu.memref_slice %arg5[%add3A_65, %dma_start3A_69] : memref<80x128xi32, #tpu.memory_space<vmem>> -> memref<1x128xi32, #tpu.memory_space<vmem>>
      %dma_start3A_71 = tpu.memref_squeeze %dma_start3A_70 : memref<1x128xi32, #tpu.memory_space<vmem>> -> memref<128xi32, #tpu.memory_space<vmem>>
      %dma_start3A_72 = arith.constant 0 : i32
      %dma_start3A_73 = arith.constant 0 : i32
      %dma_start3A_74 = tpu.memref_slice %arg2[%dma_start3A_72, %dma_start3A_73] : memref<10000x64xbf16, #tpu.memory_space<hbm>> -> memref<10000x64xbf16, #tpu.memory_space<hbm>>
      tpu.enqueue_indirect_dma source(%dma_start3A_74 : memref<10000x64xbf16, #tpu.memory_space<hbm>>) target(%dma_start3A_68 : memref<128x64xbf16, #tpu.memory_space<vmem>>) offsets(%dma_start3A_71 : memref<128xi32, #tpu.memory_space<vmem>>) semaphore(%arg7 : memref<!tpu.dma_semaphore, #tpu.memory_space<semaphore_mem>>)
      %mul3A_75 = arith.constant 8 : i32
      %mul3A_76 = arith.muli %scan3A_10, %mul3A_75 : i32
      %add3A_77 = arith.constant 5 : i32
      %add3A_78 = arith.addi %mul3A_76, %add3A_77 : i32
      %dma_start3A_79 = arith.constant 640 : i32
      %dma_start3A_80 = arith.constant 0 : i32
      %dma_start3A_81 = tpu.memref_slice %arg6[%dma_start3A_79, %dma_start3A_80] : memref<1024x64xbf16, #tpu.memory_space<vmem>> -> memref<128x64xbf16, #tpu.memory_space<vmem>>
      %dma_start3A_82 = arith.constant 0 : i32
      %dma_start3A_83 = tpu.memref_slice %arg5[%add3A_78, %dma_start3A_82] : memref<80x128xi32, #tpu.memory_space<vmem>> -> memref<1x128xi32, #tpu.memory_space<vmem>>
      %dma_start3A_84 = tpu.memref_squeeze %dma_start3A_83 : memref<1x128xi32, #tpu.memory_space<vmem>> -> memref<128xi32, #tpu.memory_space<vmem>>
      %dma_start3A_85 = arith.constant 0 : i32
      %dma_start3A_86 = arith.constant 0 : i32
      %dma_start3A_87 = tpu.memref_slice %arg2[%dma_start3A_85, %dma_start3A_86] : memref<10000x64xbf16, #tpu.memory_space<hbm>> -> memref<10000x64xbf16, #tpu.memory_space<hbm>>
      tpu.enqueue_indirect_dma source(%dma_start3A_87 : memref<10000x64xbf16, #tpu.memory_space<hbm>>) target(%dma_start3A_81 : memref<128x64xbf16, #tpu.memory_space<vmem>>) offsets(%dma_start3A_84 : memref<128xi32, #tpu.memory_space<vmem>>) semaphore(%arg7 : memref<!tpu.dma_semaphore, #tpu.memory_space<semaphore_mem>>)
      %mul3A_88 = arith.constant 8 : i32
      %mul3A_89 = arith.muli %scan3A_10, %mul3A_88 : i32
      %add3A_90 = arith.constant 6 : i32
      %add3A_91 = arith.addi %mul3A_89, %add3A_90 : i32
      %dma_start3A_92 = arith.constant 768 : i32
      %dma_start3A_93 = arith.constant 0 : i32
      %dma_start3A_94 = tpu.memref_slice %arg6[%dma_start3A_92, %dma_start3A_93] : memref<1024x64xbf16, #tpu.memory_space<vmem>> -> memref<128x64xbf16, #tpu.memory_space<vmem>>
      %dma_start3A_95 = arith.constant 0 : i32
      %dma_start3A_96 = tpu.memref_slice %arg5[%add3A_91, %dma_start3A_95] : memref<80x128xi32, #tpu.memory_space<vmem>> -> memref<1x128xi32, #tpu.memory_space<vmem>>
      %dma_start3A_97 = tpu.memref_squeeze %dma_start3A_96 : memref<1x128xi32, #tpu.memory_space<vmem>> -> memref<128xi32, #tpu.memory_space<vmem>>
      %dma_start3A_98 = arith.constant 0 : i32
      %dma_start3A_99 = arith.constant 0 : i32
      %dma_start3A_100 = tpu.memref_slice %arg2[%dma_start3A_98, %dma_start3A_99] : memref<10000x64xbf16, #tpu.memory_space<hbm>> -> memref<10000x64xbf16, #tpu.memory_space<hbm>>
      tpu.enqueue_indirect_dma source(%dma_start3A_100 : memref<10000x64xbf16, #tpu.memory_space<hbm>>) target(%dma_start3A_94 : memref<128x64xbf16, #tpu.memory_space<vmem>>) offsets(%dma_start3A_97 : memref<128xi32, #tpu.memory_space<vmem>>) semaphore(%arg7 : memref<!tpu.dma_semaphore, #tpu.memory_space<semaphore_mem>>)
      %mul3A_101 = arith.constant 8 : i32
      %mul3A_102 = arith.muli %scan3A_10, %mul3A_101 : i32
      %add3A_103 = arith.constant 7 : i32
      %add3A_104 = arith.addi %mul3A_102, %add3A_103 : i32
      %dma_start3A_105 = arith.constant 896 : i32
      %dma_start3A_106 = arith.constant 0 : i32
      %dma_start3A_107 = tpu.memref_slice %arg6[%dma_start3A_105, %dma_start3A_106] : memref<1024x64xbf16, #tpu.memory_space<vmem>> -> memref<128x64xbf16, #tpu.memory_space<vmem>>
      %dma_start3A_108 = arith.constant 0 : i32
      %dma_start3A_109 = tpu.memref_slice %arg5[%add3A_104, %dma_start3A_108] : memref<80x128xi32, #tpu.memory_space<vmem>> -> memref<1x128xi32, #tpu.memory_space<vmem>>
      %dma_start3A_110 = tpu.memref_squeeze %dma_start3A_109 : memref<1x128xi32, #tpu.memory_space<vmem>> -> memref<128xi32, #tpu.memory_space<vmem>>
      %dma_start3A_111 = arith.constant 0 : i32
      %dma_start3A_112 = arith.constant 0 : i32
      %dma_start3A_113 = tpu.memref_slice %arg2[%dma_start3A_111, %dma_start3A_112] : memref<10000x64xbf16, #tpu.memory_space<hbm>> -> memref<10000x64xbf16, #tpu.memory_space<hbm>>
      tpu.enqueue_indirect_dma source(%dma_start3A_113 : memref<10000x64xbf16, #tpu.memory_space<hbm>>) target(%dma_start3A_107 : memref<128x64xbf16, #tpu.memory_space<vmem>>) offsets(%dma_start3A_110 : memref<128xi32, #tpu.memory_space<vmem>>) semaphore(%arg7 : memref<!tpu.dma_semaphore, #tpu.memory_space<semaphore_mem>>)
      %dma_wait3A = arith.constant 0 : i32
      %dma_wait3A_114 = arith.constant 0 : i32
      %dma_wait3A_115 = tpu.memref_slice %arg6[%dma_wait3A, %dma_wait3A_114] : memref<1024x64xbf16, #tpu.memory_space<vmem>> -> memref<128x64xbf16, #tpu.memory_space<vmem>>
      %dma_wait3A_116 = arith.constant 0 : i32
      %dma_wait3A_117 = tpu.memref_slice %arg5[%add3A_14, %dma_wait3A_116] : memref<80x128xi32, #tpu.memory_space<vmem>> -> memref<1x128xi32, #tpu.memory_space<vmem>>
      %dma_wait3A_118 = tpu.memref_squeeze %dma_wait3A_117 : memref<1x128xi32, #tpu.memory_space<vmem>> -> memref<128xi32, #tpu.memory_space<vmem>>
      %dma_wait3A_119 = arith.constant 0 : i32
      %dma_wait3A_120 = arith.constant 0 : i32
      %dma_wait3A_121 = tpu.memref_slice %arg2[%dma_wait3A_119, %dma_wait3A_120] : memref<10000x64xbf16, #tpu.memory_space<hbm>> -> memref<10000x64xbf16, #tpu.memory_space<hbm>>
      tpu.wait_indirect_dma semaphore(%arg7 : memref<!tpu.dma_semaphore, #tpu.memory_space<semaphore_mem>>) src(%dma_wait3A_121 : memref<10000x64xbf16, #tpu.memory_space<hbm>>) dst(%dma_wait3A_115 : memref<128x64xbf16, #tpu.memory_space<vmem>>)
      %dma_wait3A_122 = arith.constant 128 : i32
      %dma_wait3A_123 = arith.constant 0 : i32
      %dma_wait3A_124 = tpu.memref_slice %arg6[%dma_wait3A_122, %dma_wait3A_123] : memref<1024x64xbf16, #tpu.memory_space<vmem>> -> memref<128x64xbf16, #tpu.memory_space<vmem>>
      %dma_wait3A_125 = arith.constant 0 : i32
      %dma_wait3A_126 = tpu.memref_slice %arg5[%add3A_26, %dma_wait3A_125] : memref<80x128xi32, #tpu.memory_space<vmem>> -> memref<1x128xi32, #tpu.memory_space<vmem>>
      %dma_wait3A_127 = tpu.memref_squeeze %dma_wait3A_126 : memref<1x128xi32, #tpu.memory_space<vmem>> -> memref<128xi32, #tpu.memory_space<vmem>>
      %dma_wait3A_128 = arith.constant 0 : i32
      %dma_wait3A_129 = arith.constant 0 : i32
      %dma_wait3A_130 = tpu.memref_slice %arg2[%dma_wait3A_128, %dma_wait3A_129] : memref<10000x64xbf16, #tpu.memory_space<hbm>> -> memref<10000x64xbf16, #tpu.memory_space<hbm>>
      tpu.wait_indirect_dma semaphore(%arg7 : memref<!tpu.dma_semaphore, #tpu.memory_space<semaphore_mem>>) src(%dma_wait3A_130 : memref<10000x64xbf16, #tpu.memory_space<hbm>>) dst(%dma_wait3A_124 : memref<128x64xbf16, #tpu.memory_space<vmem>>)
      %dma_wait3A_131 = arith.constant 256 : i32
      %dma_wait3A_132 = arith.constant 0 : i32
      %dma_wait3A_133 = tpu.memref_slice %arg6[%dma_wait3A_131, %dma_wait3A_132] : memref<1024x64xbf16, #tpu.memory_space<vmem>> -> memref<128x64xbf16, #tpu.memory_space<vmem>>
      %dma_wait3A_134 = arith.constant 0 : i32
      %dma_wait3A_135 = tpu.memref_slice %arg5[%add3A_39, %dma_wait3A_134] : memref<80x128xi32, #tpu.memory_space<vmem>> -> memref<1x128xi32, #tpu.memory_space<vmem>>
      %dma_wait3A_136 = tpu.memref_squeeze %dma_wait3A_135 : memref<1x128xi32, #tpu.memory_space<vmem>> -> memref<128xi32, #tpu.memory_space<vmem>>
      %dma_wait3A_137 = arith.constant 0 : i32
      %dma_wait3A_138 = arith.constant 0 : i32
      %dma_wait3A_139 = tpu.memref_slice %arg2[%dma_wait3A_137, %dma_wait3A_138] : memref<10000x64xbf16, #tpu.memory_space<hbm>> -> memref<10000x64xbf16, #tpu.memory_space<hbm>>
      tpu.wait_indirect_dma semaphore(%arg7 : memref<!tpu.dma_semaphore, #tpu.memory_space<semaphore_mem>>) src(%dma_wait3A_139 : memref<10000x64xbf16, #tpu.memory_space<hbm>>) dst(%dma_wait3A_133 : memref<128x64xbf16, #tpu.memory_space<vmem>>)
      %dma_wait3A_140 = arith.constant 384 : i32
      %dma_wait3A_141 = arith.constant 0 : i32
      %dma_wait3A_142 = tpu.memref_slice %arg6[%dma_wait3A_140, %dma_wait3A_141] : memref<1024x64xbf16, #tpu.memory_space<vmem>> -> memref<128x64xbf16, #tpu.memory_space<vmem>>
      %dma_wait3A_143 = arith.constant 0 : i32
      %dma_wait3A_144 = tpu.memref_slice %arg5[%add3A_52, %dma_wait3A_143] : memref<80x128xi32, #tpu.memory_space<vmem>> -> memref<1x128xi32, #tpu.memory_space<vmem>>
      %dma_wait3A_145 = tpu.memref_squeeze %dma_wait3A_144 : memref<1x128xi32, #tpu.memory_space<vmem>> -> memref<128xi32, #tpu.memory_space<vmem>>
      %dma_wait3A_146 = arith.constant 0 : i32
      %dma_wait3A_147 = arith.constant 0 : i32
      %dma_wait3A_148 = tpu.memref_slice %arg2[%dma_wait3A_146, %dma_wait3A_147] : memref<10000x64xbf16, #tpu.memory_space<hbm>> -> memref<10000x64xbf16, #tpu.memory_space<hbm>>
      tpu.wait_indirect_dma semaphore(%arg7 : memref<!tpu.dma_semaphore, #tpu.memory_space<semaphore_mem>>) src(%dma_wait3A_148 : memref<10000x64xbf16, #tpu.memory_space<hbm>>) dst(%dma_wait3A_142 : memref<128x64xbf16, #tpu.memory_space<vmem>>)
      %dma_wait3A_149 = arith.constant 512 : i32
      %dma_wait3A_150 = arith.constant 0 : i32
      %dma_wait3A_151 = tpu.memref_slice %arg6[%dma_wait3A_149, %dma_wait3A_150] : memref<1024x64xbf16, #tpu.memory_space<vmem>> -> memref<128x64xbf16, #tpu.memory_space<vmem>>
      %dma_wait3A_152 = arith.constant 0 : i32
      %dma_wait3A_153 = tpu.memref_slice %arg5[%add3A_65, %dma_wait3A_152] : memref<80x128xi32, #tpu.memory_space<vmem>> -> memref<1x128xi32, #tpu.memory_space<vmem>>
      %dma_wait3A_154 = tpu.memref_squeeze %dma_wait3A_153 : memref<1x128xi32, #tpu.memory_space<vmem>> -> memref<128xi32, #tpu.memory_space<vmem>>
      %dma_wait3A_155 = arith.constant 0 : i32
      %dma_wait3A_156 = arith.constant 0 : i32
      %dma_wait3A_157 = tpu.memref_slice %arg2[%dma_wait3A_155, %dma_wait3A_156] : memref<10000x64xbf16, #tpu.memory_space<hbm>> -> memref<10000x64xbf16, #tpu.memory_space<hbm>>
      tpu.wait_indirect_dma semaphore(%arg7 : memref<!tpu.dma_semaphore, #tpu.memory_space<semaphore_mem>>) src(%dma_wait3A_157 : memref<10000x64xbf16, #tpu.memory_space<hbm>>) dst(%dma_wait3A_151 : memref<128x64xbf16, #tpu.memory_space<vmem>>)
      %dma_wait3A_158 = arith.constant 640 : i32
      %dma_wait3A_159 = arith.constant 0 : i32
      %dma_wait3A_160 = tpu.memref_slice %arg6[%dma_wait3A_158, %dma_wait3A_159] : memref<1024x64xbf16, #tpu.memory_space<vmem>> -> memref<128x64xbf16, #tpu.memory_space<vmem>>
      %dma_wait3A_161 = arith.constant 0 : i32
      %dma_wait3A_162 = tpu.memref_slice %arg5[%add3A_78, %dma_wait3A_161] : memref<80x128xi32, #tpu.memory_space<vmem>> -> memref<1x128xi32, #tpu.memory_space<vmem>>
      %dma_wait3A_163 = tpu.memref_squeeze %dma_wait3A_162 : memref<1x128xi32, #tpu.memory_space<vmem>> -> memref<128xi32, #tpu.memory_space<vmem>>
      %dma_wait3A_164 = arith.constant 0 : i32
      %dma_wait3A_165 = arith.constant 0 : i32
      %dma_wait3A_166 = tpu.memref_slice %arg2[%dma_wait3A_164, %dma_wait3A_165] : memref<10000x64xbf16, #tpu.memory_space<hbm>> -> memref<10000x64xbf16, #tpu.memory_space<hbm>>
      tpu.wait_indirect_dma semaphore(%arg7 : memref<!tpu.dma_semaphore, #tpu.memory_space<semaphore_mem>>) src(%dma_wait3A_166 : memref<10000x64xbf16, #tpu.memory_space<hbm>>) dst(%dma_wait3A_160 : memref<128x64xbf16, #tpu.memory_space<vmem>>)
      %dma_wait3A_167 = arith.constant 768 : i32
      %dma_wait3A_168 = arith.constant 0 : i32
      %dma_wait3A_169 = tpu.memref_slice %arg6[%dma_wait3A_167, %dma_wait3A_168] : memref<1024x64xbf16, #tpu.memory_space<vmem>> -> memref<128x64xbf16, #tpu.memory_space<vmem>>
      %dma_wait3A_170 = arith.constant 0 : i32
      %dma_wait3A_171 = tpu.memref_slice %arg5[%add3A_91, %dma_wait3A_170] : memref<80x128xi32, #tpu.memory_space<vmem>> -> memref<1x128xi32, #tpu.memory_space<vmem>>
      %dma_wait3A_172 = tpu.memref_squeeze %dma_wait3A_171 : memref<1x128xi32, #tpu.memory_space<vmem>> -> memref<128xi32, #tpu.memory_space<vmem>>
      %dma_wait3A_173 = arith.constant 0 : i32
      %dma_wait3A_174 = arith.constant 0 : i32
      %dma_wait3A_175 = tpu.memref_slice %arg2[%dma_wait3A_173, %dma_wait3A_174] : memref<10000x64xbf16, #tpu.memory_space<hbm>> -> memref<10000x64xbf16, #tpu.memory_space<hbm>>
      tpu.wait_indirect_dma semaphore(%arg7 : memref<!tpu.dma_semaphore, #tpu.memory_space<semaphore_mem>>) src(%dma_wait3A_175 : memref<10000x64xbf16, #tpu.memory_space<hbm>>) dst(%dma_wait3A_169 : memref<128x64xbf16, #tpu.memory_space<vmem>>)
      %dma_wait3A_176 = arith.constant 896 : i32
      %dma_wait3A_177 = arith.constant 0 : i32
      %dma_wait3A_178 = tpu.memref_slice %arg6[%dma_wait3A_176, %dma_wait3A_177] : memref<1024x64xbf16, #tpu.memory_space<vmem>> -> memref<128x64xbf16, #tpu.memory_space<vmem>>
      %dma_wait3A_179 = arith.constant 0 : i32
      %dma_wait3A_180 = tpu.memref_slice %arg5[%add3A_104, %dma_wait3A_179] : memref<80x128xi32, #tpu.memory_space<vmem>> -> memref<1x128xi32, #tpu.memory_space<vmem>>
      %dma_wait3A_181 = tpu.memref_squeeze %dma_wait3A_180 : memref<1x128xi32, #tpu.memory_space<vmem>> -> memref<128xi32, #tpu.memory_space<vmem>>
      %dma_wait3A_182 = arith.constant 0 : i32
      %dma_wait3A_183 = arith.constant 0 : i32
      %dma_wait3A_184 = tpu.memref_slice %arg2[%dma_wait3A_182, %dma_wait3A_183] : memref<10000x64xbf16, #tpu.memory_space<hbm>> -> memref<10000x64xbf16, #tpu.memory_space<hbm>>
      tpu.wait_indirect_dma semaphore(%arg7 : memref<!tpu.dma_semaphore, #tpu.memory_space<semaphore_mem>>) src(%dma_wait3A_184 : memref<10000x64xbf16, #tpu.memory_space<hbm>>) dst(%dma_wait3A_178 : memref<128x64xbf16, #tpu.memory_space<vmem>>)
      %mul3A_185 = arith.constant 1024 : i32
      %mul3A_186 = arith.muli %scan3A_10, %mul3A_185 : i32
      %add3A_187 = arith.addi %mul3A_4, %mul3A_186 : i32
      "tpu.region"() ({
        %run_scoped3A = tpu.sem_alloc : memref<!tpu.dma_semaphore, #tpu.memory_space<semaphore_mem>>
        %dma_start3A_188 = arith.constant 0 : i32
        %dma_start3A_189 = tpu.memref_slice %arg4[%add3A_187, %dma_start3A_188] : memref<327680x64xbf16, #tpu.memory_space<hbm>> -> memref<1024x64xbf16, #tpu.memory_space<hbm>>
        %dma_start3A_190 = arith.constant 0 : i32
        %dma_start3A_191 = tpu.memref_slice %arg4[%add3A_187, %dma_start3A_190] : memref<327680x64xbf16, #tpu.memory_space<hbm>> -> memref<1024x64xbf16, #tpu.memory_space<hbm>>
        tpu.enqueue_dma source(%arg6 : memref<1024x64xbf16, #tpu.memory_space<vmem>>) target(%dma_start3A_191 : memref<1024x64xbf16, #tpu.memory_space<hbm>>) target_semaphore(%run_scoped3A : memref<!tpu.dma_semaphore, #tpu.memory_space<semaphore_mem>>)
        %dma_wait3A_192 = arith.constant 0 : i32
        %dma_wait3A_193 = tpu.memref_slice %arg4[%add3A_187, %dma_wait3A_192] : memref<327680x64xbf16, #tpu.memory_space<hbm>> -> memref<1024x64xbf16, #tpu.memory_space<hbm>>
        %dma_wait3A_194 = arith.constant 0 : i32
        %dma_wait3A_195 = tpu.memref_slice %arg4[%add3A_187, %dma_wait3A_194] : memref<327680x64xbf16, #tpu.memory_space<hbm>> -> memref<1024x64xbf16, #tpu.memory_space<hbm>>
        tpu.wait_dma2 semaphore(%run_scoped3A : memref<!tpu.dma_semaphore, #tpu.memory_space<semaphore_mem>>) src(%arg6 : memref<1024x64xbf16, #tpu.memory_space<vmem>>) dst(%dma_wait3A_195 : memref<1024x64xbf16, #tpu.memory_space<hbm>>)
        tpu.yield
      }) : () -> ()
    }
    %scan3A_9 = arith.constant 10 : i32
    return
  }
}

#map = affine_map<(d0, d1) -> (0, 0)>
#map1 = affine_map<(d0, d1) -> (0, 0, 0)>
module attributes {stable_mosaic.version = 14 : i64} {
  func.func @k(%arg0: i32, %arg1: i32, %arg2: memref<10000x16xf32, #tpu.memory_space<hbm>>, %arg3: memref<32x80x128xi32, #tpu.memory_space<hbm>>, %arg4: memref<327680x16xf32, #tpu.memory_space<hbm>>, %arg5: memref<80x128xi32, #tpu.memory_space<vmem>>, %arg6: memref<1024x16xf32, #tpu.memory_space<vmem>>, %arg7: memref<!tpu.dma_semaphore, #tpu.memory_space<semaphore_mem>>) attributes {dimension_semantics = [#tpu.dimension_semantics<core_parallel>, #tpu.dimension_semantics<subcore_parallel>], iteration_bounds = array<i64: 2, 16>, scalar_prefetch = 0 : i64, scratch_operands = 3 : i64, tpu.core_type = #tpu.core_type<sc_vector_subcore>, window_params = [{transform_indices = #map}, {transform_indices = #map1}, {transform_indices = #map}]} {
    %mul3A = arith.constant 2 : i32
    %mul3A_0 = arith.muli %arg1, %mul3A : i32
    %add3A = arith.addi %mul3A_0, %arg0 : i32
    %mul3A_1 = arith.constant 80 : i32
    %mul3A_2 = arith.muli %add3A, %mul3A_1 : i32
    %mul3A_3 = arith.constant 128 : i32
    %mul3A_4 = arith.muli %mul3A_2, %mul3A_3 : i32
    "tpu.region"() ({
      %run_scoped3A = tpu.sem_alloc : memref<!tpu.dma_semaphore, #tpu.memory_space<semaphore_mem>>
      %dma_start3A = arith.constant 0 : i32
      %dma_start3A_10 = arith.constant 0 : i32
      %dma_start3A_11 = tpu.memref_slice %arg3[%add3A, %dma_start3A, %dma_start3A_10] : memref<32x80x128xi32, #tpu.memory_space<hbm>> -> memref<1x80x128xi32, #tpu.memory_space<hbm>>
      %dma_start3A_12 = tpu.memref_squeeze %dma_start3A_11 : memref<1x80x128xi32, #tpu.memory_space<hbm>> -> memref<80x128xi32, #tpu.memory_space<hbm>>
      %dma_start3A_13 = arith.constant 0 : i32
      %dma_start3A_14 = arith.constant 0 : i32
      %dma_start3A_15 = tpu.memref_slice %arg3[%add3A, %dma_start3A_13, %dma_start3A_14] : memref<32x80x128xi32, #tpu.memory_space<hbm>> -> memref<1x80x128xi32, #tpu.memory_space<hbm>>
      %dma_start3A_16 = tpu.memref_squeeze %dma_start3A_15 : memref<1x80x128xi32, #tpu.memory_space<hbm>> -> memref<80x128xi32, #tpu.memory_space<hbm>>
      tpu.enqueue_dma source(%dma_start3A_16 : memref<80x128xi32, #tpu.memory_space<hbm>>) target(%arg5 : memref<80x128xi32, #tpu.memory_space<vmem>>) target_semaphore(%run_scoped3A : memref<!tpu.dma_semaphore, #tpu.memory_space<semaphore_mem>>)
      %dma_wait3A = arith.constant 0 : i32
      %dma_wait3A_17 = arith.constant 0 : i32
      %dma_wait3A_18 = tpu.memref_slice %arg3[%add3A, %dma_wait3A, %dma_wait3A_17] : memref<32x80x128xi32, #tpu.memory_space<hbm>> -> memref<1x80x128xi32, #tpu.memory_space<hbm>>
      %dma_wait3A_19 = tpu.memref_squeeze %dma_wait3A_18 : memref<1x80x128xi32, #tpu.memory_space<hbm>> -> memref<80x128xi32, #tpu.memory_space<hbm>>
      %dma_wait3A_20 = arith.constant 0 : i32
      %dma_wait3A_21 = arith.constant 0 : i32
      %dma_wait3A_22 = tpu.memref_slice %arg3[%add3A, %dma_wait3A_20, %dma_wait3A_21] : memref<32x80x128xi32, #tpu.memory_space<hbm>> -> memref<1x80x128xi32, #tpu.memory_space<hbm>>
      %dma_wait3A_23 = tpu.memref_squeeze %dma_wait3A_22 : memref<1x80x128xi32, #tpu.memory_space<hbm>> -> memref<80x128xi32, #tpu.memory_space<hbm>>
      tpu.wait_dma2 semaphore(%run_scoped3A : memref<!tpu.dma_semaphore, #tpu.memory_space<semaphore_mem>>) src(%dma_wait3A_23 : memref<80x128xi32, #tpu.memory_space<hbm>>) dst(%arg5 : memref<80x128xi32, #tpu.memory_space<vmem>>)
      tpu.yield
    }) : () -> ()
    %scan3A = arith.constant 0 : i32
    %scan3A_5 = arith.constant 0 : i32
    %scan3A_6 = arith.constant 10 : i32
    %scan3A_7 = arith.addi %scan3A_5, %scan3A_6 : i32
    %scan3A_8 = arith.constant 1 : i32
    scf.for %scan3A_10 = %scan3A_5 to %scan3A_7 step %scan3A_8  : i32 {
      %mul3A_11 = arith.constant 8 : i32
      %mul3A_12 = arith.muli %scan3A_10, %mul3A_11 : i32
      %add3A_13 = arith.constant 0 : i32
      %add3A_14 = arith.addi %mul3A_12, %add3A_13 : i32
      %dma_start3A = arith.constant 0 : i32
      %dma_start3A_15 = arith.constant 0 : i32
      %dma_start3A_16 = tpu.memref_slice %arg6[%dma_start3A, %dma_start3A_15] : memref<1024x16xf32, #tpu.memory_space<vmem>> -> memref<128x16xf32, #tpu.memory_space<vmem>>
      %dma_start3A_17 = arith.constant 0 : i32
      %dma_start3A_18 = tpu.memref_slice %arg5[%add3A_14, %dma_start3A_17] : memref<80x128xi32, #tpu.memory_space<vmem>> -> memref<1x128xi32, #tpu.memory_space<vmem>>
      %dma_start3A_19 = tpu.memref_squeeze %dma_start3A_18 : memref<1x128xi32, #tpu.memory_space<vmem>> -> memref<128xi32, #tpu.memory_space<vmem>>
      %dma_start3A_20 = arith.constant 0 : i32
      %dma_start3A_21 = arith.constant 0 : i32
      %dma_start3A_22 = tpu.memref_slice %arg2[%dma_start3A_20, %dma_start3A_21] : memref<10000x16xf32, #tpu.memory_space<hbm>> -> memref<10000x16xf32, #tpu.memory_space<hbm>>
      tpu.enqueue_indirect_dma source(%dma_start3A_22 : memref<10000x16xf32, #tpu.memory_space<hbm>>) target(%dma_start3A_16 : memref<128x16xf32, #tpu.memory_space<vmem>>) offsets(%dma_start3A_19 : memref<128xi32, #tpu.memory_space<vmem>>) semaphore(%arg7 : memref<!tpu.dma_semaphore, #tpu.memory_space<semaphore_mem>>)
      %mul3A_23 = arith.constant 8 : i32
      %mul3A_24 = arith.muli %scan3A_10, %mul3A_23 : i32
      %add3A_25 = arith.constant 1 : i32
      %add3A_26 = arith.addi %mul3A_24, %add3A_25 : i32
      %dma_start3A_27 = arith.constant 128 : i32
      %dma_start3A_28 = arith.constant 0 : i32
      %dma_start3A_29 = tpu.memref_slice %arg6[%dma_start3A_27, %dma_start3A_28] : memref<1024x16xf32, #tpu.memory_space<vmem>> -> memref<128x16xf32, #tpu.memory_space<vmem>>
      %dma_start3A_30 = arith.constant 0 : i32
      %dma_start3A_31 = tpu.memref_slice %arg5[%add3A_26, %dma_start3A_30] : memref<80x128xi32, #tpu.memory_space<vmem>> -> memref<1x128xi32, #tpu.memory_space<vmem>>
      %dma_start3A_32 = tpu.memref_squeeze %dma_start3A_31 : memref<1x128xi32, #tpu.memory_space<vmem>> -> memref<128xi32, #tpu.memory_space<vmem>>
      %dma_start3A_33 = arith.constant 0 : i32
      %dma_start3A_34 = arith.constant 0 : i32
      %dma_start3A_35 = tpu.memref_slice %arg2[%dma_start3A_33, %dma_start3A_34] : memref<10000x16xf32, #tpu.memory_space<hbm>> -> memref<10000x16xf32, #tpu.memory_space<hbm>>
      tpu.enqueue_indirect_dma source(%dma_start3A_35 : memref<10000x16xf32, #tpu.memory_space<hbm>>) target(%dma_start3A_29 : memref<128x16xf32, #tpu.memory_space<vmem>>) offsets(%dma_start3A_32 : memref<128xi32, #tpu.memory_space<vmem>>) semaphore(%arg7 : memref<!tpu.dma_semaphore, #tpu.memory_space<semaphore_mem>>)
      %mul3A_36 = arith.constant 8 : i32
      %mul3A_37 = arith.muli %scan3A_10, %mul3A_36 : i32
      %add3A_38 = arith.constant 2 : i32
      %add3A_39 = arith.addi %mul3A_37, %add3A_38 : i32
      %dma_start3A_40 = arith.constant 256 : i32
      %dma_start3A_41 = arith.constant 0 : i32
      %dma_start3A_42 = tpu.memref_slice %arg6[%dma_start3A_40, %dma_start3A_41] : memref<1024x16xf32, #tpu.memory_space<vmem>> -> memref<128x16xf32, #tpu.memory_space<vmem>>
      %dma_start3A_43 = arith.constant 0 : i32
      %dma_start3A_44 = tpu.memref_slice %arg5[%add3A_39, %dma_start3A_43] : memref<80x128xi32, #tpu.memory_space<vmem>> -> memref<1x128xi32, #tpu.memory_space<vmem>>
      %dma_start3A_45 = tpu.memref_squeeze %dma_start3A_44 : memref<1x128xi32, #tpu.memory_space<vmem>> -> memref<128xi32, #tpu.memory_space<vmem>>
      %dma_start3A_46 = arith.constant 0 : i32
      %dma_start3A_47 = arith.constant 0 : i32
      %dma_start3A_48 = tpu.memref_slice %arg2[%dma_start3A_46, %dma_start3A_47] : memref<10000x16xf32, #tpu.memory_space<hbm>> -> memref<10000x16xf32, #tpu.memory_space<hbm>>
      tpu.enqueue_indirect_dma source(%dma_start3A_48 : memref<10000x16xf32, #tpu.memory_space<hbm>>) target(%dma_start3A_42 : memref<128x16xf32, #tpu.memory_space<vmem>>) offsets(%dma_start3A_45 : memref<128xi32, #tpu.memory_space<vmem>>) semaphore(%arg7 : memref<!tpu.dma_semaphore, #tpu.memory_space<semaphore_mem>>)
      %mul3A_49 = arith.constant 8 : i32
      %mul3A_50 = arith.muli %scan3A_10, %mul3A_49 : i32
      %add3A_51 = arith.constant 3 : i32
      %add3A_52 = arith.addi %mul3A_50, %add3A_51 : i32
      %dma_start3A_53 = arith.constant 384 : i32
      %dma_start3A_54 = arith.constant 0 : i32
      %dma_start3A_55 = tpu.memref_slice %arg6[%dma_start3A_53, %dma_start3A_54] : memref<1024x16xf32, #tpu.memory_space<vmem>> -> memref<128x16xf32, #tpu.memory_space<vmem>>
      %dma_start3A_56 = arith.constant 0 : i32
      %dma_start3A_57 = tpu.memref_slice %arg5[%add3A_52, %dma_start3A_56] : memref<80x128xi32, #tpu.memory_space<vmem>> -> memref<1x128xi32, #tpu.memory_space<vmem>>
      %dma_start3A_58 = tpu.memref_squeeze %dma_start3A_57 : memref<1x128xi32, #tpu.memory_space<vmem>> -> memref<128xi32, #tpu.memory_space<vmem>>
      %dma_start3A_59 = arith.constant 0 : i32
      %dma_start3A_60 = arith.constant 0 : i32
      %dma_start3A_61 = tpu.memref_slice %arg2[%dma_start3A_59, %dma_start3A_60] : memref<10000x16xf32, #tpu.memory_space<hbm>> -> memref<10000x16xf32, #tpu.memory_space<hbm>>
      tpu.enqueue_indirect_dma source(%dma_start3A_61 : memref<10000x16xf32, #tpu.memory_space<hbm>>) target(%dma_start3A_55 : memref<128x16xf32, #tpu.memory_space<vmem>>) offsets(%dma_start3A_58 : memref<128xi32, #tpu.memory_space<vmem>>) semaphore(%arg7 : memref<!tpu.dma_semaphore, #tpu.memory_space<semaphore_mem>>)
      %mul3A_62 = arith.constant 8 : i32
      %mul3A_63 = arith.muli %scan3A_10, %mul3A_62 : i32
      %add3A_64 = arith.constant 4 : i32
      %add3A_65 = arith.addi %mul3A_63, %add3A_64 : i32
      %dma_start3A_66 = arith.constant 512 : i32
      %dma_start3A_67 = arith.constant 0 : i32
      %dma_start3A_68 = tpu.memref_slice %arg6[%dma_start3A_66, %dma_start3A_67] : memref<1024x16xf32, #tpu.memory_space<vmem>> -> memref<128x16xf32, #tpu.memory_space<vmem>>
      %dma_start3A_69 = arith.constant 0 : i32
      %dma_start3A_70 = tpu.memref_slice %arg5[%add3A_65, %dma_start3A_69] : memref<80x128xi32, #tpu.memory_space<vmem>> -> memref<1x128xi32, #tpu.memory_space<vmem>>
      %dma_start3A_71 = tpu.memref_squeeze %dma_start3A_70 : memref<1x128xi32, #tpu.memory_space<vmem>> -> memref<128xi32, #tpu.memory_space<vmem>>
      %dma_start3A_72 = arith.constant 0 : i32
      %dma_start3A_73 = arith.constant 0 : i32
      %dma_start3A_74 = tpu.memref_slice %arg2[%dma_start3A_72, %dma_start3A_73] : memref<10000x16xf32, #tpu.memory_space<hbm>> -> memref<10000x16xf32, #tpu.memory_space<hbm>>
      tpu.enqueue_indirect_dma source(%dma_start3A_74 : memref<10000x16xf32, #tpu.memory_space<hbm>>) target(%dma_start3A_68 : memref<128x16xf32, #tpu.memory_space<vmem>>) offsets(%dma_start3A_71 : memref<128xi32, #tpu.memory_space<vmem>>) semaphore(%arg7 : memref<!tpu.dma_semaphore, #tpu.memory_space<semaphore_mem>>)
      %mul3A_75 = arith.constant 8 : i32
      %mul3A_76 = arith.muli %scan3A_10, %mul3A_75 : i32
      %add3A_77 = arith.constant 5 : i32
      %add3A_78 = arith.addi %mul3A_76, %add3A_77 : i32
      %dma_start3A_79 = arith.constant 640 : i32
      %dma_start3A_80 = arith.constant 0 : i32
      %dma_start3A_81 = tpu.memref_slice %arg6[%dma_start3A_79, %dma_start3A_80] : memref<1024x16xf32, #tpu.memory_space<vmem>> -> memref<128x16xf32, #tpu.memory_space<vmem>>
      %dma_start3A_82 = arith.constant 0 : i32
      %dma_start3A_83 = tpu.memref_slice %arg5[%add3A_78, %dma_start3A_82] : memref<80x128xi32, #tpu.memory_space<vmem>> -> memref<1x128xi32, #tpu.memory_space<vmem>>
      %dma_start3A_84 = tpu.memref_squeeze %dma_start3A_83 : memref<1x128xi32, #tpu.memory_space<vmem>> -> memref<128xi32, #tpu.memory_space<vmem>>
      %dma_start3A_85 = arith.constant 0 : i32
      %dma_start3A_86 = arith.constant 0 : i32
      %dma_start3A_87 = tpu.memref_slice %arg2[%dma_start3A_85, %dma_start3A_86] : memref<10000x16xf32, #tpu.memory_space<hbm>> -> memref<10000x16xf32, #tpu.memory_space<hbm>>
      tpu.enqueue_indirect_dma source(%dma_start3A_87 : memref<10000x16xf32, #tpu.memory_space<hbm>>) target(%dma_start3A_81 : memref<128x16xf32, #tpu.memory_space<vmem>>) offsets(%dma_start3A_84 : memref<128xi32, #tpu.memory_space<vmem>>) semaphore(%arg7 : memref<!tpu.dma_semaphore, #tpu.memory_space<semaphore_mem>>)
      %mul3A_88 = arith.constant 8 : i32
      %mul3A_89 = arith.muli %scan3A_10, %mul3A_88 : i32
      %add3A_90 = arith.constant 6 : i32
      %add3A_91 = arith.addi %mul3A_89, %add3A_90 : i32
      %dma_start3A_92 = arith.constant 768 : i32
      %dma_start3A_93 = arith.constant 0 : i32
      %dma_start3A_94 = tpu.memref_slice %arg6[%dma_start3A_92, %dma_start3A_93] : memref<1024x16xf32, #tpu.memory_space<vmem>> -> memref<128x16xf32, #tpu.memory_space<vmem>>
      %dma_start3A_95 = arith.constant 0 : i32
      %dma_start3A_96 = tpu.memref_slice %arg5[%add3A_91, %dma_start3A_95] : memref<80x128xi32, #tpu.memory_space<vmem>> -> memref<1x128xi32, #tpu.memory_space<vmem>>
      %dma_start3A_97 = tpu.memref_squeeze %dma_start3A_96 : memref<1x128xi32, #tpu.memory_space<vmem>> -> memref<128xi32, #tpu.memory_space<vmem>>
      %dma_start3A_98 = arith.constant 0 : i32
      %dma_start3A_99 = arith.constant 0 : i32
      %dma_start3A_100 = tpu.memref_slice %arg2[%dma_start3A_98, %dma_start3A_99] : memref<10000x16xf32, #tpu.memory_space<hbm>> -> memref<10000x16xf32, #tpu.memory_space<hbm>>
      tpu.enqueue_indirect_dma source(%dma_start3A_100 : memref<10000x16xf32, #tpu.memory_space<hbm>>) target(%dma_start3A_94 : memref<128x16xf32, #tpu.memory_space<vmem>>) offsets(%dma_start3A_97 : memref<128xi32, #tpu.memory_space<vmem>>) semaphore(%arg7 : memref<!tpu.dma_semaphore, #tpu.memory_space<semaphore_mem>>)
      %mul3A_101 = arith.constant 8 : i32
      %mul3A_102 = arith.muli %scan3A_10, %mul3A_101 : i32
      %add3A_103 = arith.constant 7 : i32
      %add3A_104 = arith.addi %mul3A_102, %add3A_103 : i32
      %dma_start3A_105 = arith.constant 896 : i32
      %dma_start3A_106 = arith.constant 0 : i32
      %dma_start3A_107 = tpu.memref_slice %arg6[%dma_start3A_105, %dma_start3A_106] : memref<1024x16xf32, #tpu.memory_space<vmem>> -> memref<128x16xf32, #tpu.memory_space<vmem>>
      %dma_start3A_108 = arith.constant 0 : i32
      %dma_start3A_109 = tpu.memref_slice %arg5[%add3A_104, %dma_start3A_108] : memref<80x128xi32, #tpu.memory_space<vmem>> -> memref<1x128xi32, #tpu.memory_space<vmem>>
      %dma_start3A_110 = tpu.memref_squeeze %dma_start3A_109 : memref<1x128xi32, #tpu.memory_space<vmem>> -> memref<128xi32, #tpu.memory_space<vmem>>
      %dma_start3A_111 = arith.constant 0 : i32
      %dma_start3A_112 = arith.constant 0 : i32
      %dma_start3A_113 = tpu.memref_slice %arg2[%dma_start3A_111, %dma_start3A_112] : memref<10000x16xf32, #tpu.memory_space<hbm>> -> memref<10000x16xf32, #tpu.memory_space<hbm>>
      tpu.enqueue_indirect_dma source(%dma_start3A_113 : memref<10000x16xf32, #tpu.memory_space<hbm>>) target(%dma_start3A_107 : memref<128x16xf32, #tpu.memory_space<vmem>>) offsets(%dma_start3A_110 : memref<128xi32, #tpu.memory_space<vmem>>) semaphore(%arg7 : memref<!tpu.dma_semaphore, #tpu.memory_space<semaphore_mem>>)
      %dma_wait3A = arith.constant 0 : i32
      %dma_wait3A_114 = arith.constant 0 : i32
      %dma_wait3A_115 = tpu.memref_slice %arg6[%dma_wait3A, %dma_wait3A_114] : memref<1024x16xf32, #tpu.memory_space<vmem>> -> memref<128x16xf32, #tpu.memory_space<vmem>>
      %dma_wait3A_116 = arith.constant 0 : i32
      %dma_wait3A_117 = tpu.memref_slice %arg5[%add3A_14, %dma_wait3A_116] : memref<80x128xi32, #tpu.memory_space<vmem>> -> memref<1x128xi32, #tpu.memory_space<vmem>>
      %dma_wait3A_118 = tpu.memref_squeeze %dma_wait3A_117 : memref<1x128xi32, #tpu.memory_space<vmem>> -> memref<128xi32, #tpu.memory_space<vmem>>
      %dma_wait3A_119 = arith.constant 0 : i32
      %dma_wait3A_120 = arith.constant 0 : i32
      %dma_wait3A_121 = tpu.memref_slice %arg2[%dma_wait3A_119, %dma_wait3A_120] : memref<10000x16xf32, #tpu.memory_space<hbm>> -> memref<10000x16xf32, #tpu.memory_space<hbm>>
      tpu.wait_indirect_dma semaphore(%arg7 : memref<!tpu.dma_semaphore, #tpu.memory_space<semaphore_mem>>) src(%dma_wait3A_121 : memref<10000x16xf32, #tpu.memory_space<hbm>>) dst(%dma_wait3A_115 : memref<128x16xf32, #tpu.memory_space<vmem>>)
      %dma_wait3A_122 = arith.constant 128 : i32
      %dma_wait3A_123 = arith.constant 0 : i32
      %dma_wait3A_124 = tpu.memref_slice %arg6[%dma_wait3A_122, %dma_wait3A_123] : memref<1024x16xf32, #tpu.memory_space<vmem>> -> memref<128x16xf32, #tpu.memory_space<vmem>>
      %dma_wait3A_125 = arith.constant 0 : i32
      %dma_wait3A_126 = tpu.memref_slice %arg5[%add3A_26, %dma_wait3A_125] : memref<80x128xi32, #tpu.memory_space<vmem>> -> memref<1x128xi32, #tpu.memory_space<vmem>>
      %dma_wait3A_127 = tpu.memref_squeeze %dma_wait3A_126 : memref<1x128xi32, #tpu.memory_space<vmem>> -> memref<128xi32, #tpu.memory_space<vmem>>
      %dma_wait3A_128 = arith.constant 0 : i32
      %dma_wait3A_129 = arith.constant 0 : i32
      %dma_wait3A_130 = tpu.memref_slice %arg2[%dma_wait3A_128, %dma_wait3A_129] : memref<10000x16xf32, #tpu.memory_space<hbm>> -> memref<10000x16xf32, #tpu.memory_space<hbm>>
      tpu.wait_indirect_dma semaphore(%arg7 : memref<!tpu.dma_semaphore, #tpu.memory_space<semaphore_mem>>) src(%dma_wait3A_130 : memref<10000x16xf32, #tpu.memory_space<hbm>>) dst(%dma_wait3A_124 : memref<128x16xf32, #tpu.memory_space<vmem>>)
      %dma_wait3A_131 = arith.constant 256 : i32
      %dma_wait3A_132 = arith.constant 0 : i32
      %dma_wait3A_133 = tpu.memref_slice %arg6[%dma_wait3A_131, %dma_wait3A_132] : memref<1024x16xf32, #tpu.memory_space<vmem>> -> memref<128x16xf32, #tpu.memory_space<vmem>>
      %dma_wait3A_134 = arith.constant 0 : i32
      %dma_wait3A_135 = tpu.memref_slice %arg5[%add3A_39, %dma_wait3A_134] : memref<80x128xi32, #tpu.memory_space<vmem>> -> memref<1x128xi32, #tpu.memory_space<vmem>>
      %dma_wait3A_136 = tpu.memref_squeeze %dma_wait3A_135 : memref<1x128xi32, #tpu.memory_space<vmem>> -> memref<128xi32, #tpu.memory_space<vmem>>
      %dma_wait3A_137 = arith.constant 0 : i32
      %dma_wait3A_138 = arith.constant 0 : i32
      %dma_wait3A_139 = tpu.memref_slice %arg2[%dma_wait3A_137, %dma_wait3A_138] : memref<10000x16xf32, #tpu.memory_space<hbm>> -> memref<10000x16xf32, #tpu.memory_space<hbm>>
      tpu.wait_indirect_dma semaphore(%arg7 : memref<!tpu.dma_semaphore, #tpu.memory_space<semaphore_mem>>) src(%dma_wait3A_139 : memref<10000x16xf32, #tpu.memory_space<hbm>>) dst(%dma_wait3A_133 : memref<128x16xf32, #tpu.memory_space<vmem>>)
      %dma_wait3A_140 = arith.constant 384 : i32
      %dma_wait3A_141 = arith.constant 0 : i32
      %dma_wait3A_142 = tpu.memref_slice %arg6[%dma_wait3A_140, %dma_wait3A_141] : memref<1024x16xf32, #tpu.memory_space<vmem>> -> memref<128x16xf32, #tpu.memory_space<vmem>>
      %dma_wait3A_143 = arith.constant 0 : i32
      %dma_wait3A_144 = tpu.memref_slice %arg5[%add3A_52, %dma_wait3A_143] : memref<80x128xi32, #tpu.memory_space<vmem>> -> memref<1x128xi32, #tpu.memory_space<vmem>>
      %dma_wait3A_145 = tpu.memref_squeeze %dma_wait3A_144 : memref<1x128xi32, #tpu.memory_space<vmem>> -> memref<128xi32, #tpu.memory_space<vmem>>
      %dma_wait3A_146 = arith.constant 0 : i32
      %dma_wait3A_147 = arith.constant 0 : i32
      %dma_wait3A_148 = tpu.memref_slice %arg2[%dma_wait3A_146, %dma_wait3A_147] : memref<10000x16xf32, #tpu.memory_space<hbm>> -> memref<10000x16xf32, #tpu.memory_space<hbm>>
      tpu.wait_indirect_dma semaphore(%arg7 : memref<!tpu.dma_semaphore, #tpu.memory_space<semaphore_mem>>) src(%dma_wait3A_148 : memref<10000x16xf32, #tpu.memory_space<hbm>>) dst(%dma_wait3A_142 : memref<128x16xf32, #tpu.memory_space<vmem>>)
      %dma_wait3A_149 = arith.constant 512 : i32
      %dma_wait3A_150 = arith.constant 0 : i32
      %dma_wait3A_151 = tpu.memref_slice %arg6[%dma_wait3A_149, %dma_wait3A_150] : memref<1024x16xf32, #tpu.memory_space<vmem>> -> memref<128x16xf32, #tpu.memory_space<vmem>>
      %dma_wait3A_152 = arith.constant 0 : i32
      %dma_wait3A_153 = tpu.memref_slice %arg5[%add3A_65, %dma_wait3A_152] : memref<80x128xi32, #tpu.memory_space<vmem>> -> memref<1x128xi32, #tpu.memory_space<vmem>>
      %dma_wait3A_154 = tpu.memref_squeeze %dma_wait3A_153 : memref<1x128xi32, #tpu.memory_space<vmem>> -> memref<128xi32, #tpu.memory_space<vmem>>
      %dma_wait3A_155 = arith.constant 0 : i32
      %dma_wait3A_156 = arith.constant 0 : i32
      %dma_wait3A_157 = tpu.memref_slice %arg2[%dma_wait3A_155, %dma_wait3A_156] : memref<10000x16xf32, #tpu.memory_space<hbm>> -> memref<10000x16xf32, #tpu.memory_space<hbm>>
      tpu.wait_indirect_dma semaphore(%arg7 : memref<!tpu.dma_semaphore, #tpu.memory_space<semaphore_mem>>) src(%dma_wait3A_157 : memref<10000x16xf32, #tpu.memory_space<hbm>>) dst(%dma_wait3A_151 : memref<128x16xf32, #tpu.memory_space<vmem>>)
      %dma_wait3A_158 = arith.constant 640 : i32
      %dma_wait3A_159 = arith.constant 0 : i32
      %dma_wait3A_160 = tpu.memref_slice %arg6[%dma_wait3A_158, %dma_wait3A_159] : memref<1024x16xf32, #tpu.memory_space<vmem>> -> memref<128x16xf32, #tpu.memory_space<vmem>>
      %dma_wait3A_161 = arith.constant 0 : i32
      %dma_wait3A_162 = tpu.memref_slice %arg5[%add3A_78, %dma_wait3A_161] : memref<80x128xi32, #tpu.memory_space<vmem>> -> memref<1x128xi32, #tpu.memory_space<vmem>>
      %dma_wait3A_163 = tpu.memref_squeeze %dma_wait3A_162 : memref<1x128xi32, #tpu.memory_space<vmem>> -> memref<128xi32, #tpu.memory_space<vmem>>
      %dma_wait3A_164 = arith.constant 0 : i32
      %dma_wait3A_165 = arith.constant 0 : i32
      %dma_wait3A_166 = tpu.memref_slice %arg2[%dma_wait3A_164, %dma_wait3A_165] : memref<10000x16xf32, #tpu.memory_space<hbm>> -> memref<10000x16xf32, #tpu.memory_space<hbm>>
      tpu.wait_indirect_dma semaphore(%arg7 : memref<!tpu.dma_semaphore, #tpu.memory_space<semaphore_mem>>) src(%dma_wait3A_166 : memref<10000x16xf32, #tpu.memory_space<hbm>>) dst(%dma_wait3A_160 : memref<128x16xf32, #tpu.memory_space<vmem>>)
      %dma_wait3A_167 = arith.constant 768 : i32
      %dma_wait3A_168 = arith.constant 0 : i32
      %dma_wait3A_169 = tpu.memref_slice %arg6[%dma_wait3A_167, %dma_wait3A_168] : memref<1024x16xf32, #tpu.memory_space<vmem>> -> memref<128x16xf32, #tpu.memory_space<vmem>>
      %dma_wait3A_170 = arith.constant 0 : i32
      %dma_wait3A_171 = tpu.memref_slice %arg5[%add3A_91, %dma_wait3A_170] : memref<80x128xi32, #tpu.memory_space<vmem>> -> memref<1x128xi32, #tpu.memory_space<vmem>>
      %dma_wait3A_172 = tpu.memref_squeeze %dma_wait3A_171 : memref<1x128xi32, #tpu.memory_space<vmem>> -> memref<128xi32, #tpu.memory_space<vmem>>
      %dma_wait3A_173 = arith.constant 0 : i32
      %dma_wait3A_174 = arith.constant 0 : i32
      %dma_wait3A_175 = tpu.memref_slice %arg2[%dma_wait3A_173, %dma_wait3A_174] : memref<10000x16xf32, #tpu.memory_space<hbm>> -> memref<10000x16xf32, #tpu.memory_space<hbm>>
      tpu.wait_indirect_dma semaphore(%arg7 : memref<!tpu.dma_semaphore, #tpu.memory_space<semaphore_mem>>) src(%dma_wait3A_175 : memref<10000x16xf32, #tpu.memory_space<hbm>>) dst(%dma_wait3A_169 : memref<128x16xf32, #tpu.memory_space<vmem>>)
      %dma_wait3A_176 = arith.constant 896 : i32
      %dma_wait3A_177 = arith.constant 0 : i32
      %dma_wait3A_178 = tpu.memref_slice %arg6[%dma_wait3A_176, %dma_wait3A_177] : memref<1024x16xf32, #tpu.memory_space<vmem>> -> memref<128x16xf32, #tpu.memory_space<vmem>>
      %dma_wait3A_179 = arith.constant 0 : i32
      %dma_wait3A_180 = tpu.memref_slice %arg5[%add3A_104, %dma_wait3A_179] : memref<80x128xi32, #tpu.memory_space<vmem>> -> memref<1x128xi32, #tpu.memory_space<vmem>>
      %dma_wait3A_181 = tpu.memref_squeeze %dma_wait3A_180 : memref<1x128xi32, #tpu.memory_space<vmem>> -> memref<128xi32, #tpu.memory_space<vmem>>
      %dma_wait3A_182 = arith.constant 0 : i32
      %dma_wait3A_183 = arith.constant 0 : i32
      %dma_wait3A_184 = tpu.memref_slice %arg2[%dma_wait3A_182, %dma_wait3A_183] : memref<10000x16xf32, #tpu.memory_space<hbm>> -> memref<10000x16xf32, #tpu.memory_space<hbm>>
      tpu.wait_indirect_dma semaphore(%arg7 : memref<!tpu.dma_semaphore, #tpu.memory_space<semaphore_mem>>) src(%dma_wait3A_184 : memref<10000x16xf32, #tpu.memory_space<hbm>>) dst(%dma_wait3A_178 : memref<128x16xf32, #tpu.memory_space<vmem>>)
      %mul3A_185 = arith.constant 1024 : i32
      %mul3A_186 = arith.muli %scan3A_10, %mul3A_185 : i32
      %add3A_187 = arith.addi %mul3A_4, %mul3A_186 : i32
      "tpu.region"() ({
        %run_scoped3A = tpu.sem_alloc : memref<!tpu.dma_semaphore, #tpu.memory_space<semaphore_mem>>
        %dma_start3A_188 = arith.constant 0 : i32
        %dma_start3A_189 = tpu.memref_slice %arg4[%add3A_187, %dma_start3A_188] : memref<327680x16xf32, #tpu.memory_space<hbm>> -> memref<1024x16xf32, #tpu.memory_space<hbm>>
        %dma_start3A_190 = arith.constant 0 : i32
        %dma_start3A_191 = tpu.memref_slice %arg4[%add3A_187, %dma_start3A_190] : memref<327680x16xf32, #tpu.memory_space<hbm>> -> memref<1024x16xf32, #tpu.memory_space<hbm>>
        tpu.enqueue_dma source(%arg6 : memref<1024x16xf32, #tpu.memory_space<vmem>>) target(%dma_start3A_191 : memref<1024x16xf32, #tpu.memory_space<hbm>>) target_semaphore(%run_scoped3A : memref<!tpu.dma_semaphore, #tpu.memory_space<semaphore_mem>>)
        %dma_wait3A_192 = arith.constant 0 : i32
        %dma_wait3A_193 = tpu.memref_slice %arg4[%add3A_187, %dma_wait3A_192] : memref<327680x16xf32, #tpu.memory_space<hbm>> -> memref<1024x16xf32, #tpu.memory_space<hbm>>
        %dma_wait3A_194 = arith.constant 0 : i32
        %dma_wait3A_195 = tpu.memref_slice %arg4[%add3A_187, %dma_wait3A_194] : memref<327680x16xf32, #tpu.memory_space<hbm>> -> memref<1024x16xf32, #tpu.memory_space<hbm>>
        tpu.wait_dma2 semaphore(%run_scoped3A : memref<!tpu.dma_semaphore, #tpu.memory_space<semaphore_mem>>) src(%arg6 : memref<1024x16xf32, #tpu.memory_space<vmem>>) dst(%dma_wait3A_195 : memref<1024x16xf32, #tpu.memory_space<hbm>>)
        tpu.yield
      }) : () -> ()
    }
    %scan3A_9 = arith.constant 10 : i32
    return
  }
}

#map = affine_map<(d0, d1) -> (0, 0)>
#map1 = affine_map<(d0, d1) -> (0, 0, 0)>
module attributes {stable_mosaic.version = 14 : i64} {
  func.func @k(%arg0: i32, %arg1: i32, %arg2: memref<10000x64xbf16, #tpu.memory_space<hbm>>, %arg3: memref<32x80x128xi32, #tpu.memory_space<hbm>>, %arg4: memref<327680x64xbf16, #tpu.memory_space<hbm>>, %arg5: memref<80x128xi32, #tpu.memory_space<vmem>>, %arg6: memref<1024x64xbf16, #tpu.memory_space<vmem>>, %arg7: memref<!tpu.dma_semaphore, #tpu.memory_space<semaphore_mem>>) attributes {dimension_semantics = [#tpu.dimension_semantics<core_parallel>, #tpu.dimension_semantics<subcore_parallel>], iteration_bounds = array<i64: 2, 16>, scalar_prefetch = 0 : i64, scratch_operands = 3 : i64, tpu.core_type = #tpu.core_type<sc_vector_subcore>, window_params = [{transform_indices = #map}, {transform_indices = #map1}, {transform_indices = #map}]} {
    %mul3A = arith.constant 2 : i32
    %mul3A_0 = arith.muli %arg1, %mul3A : i32
    %add3A = arith.addi %mul3A_0, %arg0 : i32
    %mul3A_1 = arith.constant 80 : i32
    %mul3A_2 = arith.muli %add3A, %mul3A_1 : i32
    %mul3A_3 = arith.constant 128 : i32
    %mul3A_4 = arith.muli %mul3A_2, %mul3A_3 : i32
    "tpu.region"() ({
      %run_scoped3A = tpu.sem_alloc : memref<!tpu.dma_semaphore, #tpu.memory_space<semaphore_mem>>
      %dma_start3A = arith.constant 0 : i32
      %dma_start3A_10 = arith.constant 0 : i32
      %dma_start3A_11 = tpu.memref_slice %arg3[%add3A, %dma_start3A, %dma_start3A_10] : memref<32x80x128xi32, #tpu.memory_space<hbm>> -> memref<1x80x128xi32, #tpu.memory_space<hbm>>
      %dma_start3A_12 = tpu.memref_squeeze %dma_start3A_11 : memref<1x80x128xi32, #tpu.memory_space<hbm>> -> memref<80x128xi32, #tpu.memory_space<hbm>>
      %dma_start3A_13 = arith.constant 0 : i32
      %dma_start3A_14 = arith.constant 0 : i32
      %dma_start3A_15 = tpu.memref_slice %arg3[%add3A, %dma_start3A_13, %dma_start3A_14] : memref<32x80x128xi32, #tpu.memory_space<hbm>> -> memref<1x80x128xi32, #tpu.memory_space<hbm>>
      %dma_start3A_16 = tpu.memref_squeeze %dma_start3A_15 : memref<1x80x128xi32, #tpu.memory_space<hbm>> -> memref<80x128xi32, #tpu.memory_space<hbm>>
      tpu.enqueue_dma source(%dma_start3A_16 : memref<80x128xi32, #tpu.memory_space<hbm>>) target(%arg5 : memref<80x128xi32, #tpu.memory_space<vmem>>) target_semaphore(%run_scoped3A : memref<!tpu.dma_semaphore, #tpu.memory_space<semaphore_mem>>)
      %dma_wait3A = arith.constant 0 : i32
      %dma_wait3A_17 = arith.constant 0 : i32
      %dma_wait3A_18 = tpu.memref_slice %arg3[%add3A, %dma_wait3A, %dma_wait3A_17] : memref<32x80x128xi32, #tpu.memory_space<hbm>> -> memref<1x80x128xi32, #tpu.memory_space<hbm>>
      %dma_wait3A_19 = tpu.memref_squeeze %dma_wait3A_18 : memref<1x80x128xi32, #tpu.memory_space<hbm>> -> memref<80x128xi32, #tpu.memory_space<hbm>>
      %dma_wait3A_20 = arith.constant 0 : i32
      %dma_wait3A_21 = arith.constant 0 : i32
      %dma_wait3A_22 = tpu.memref_slice %arg3[%add3A, %dma_wait3A_20, %dma_wait3A_21] : memref<32x80x128xi32, #tpu.memory_space<hbm>> -> memref<1x80x128xi32, #tpu.memory_space<hbm>>
      %dma_wait3A_23 = tpu.memref_squeeze %dma_wait3A_22 : memref<1x80x128xi32, #tpu.memory_space<hbm>> -> memref<80x128xi32, #tpu.memory_space<hbm>>
      tpu.wait_dma2 semaphore(%run_scoped3A : memref<!tpu.dma_semaphore, #tpu.memory_space<semaphore_mem>>) src(%dma_wait3A_23 : memref<80x128xi32, #tpu.memory_space<hbm>>) dst(%arg5 : memref<80x128xi32, #tpu.memory_space<vmem>>)
      tpu.yield
    }) : () -> ()
    %scan3A = arith.constant 0 : i32
    %scan3A_5 = arith.constant 0 : i32
    %scan3A_6 = arith.constant 10 : i32
    %scan3A_7 = arith.addi %scan3A_5, %scan3A_6 : i32
    %scan3A_8 = arith.constant 1 : i32
    scf.for %scan3A_10 = %scan3A_5 to %scan3A_7 step %scan3A_8  : i32 {
      %mul3A_11 = arith.constant 8 : i32
      %mul3A_12 = arith.muli %scan3A_10, %mul3A_11 : i32
      %add3A_13 = arith.constant 0 : i32
      %add3A_14 = arith.addi %mul3A_12, %add3A_13 : i32
      %dma_start3A = arith.constant 0 : i32
      %dma_start3A_15 = arith.constant 0 : i32
      %dma_start3A_16 = tpu.memref_slice %arg6[%dma_start3A, %dma_start3A_15] : memref<1024x64xbf16, #tpu.memory_space<vmem>> -> memref<128x64xbf16, #tpu.memory_space<vmem>>
      %dma_start3A_17 = arith.constant 0 : i32
      %dma_start3A_18 = tpu.memref_slice %arg5[%add3A_14, %dma_start3A_17] : memref<80x128xi32, #tpu.memory_space<vmem>> -> memref<1x128xi32, #tpu.memory_space<vmem>>
      %dma_start3A_19 = tpu.memref_squeeze %dma_start3A_18 : memref<1x128xi32, #tpu.memory_space<vmem>> -> memref<128xi32, #tpu.memory_space<vmem>>
      %dma_start3A_20 = arith.constant 0 : i32
      %dma_start3A_21 = arith.constant 0 : i32
      %dma_start3A_22 = tpu.memref_slice %arg2[%dma_start3A_20, %dma_start3A_21] : memref<10000x64xbf16, #tpu.memory_space<hbm>> -> memref<10000x64xbf16, #tpu.memory_space<hbm>>
      tpu.enqueue_indirect_dma source(%dma_start3A_22 : memref<10000x64xbf16, #tpu.memory_space<hbm>>) target(%dma_start3A_16 : memref<128x64xbf16, #tpu.memory_space<vmem>>) offsets(%dma_start3A_19 : memref<128xi32, #tpu.memory_space<vmem>>) semaphore(%arg7 : memref<!tpu.dma_semaphore, #tpu.memory_space<semaphore_mem>>)
      %mul3A_23 = arith.constant 8 : i32
      %mul3A_24 = arith.muli %scan3A_10, %mul3A_23 : i32
      %add3A_25 = arith.constant 1 : i32
      %add3A_26 = arith.addi %mul3A_24, %add3A_25 : i32
      %dma_start3A_27 = arith.constant 128 : i32
      %dma_start3A_28 = arith.constant 0 : i32
      %dma_start3A_29 = tpu.memref_slice %arg6[%dma_start3A_27, %dma_start3A_28] : memref<1024x64xbf16, #tpu.memory_space<vmem>> -> memref<128x64xbf16, #tpu.memory_space<vmem>>
      %dma_start3A_30 = arith.constant 0 : i32
      %dma_start3A_31 = tpu.memref_slice %arg5[%add3A_26, %dma_start3A_30] : memref<80x128xi32, #tpu.memory_space<vmem>> -> memref<1x128xi32, #tpu.memory_space<vmem>>
      %dma_start3A_32 = tpu.memref_squeeze %dma_start3A_31 : memref<1x128xi32, #tpu.memory_space<vmem>> -> memref<128xi32, #tpu.memory_space<vmem>>
      %dma_start3A_33 = arith.constant 0 : i32
      %dma_start3A_34 = arith.constant 0 : i32
      %dma_start3A_35 = tpu.memref_slice %arg2[%dma_start3A_33, %dma_start3A_34] : memref<10000x64xbf16, #tpu.memory_space<hbm>> -> memref<10000x64xbf16, #tpu.memory_space<hbm>>
      tpu.enqueue_indirect_dma source(%dma_start3A_35 : memref<10000x64xbf16, #tpu.memory_space<hbm>>) target(%dma_start3A_29 : memref<128x64xbf16, #tpu.memory_space<vmem>>) offsets(%dma_start3A_32 : memref<128xi32, #tpu.memory_space<vmem>>) semaphore(%arg7 : memref<!tpu.dma_semaphore, #tpu.memory_space<semaphore_mem>>)
      %mul3A_36 = arith.constant 8 : i32
      %mul3A_37 = arith.muli %scan3A_10, %mul3A_36 : i32
      %add3A_38 = arith.constant 2 : i32
      %add3A_39 = arith.addi %mul3A_37, %add3A_38 : i32
      %dma_start3A_40 = arith.constant 256 : i32
      %dma_start3A_41 = arith.constant 0 : i32
      %dma_start3A_42 = tpu.memref_slice %arg6[%dma_start3A_40, %dma_start3A_41] : memref<1024x64xbf16, #tpu.memory_space<vmem>> -> memref<128x64xbf16, #tpu.memory_space<vmem>>
      %dma_start3A_43 = arith.constant 0 : i32
      %dma_start3A_44 = tpu.memref_slice %arg5[%add3A_39, %dma_start3A_43] : memref<80x128xi32, #tpu.memory_space<vmem>> -> memref<1x128xi32, #tpu.memory_space<vmem>>
      %dma_start3A_45 = tpu.memref_squeeze %dma_start3A_44 : memref<1x128xi32, #tpu.memory_space<vmem>> -> memref<128xi32, #tpu.memory_space<vmem>>
      %dma_start3A_46 = arith.constant 0 : i32
      %dma_start3A_47 = arith.constant 0 : i32
      %dma_start3A_48 = tpu.memref_slice %arg2[%dma_start3A_46, %dma_start3A_47] : memref<10000x64xbf16, #tpu.memory_space<hbm>> -> memref<10000x64xbf16, #tpu.memory_space<hbm>>
      tpu.enqueue_indirect_dma source(%dma_start3A_48 : memref<10000x64xbf16, #tpu.memory_space<hbm>>) target(%dma_start3A_42 : memref<128x64xbf16, #tpu.memory_space<vmem>>) offsets(%dma_start3A_45 : memref<128xi32, #tpu.memory_space<vmem>>) semaphore(%arg7 : memref<!tpu.dma_semaphore, #tpu.memory_space<semaphore_mem>>)
      %mul3A_49 = arith.constant 8 : i32
      %mul3A_50 = arith.muli %scan3A_10, %mul3A_49 : i32
      %add3A_51 = arith.constant 3 : i32
      %add3A_52 = arith.addi %mul3A_50, %add3A_51 : i32
      %dma_start3A_53 = arith.constant 384 : i32
      %dma_start3A_54 = arith.constant 0 : i32
      %dma_start3A_55 = tpu.memref_slice %arg6[%dma_start3A_53, %dma_start3A_54] : memref<1024x64xbf16, #tpu.memory_space<vmem>> -> memref<128x64xbf16, #tpu.memory_space<vmem>>
      %dma_start3A_56 = arith.constant 0 : i32
      %dma_start3A_57 = tpu.memref_slice %arg5[%add3A_52, %dma_start3A_56] : memref<80x128xi32, #tpu.memory_space<vmem>> -> memref<1x128xi32, #tpu.memory_space<vmem>>
      %dma_start3A_58 = tpu.memref_squeeze %dma_start3A_57 : memref<1x128xi32, #tpu.memory_space<vmem>> -> memref<128xi32, #tpu.memory_space<vmem>>
      %dma_start3A_59 = arith.constant 0 : i32
      %dma_start3A_60 = arith.constant 0 : i32
      %dma_start3A_61 = tpu.memref_slice %arg2[%dma_start3A_59, %dma_start3A_60] : memref<10000x64xbf16, #tpu.memory_space<hbm>> -> memref<10000x64xbf16, #tpu.memory_space<hbm>>
      tpu.enqueue_indirect_dma source(%dma_start3A_61 : memref<10000x64xbf16, #tpu.memory_space<hbm>>) target(%dma_start3A_55 : memref<128x64xbf16, #tpu.memory_space<vmem>>) offsets(%dma_start3A_58 : memref<128xi32, #tpu.memory_space<vmem>>) semaphore(%arg7 : memref<!tpu.dma_semaphore, #tpu.memory_space<semaphore_mem>>)
      %mul3A_62 = arith.constant 8 : i32
      %mul3A_63 = arith.muli %scan3A_10, %mul3A_62 : i32
      %add3A_64 = arith.constant 4 : i32
      %add3A_65 = arith.addi %mul3A_63, %add3A_64 : i32
      %dma_start3A_66 = arith.constant 512 : i32
      %dma_start3A_67 = arith.constant 0 : i32
      %dma_start3A_68 = tpu.memref_slice %arg6[%dma_start3A_66, %dma_start3A_67] : memref<1024x64xbf16, #tpu.memory_space<vmem>> -> memref<128x64xbf16, #tpu.memory_space<vmem>>
      %dma_start3A_69 = arith.constant 0 : i32
      %dma_start3A_70 = tpu.memref_slice %arg5[%add3A_65, %dma_start3A_69] : memref<80x128xi32, #tpu.memory_space<vmem>> -> memref<1x128xi32, #tpu.memory_space<vmem>>
      %dma_start3A_71 = tpu.memref_squeeze %dma_start3A_70 : memref<1x128xi32, #tpu.memory_space<vmem>> -> memref<128xi32, #tpu.memory_space<vmem>>
      %dma_start3A_72 = arith.constant 0 : i32
      %dma_start3A_73 = arith.constant 0 : i32
      %dma_start3A_74 = tpu.memref_slice %arg2[%dma_start3A_72, %dma_start3A_73] : memref<10000x64xbf16, #tpu.memory_space<hbm>> -> memref<10000x64xbf16, #tpu.memory_space<hbm>>
      tpu.enqueue_indirect_dma source(%dma_start3A_74 : memref<10000x64xbf16, #tpu.memory_space<hbm>>) target(%dma_start3A_68 : memref<128x64xbf16, #tpu.memory_space<vmem>>) offsets(%dma_start3A_71 : memref<128xi32, #tpu.memory_space<vmem>>) semaphore(%arg7 : memref<!tpu.dma_semaphore, #tpu.memory_space<semaphore_mem>>)
      %mul3A_75 = arith.constant 8 : i32
      %mul3A_76 = arith.muli %scan3A_10, %mul3A_75 : i32
      %add3A_77 = arith.constant 5 : i32
      %add3A_78 = arith.addi %mul3A_76, %add3A_77 : i32
      %dma_start3A_79 = arith.constant 640 : i32
      %dma_start3A_80 = arith.constant 0 : i32
      %dma_start3A_81 = tpu.memref_slice %arg6[%dma_start3A_79, %dma_start3A_80] : memref<1024x64xbf16, #tpu.memory_space<vmem>> -> memref<128x64xbf16, #tpu.memory_space<vmem>>
      %dma_start3A_82 = arith.constant 0 : i32
      %dma_start3A_83 = tpu.memref_slice %arg5[%add3A_78, %dma_start3A_82] : memref<80x128xi32, #tpu.memory_space<vmem>> -> memref<1x128xi32, #tpu.memory_space<vmem>>
      %dma_start3A_84 = tpu.memref_squeeze %dma_start3A_83 : memref<1x128xi32, #tpu.memory_space<vmem>> -> memref<128xi32, #tpu.memory_space<vmem>>
      %dma_start3A_85 = arith.constant 0 : i32
      %dma_start3A_86 = arith.constant 0 : i32
      %dma_start3A_87 = tpu.memref_slice %arg2[%dma_start3A_85, %dma_start3A_86] : memref<10000x64xbf16, #tpu.memory_space<hbm>> -> memref<10000x64xbf16, #tpu.memory_space<hbm>>
      tpu.enqueue_indirect_dma source(%dma_start3A_87 : memref<10000x64xbf16, #tpu.memory_space<hbm>>) target(%dma_start3A_81 : memref<128x64xbf16, #tpu.memory_space<vmem>>) offsets(%dma_start3A_84 : memref<128xi32, #tpu.memory_space<vmem>>) semaphore(%arg7 : memref<!tpu.dma_semaphore, #tpu.memory_space<semaphore_mem>>)
      %mul3A_88 = arith.constant 8 : i32
      %mul3A_89 = arith.muli %scan3A_10, %mul3A_88 : i32
      %add3A_90 = arith.constant 6 : i32
      %add3A_91 = arith.addi %mul3A_89, %add3A_90 : i32
      %dma_start3A_92 = arith.constant 768 : i32
      %dma_start3A_93 = arith.constant 0 : i32
      %dma_start3A_94 = tpu.memref_slice %arg6[%dma_start3A_92, %dma_start3A_93] : memref<1024x64xbf16, #tpu.memory_space<vmem>> -> memref<128x64xbf16, #tpu.memory_space<vmem>>
      %dma_start3A_95 = arith.constant 0 : i32
      %dma_start3A_96 = tpu.memref_slice %arg5[%add3A_91, %dma_start3A_95] : memref<80x128xi32, #tpu.memory_space<vmem>> -> memref<1x128xi32, #tpu.memory_space<vmem>>
      %dma_start3A_97 = tpu.memref_squeeze %dma_start3A_96 : memref<1x128xi32, #tpu.memory_space<vmem>> -> memref<128xi32, #tpu.memory_space<vmem>>
      %dma_start3A_98 = arith.constant 0 : i32
      %dma_start3A_99 = arith.constant 0 : i32
      %dma_start3A_100 = tpu.memref_slice %arg2[%dma_start3A_98, %dma_start3A_99] : memref<10000x64xbf16, #tpu.memory_space<hbm>> -> memref<10000x64xbf16, #tpu.memory_space<hbm>>
      tpu.enqueue_indirect_dma source(%dma_start3A_100 : memref<10000x64xbf16, #tpu.memory_space<hbm>>) target(%dma_start3A_94 : memref<128x64xbf16, #tpu.memory_space<vmem>>) offsets(%dma_start3A_97 : memref<128xi32, #tpu.memory_space<vmem>>) semaphore(%arg7 : memref<!tpu.dma_semaphore, #tpu.memory_space<semaphore_mem>>)
      %mul3A_101 = arith.constant 8 : i32
      %mul3A_102 = arith.muli %scan3A_10, %mul3A_101 : i32
      %add3A_103 = arith.constant 7 : i32
      %add3A_104 = arith.addi %mul3A_102, %add3A_103 : i32
      %dma_start3A_105 = arith.constant 896 : i32
      %dma_start3A_106 = arith.constant 0 : i32
      %dma_start3A_107 = tpu.memref_slice %arg6[%dma_start3A_105, %dma_start3A_106] : memref<1024x64xbf16, #tpu.memory_space<vmem>> -> memref<128x64xbf16, #tpu.memory_space<vmem>>
      %dma_start3A_108 = arith.constant 0 : i32
      %dma_start3A_109 = tpu.memref_slice %arg5[%add3A_104, %dma_start3A_108] : memref<80x128xi32, #tpu.memory_space<vmem>> -> memref<1x128xi32, #tpu.memory_space<vmem>>
      %dma_start3A_110 = tpu.memref_squeeze %dma_start3A_109 : memref<1x128xi32, #tpu.memory_space<vmem>> -> memref<128xi32, #tpu.memory_space<vmem>>
      %dma_start3A_111 = arith.constant 0 : i32
      %dma_start3A_112 = arith.constant 0 : i32
      %dma_start3A_113 = tpu.memref_slice %arg2[%dma_start3A_111, %dma_start3A_112] : memref<10000x64xbf16, #tpu.memory_space<hbm>> -> memref<10000x64xbf16, #tpu.memory_space<hbm>>
      tpu.enqueue_indirect_dma source(%dma_start3A_113 : memref<10000x64xbf16, #tpu.memory_space<hbm>>) target(%dma_start3A_107 : memref<128x64xbf16, #tpu.memory_space<vmem>>) offsets(%dma_start3A_110 : memref<128xi32, #tpu.memory_space<vmem>>) semaphore(%arg7 : memref<!tpu.dma_semaphore, #tpu.memory_space<semaphore_mem>>)
      %dma_wait3A = arith.constant 0 : i32
      %dma_wait3A_114 = arith.constant 0 : i32
      %dma_wait3A_115 = tpu.memref_slice %arg6[%dma_wait3A, %dma_wait3A_114] : memref<1024x64xbf16, #tpu.memory_space<vmem>> -> memref<128x64xbf16, #tpu.memory_space<vmem>>
      %dma_wait3A_116 = arith.constant 0 : i32
      %dma_wait3A_117 = tpu.memref_slice %arg5[%add3A_14, %dma_wait3A_116] : memref<80x128xi32, #tpu.memory_space<vmem>> -> memref<1x128xi32, #tpu.memory_space<vmem>>
      %dma_wait3A_118 = tpu.memref_squeeze %dma_wait3A_117 : memref<1x128xi32, #tpu.memory_space<vmem>> -> memref<128xi32, #tpu.memory_space<vmem>>
      %dma_wait3A_119 = arith.constant 0 : i32
      %dma_wait3A_120 = arith.constant 0 : i32
      %dma_wait3A_121 = tpu.memref_slice %arg2[%dma_wait3A_119, %dma_wait3A_120] : memref<10000x64xbf16, #tpu.memory_space<hbm>> -> memref<10000x64xbf16, #tpu.memory_space<hbm>>
      tpu.wait_indirect_dma semaphore(%arg7 : memref<!tpu.dma_semaphore, #tpu.memory_space<semaphore_mem>>) src(%dma_wait3A_121 : memref<10000x64xbf16, #tpu.memory_space<hbm>>) dst(%dma_wait3A_115 : memref<128x64xbf16, #tpu.memory_space<vmem>>)
      %dma_wait3A_122 = arith.constant 128 : i32
      %dma_wait3A_123 = arith.constant 0 : i32
      %dma_wait3A_124 = tpu.memref_slice %arg6[%dma_wait3A_122, %dma_wait3A_123] : memref<1024x64xbf16, #tpu.memory_space<vmem>> -> memref<128x64xbf16, #tpu.memory_space<vmem>>
      %dma_wait3A_125 = arith.constant 0 : i32
      %dma_wait3A_126 = tpu.memref_slice %arg5[%add3A_26, %dma_wait3A_125] : memref<80x128xi32, #tpu.memory_space<vmem>> -> memref<1x128xi32, #tpu.memory_space<vmem>>
      %dma_wait3A_127 = tpu.memref_squeeze %dma_wait3A_126 : memref<1x128xi32, #tpu.memory_space<vmem>> -> memref<128xi32, #tpu.memory_space<vmem>>
      %dma_wait3A_128 = arith.constant 0 : i32
      %dma_wait3A_129 = arith.constant 0 : i32
      %dma_wait3A_130 = tpu.memref_slice %arg2[%dma_wait3A_128, %dma_wait3A_129] : memref<10000x64xbf16, #tpu.memory_space<hbm>> -> memref<10000x64xbf16, #tpu.memory_space<hbm>>
      tpu.wait_indirect_dma semaphore(%arg7 : memref<!tpu.dma_semaphore, #tpu.memory_space<semaphore_mem>>) src(%dma_wait3A_130 : memref<10000x64xbf16, #tpu.memory_space<hbm>>) dst(%dma_wait3A_124 : memref<128x64xbf16, #tpu.memory_space<vmem>>)
      %dma_wait3A_131 = arith.constant 256 : i32
      %dma_wait3A_132 = arith.constant 0 : i32
      %dma_wait3A_133 = tpu.memref_slice %arg6[%dma_wait3A_131, %dma_wait3A_132] : memref<1024x64xbf16, #tpu.memory_space<vmem>> -> memref<128x64xbf16, #tpu.memory_space<vmem>>
      %dma_wait3A_134 = arith.constant 0 : i32
      %dma_wait3A_135 = tpu.memref_slice %arg5[%add3A_39, %dma_wait3A_134] : memref<80x128xi32, #tpu.memory_space<vmem>> -> memref<1x128xi32, #tpu.memory_space<vmem>>
      %dma_wait3A_136 = tpu.memref_squeeze %dma_wait3A_135 : memref<1x128xi32, #tpu.memory_space<vmem>> -> memref<128xi32, #tpu.memory_space<vmem>>
      %dma_wait3A_137 = arith.constant 0 : i32
      %dma_wait3A_138 = arith.constant 0 : i32
      %dma_wait3A_139 = tpu.memref_slice %arg2[%dma_wait3A_137, %dma_wait3A_138] : memref<10000x64xbf16, #tpu.memory_space<hbm>> -> memref<10000x64xbf16, #tpu.memory_space<hbm>>
      tpu.wait_indirect_dma semaphore(%arg7 : memref<!tpu.dma_semaphore, #tpu.memory_space<semaphore_mem>>) src(%dma_wait3A_139 : memref<10000x64xbf16, #tpu.memory_space<hbm>>) dst(%dma_wait3A_133 : memref<128x64xbf16, #tpu.memory_space<vmem>>)
      %dma_wait3A_140 = arith.constant 384 : i32
      %dma_wait3A_141 = arith.constant 0 : i32
      %dma_wait3A_142 = tpu.memref_slice %arg6[%dma_wait3A_140, %dma_wait3A_141] : memref<1024x64xbf16, #tpu.memory_space<vmem>> -> memref<128x64xbf16, #tpu.memory_space<vmem>>
      %dma_wait3A_143 = arith.constant 0 : i32
      %dma_wait3A_144 = tpu.memref_slice %arg5[%add3A_52, %dma_wait3A_143] : memref<80x128xi32, #tpu.memory_space<vmem>> -> memref<1x128xi32, #tpu.memory_space<vmem>>
      %dma_wait3A_145 = tpu.memref_squeeze %dma_wait3A_144 : memref<1x128xi32, #tpu.memory_space<vmem>> -> memref<128xi32, #tpu.memory_space<vmem>>
      %dma_wait3A_146 = arith.constant 0 : i32
      %dma_wait3A_147 = arith.constant 0 : i32
      %dma_wait3A_148 = tpu.memref_slice %arg2[%dma_wait3A_146, %dma_wait3A_147] : memref<10000x64xbf16, #tpu.memory_space<hbm>> -> memref<10000x64xbf16, #tpu.memory_space<hbm>>
      tpu.wait_indirect_dma semaphore(%arg7 : memref<!tpu.dma_semaphore, #tpu.memory_space<semaphore_mem>>) src(%dma_wait3A_148 : memref<10000x64xbf16, #tpu.memory_space<hbm>>) dst(%dma_wait3A_142 : memref<128x64xbf16, #tpu.memory_space<vmem>>)
      %dma_wait3A_149 = arith.constant 512 : i32
      %dma_wait3A_150 = arith.constant 0 : i32
      %dma_wait3A_151 = tpu.memref_slice %arg6[%dma_wait3A_149, %dma_wait3A_150] : memref<1024x64xbf16, #tpu.memory_space<vmem>> -> memref<128x64xbf16, #tpu.memory_space<vmem>>
      %dma_wait3A_152 = arith.constant 0 : i32
      %dma_wait3A_153 = tpu.memref_slice %arg5[%add3A_65, %dma_wait3A_152] : memref<80x128xi32, #tpu.memory_space<vmem>> -> memref<1x128xi32, #tpu.memory_space<vmem>>
      %dma_wait3A_154 = tpu.memref_squeeze %dma_wait3A_153 : memref<1x128xi32, #tpu.memory_space<vmem>> -> memref<128xi32, #tpu.memory_space<vmem>>
      %dma_wait3A_155 = arith.constant 0 : i32
      %dma_wait3A_156 = arith.constant 0 : i32
      %dma_wait3A_157 = tpu.memref_slice %arg2[%dma_wait3A_155, %dma_wait3A_156] : memref<10000x64xbf16, #tpu.memory_space<hbm>> -> memref<10000x64xbf16, #tpu.memory_space<hbm>>
      tpu.wait_indirect_dma semaphore(%arg7 : memref<!tpu.dma_semaphore, #tpu.memory_space<semaphore_mem>>) src(%dma_wait3A_157 : memref<10000x64xbf16, #tpu.memory_space<hbm>>) dst(%dma_wait3A_151 : memref<128x64xbf16, #tpu.memory_space<vmem>>)
      %dma_wait3A_158 = arith.constant 640 : i32
      %dma_wait3A_159 = arith.constant 0 : i32
      %dma_wait3A_160 = tpu.memref_slice %arg6[%dma_wait3A_158, %dma_wait3A_159] : memref<1024x64xbf16, #tpu.memory_space<vmem>> -> memref<128x64xbf16, #tpu.memory_space<vmem>>
      %dma_wait3A_161 = arith.constant 0 : i32
      %dma_wait3A_162 = tpu.memref_slice %arg5[%add3A_78, %dma_wait3A_161] : memref<80x128xi32, #tpu.memory_space<vmem>> -> memref<1x128xi32, #tpu.memory_space<vmem>>
      %dma_wait3A_163 = tpu.memref_squeeze %dma_wait3A_162 : memref<1x128xi32, #tpu.memory_space<vmem>> -> memref<128xi32, #tpu.memory_space<vmem>>
      %dma_wait3A_164 = arith.constant 0 : i32
      %dma_wait3A_165 = arith.constant 0 : i32
      %dma_wait3A_166 = tpu.memref_slice %arg2[%dma_wait3A_164, %dma_wait3A_165] : memref<10000x64xbf16, #tpu.memory_space<hbm>> -> memref<10000x64xbf16, #tpu.memory_space<hbm>>
      tpu.wait_indirect_dma semaphore(%arg7 : memref<!tpu.dma_semaphore, #tpu.memory_space<semaphore_mem>>) src(%dma_wait3A_166 : memref<10000x64xbf16, #tpu.memory_space<hbm>>) dst(%dma_wait3A_160 : memref<128x64xbf16, #tpu.memory_space<vmem>>)
      %dma_wait3A_167 = arith.constant 768 : i32
      %dma_wait3A_168 = arith.constant 0 : i32
      %dma_wait3A_169 = tpu.memref_slice %arg6[%dma_wait3A_167, %dma_wait3A_168] : memref<1024x64xbf16, #tpu.memory_space<vmem>> -> memref<128x64xbf16, #tpu.memory_space<vmem>>
      %dma_wait3A_170 = arith.constant 0 : i32
      %dma_wait3A_171 = tpu.memref_slice %arg5[%add3A_91, %dma_wait3A_170] : memref<80x128xi32, #tpu.memory_space<vmem>> -> memref<1x128xi32, #tpu.memory_space<vmem>>
      %dma_wait3A_172 = tpu.memref_squeeze %dma_wait3A_171 : memref<1x128xi32, #tpu.memory_space<vmem>> -> memref<128xi32, #tpu.memory_space<vmem>>
      %dma_wait3A_173 = arith.constant 0 : i32
      %dma_wait3A_174 = arith.constant 0 : i32
      %dma_wait3A_175 = tpu.memref_slice %arg2[%dma_wait3A_173, %dma_wait3A_174] : memref<10000x64xbf16, #tpu.memory_space<hbm>> -> memref<10000x64xbf16, #tpu.memory_space<hbm>>
      tpu.wait_indirect_dma semaphore(%arg7 : memref<!tpu.dma_semaphore, #tpu.memory_space<semaphore_mem>>) src(%dma_wait3A_175 : memref<10000x64xbf16, #tpu.memory_space<hbm>>) dst(%dma_wait3A_169 : memref<128x64xbf16, #tpu.memory_space<vmem>>)
      %dma_wait3A_176 = arith.constant 896 : i32
      %dma_wait3A_177 = arith.constant 0 : i32
      %dma_wait3A_178 = tpu.memref_slice %arg6[%dma_wait3A_176, %dma_wait3A_177] : memref<1024x64xbf16, #tpu.memory_space<vmem>> -> memref<128x64xbf16, #tpu.memory_space<vmem>>
      %dma_wait3A_179 = arith.constant 0 : i32
      %dma_wait3A_180 = tpu.memref_slice %arg5[%add3A_104, %dma_wait3A_179] : memref<80x128xi32, #tpu.memory_space<vmem>> -> memref<1x128xi32, #tpu.memory_space<vmem>>
      %dma_wait3A_181 = tpu.memref_squeeze %dma_wait3A_180 : memref<1x128xi32, #tpu.memory_space<vmem>> -> memref<128xi32, #tpu.memory_space<vmem>>
      %dma_wait3A_182 = arith.constant 0 : i32
      %dma_wait3A_183 = arith.constant 0 : i32
      %dma_wait3A_184 = tpu.memref_slice %arg2[%dma_wait3A_182, %dma_wait3A_183] : memref<10000x64xbf16, #tpu.memory_space<hbm>> -> memref<10000x64xbf16, #tpu.memory_space<hbm>>
      tpu.wait_indirect_dma semaphore(%arg7 : memref<!tpu.dma_semaphore, #tpu.memory_space<semaphore_mem>>) src(%dma_wait3A_184 : memref<10000x64xbf16, #tpu.memory_space<hbm>>) dst(%dma_wait3A_178 : memref<128x64xbf16, #tpu.memory_space<vmem>>)
      %mul3A_185 = arith.constant 1024 : i32
      %mul3A_186 = arith.muli %scan3A_10, %mul3A_185 : i32
      %add3A_187 = arith.addi %mul3A_4, %mul3A_186 : i32
      "tpu.region"() ({
        %run_scoped3A = tpu.sem_alloc : memref<!tpu.dma_semaphore, #tpu.memory_space<semaphore_mem>>
        %dma_start3A_188 = arith.constant 0 : i32
        %dma_start3A_189 = tpu.memref_slice %arg4[%add3A_187, %dma_start3A_188] : memref<327680x64xbf16, #tpu.memory_space<hbm>> -> memref<1024x64xbf16, #tpu.memory_space<hbm>>
        %dma_start3A_190 = arith.constant 0 : i32
        %dma_start3A_191 = tpu.memref_slice %arg4[%add3A_187, %dma_start3A_190] : memref<327680x64xbf16, #tpu.memory_space<hbm>> -> memref<1024x64xbf16, #tpu.memory_space<hbm>>
        tpu.enqueue_dma source(%arg6 : memref<1024x64xbf16, #tpu.memory_space<vmem>>) target(%dma_start3A_191 : memref<1024x64xbf16, #tpu.memory_space<hbm>>) target_semaphore(%run_scoped3A : memref<!tpu.dma_semaphore, #tpu.memory_space<semaphore_mem>>)
        %dma_wait3A_192 = arith.constant 0 : i32
        %dma_wait3A_193 = tpu.memref_slice %arg4[%add3A_187, %dma_wait3A_192] : memref<327680x64xbf16, #tpu.memory_space<hbm>> -> memref<1024x64xbf16, #tpu.memory_space<hbm>>
        %dma_wait3A_194 = arith.constant 0 : i32
        %dma_wait3A_195 = tpu.memref_slice %arg4[%add3A_187, %dma_wait3A_194] : memref<327680x64xbf16, #tpu.memory_space<hbm>> -> memref<1024x64xbf16, #tpu.memory_space<hbm>>
        tpu.wait_dma2 semaphore(%run_scoped3A : memref<!tpu.dma_semaphore, #tpu.memory_space<semaphore_mem>>) src(%arg6 : memref<1024x64xbf16, #tpu.memory_space<vmem>>) dst(%dma_wait3A_195 : memref<1024x64xbf16, #tpu.memory_space<hbm>>)
        tpu.yield
      }) : () -> ()
    }
    %scan3A_9 = arith.constant 10 : i32
    return
  }
}

module attributes {stable_mosaic.version = 14 : i64} {
  func.func @_kernel_ab(%arg0: i32, %arg1: memref<200x128xf32, #tpu.memory_space<vmem>>, %arg2: memref<200x16xf32, #tpu.memory_space<vmem>>, %arg3: memref<6400x16xf32, #tpu.memory_space<vmem>>, %arg4: memref<64x128xf32, #tpu.memory_space<vmem>>, %arg5: memref<16x16xf32, #tpu.memory_space<vmem>>, %arg6: memref<16x16xf32, #tpu.memory_space<vmem>>, %arg7: memref<200x64xbf16, #tpu.memory_space<vmem>>, %arg8: memref<128x128xf32, #tpu.memory_space<vmem>>, %arg9: memref<1x128xf32, #tpu.memory_space<vmem>>, %arg10: memref<16x16xf32, #tpu.memory_space<vmem>>, %arg11: memref<1x16xf32, #tpu.memory_space<vmem>>) attributes {dimension_semantics = [#tpu.dimension_semantics<arbitrary>], iteration_bounds = array<i64: 50>, scalar_prefetch = 0 : i64, scratch_operands = 0 : i64, tpu.core_type = #tpu.core_type<tc>, window_params = [{transform_indices = @transform_0, window_bounds = array<i64: 200, 128>}, {transform_indices = @transform_1, window_bounds = array<i64: 200, 16>}, {transform_indices = @transform_2, window_bounds = array<i64: 6400, 16>}, {pipeline_mode = #tpu.pipeline_mode<synchronous>, transform_indices = @transform_3, window_bounds = array<i64: 64, 128>}, {pipeline_mode = #tpu.pipeline_mode<synchronous>, transform_indices = @transform_4, window_bounds = array<i64: 16, 16>}, {pipeline_mode = #tpu.pipeline_mode<synchronous>, transform_indices = @transform_5, window_bounds = array<i64: 16, 16>}, {transform_indices = @transform_6, window_bounds = array<i64: 200, 64>}, {pipeline_mode = #tpu.pipeline_mode<synchronous>, transform_indices = @transform_7, window_bounds = array<i64: 128, 128>}, {pipeline_mode = #tpu.pipeline_mode<synchronous>, transform_indices = @transform_8, window_bounds = array<i64: 1, 128>}, {pipeline_mode = #tpu.pipeline_mode<synchronous>, transform_indices = @transform_9, window_bounds = array<i64: 16, 16>}, {pipeline_mode = #tpu.pipeline_mode<synchronous>, transform_indices = @transform_10, window_bounds = array<i64: 1, 16>}]} {
    %get3A = arith.constant 0 : index
    %get3A_0 = arith.constant 0 : index
    %get3A_1 = vector.load %arg1[%get3A, %get3A_0] : memref<200x128xf32, #tpu.memory_space<vmem>>, vector<200x128xf32>
    %get3A_2 = arith.constant 0 : index
    %get3A_3 = arith.constant 0 : index
    %get3A_4 = vector.load %arg4[%get3A_2, %get3A_3] : memref<64x128xf32, #tpu.memory_space<vmem>>, vector<64x128xf32>
    %convert_element_type3A = arith.truncf %get3A_1 : vector<200x128xf32> to vector<200x128xbf16>
    %convert_element_type3A_5 = arith.truncf %get3A_4 : vector<64x128xf32> to vector<64x128xbf16>
    %dot_general3A = arith.constant dense<0.000000e+00> : vector<200x64xf32>
    %dot_general3A_6 = tpu.matmul %convert_element_type3A, %convert_element_type3A_5, %dot_general3A {dimension_numbers = #tpu.dot_dimension_numbers<[1], [1], [0], [0], [0, 0, 1, 0], [], []>, transpose_lhs_hint = false} : vector<200x128xbf16>, vector<64x128xbf16>, vector<200x64xf32> -> vector<200x64xf32>
    %convert_element_type3A_7 = arith.truncf %dot_general3A_6 : vector<200x64xf32> to vector<200x64xbf16>
    %swap3A = arith.constant 0 : index
    %swap3A_8 = arith.constant 0 : index
    %swap3A_9 = vector.load %arg7[%swap3A, %swap3A_8] : memref<200x64xbf16, #tpu.memory_space<vmem>>, vector<200x64xbf16>
    tpu.vector_store %arg7[%swap3A, %swap3A_8], %convert_element_type3A_7 {strides = array<i32>} : memref<200x64xbf16, #tpu.memory_space<vmem>>, vector<200x64xbf16>,
    %eq3A = arith.constant 0 : i32
    %eq3A_10 = arith.cmpi eq, %arg0, %eq3A : i32
    %convert_element_type3A_11 = arith.extui %eq3A_10 : i1 to i32
    %cond3A = arith.constant 0 : i32
    %cond3A_12 = arith.cmpi ne, %convert_element_type3A_11, %cond3A : i32
    scf.if %cond3A_12 {
      %broadcast_in_dim3A_86 = arith.constant 0.000000e+00 : f32
      %broadcast_in_dim3A_87 = vector.broadcast %broadcast_in_dim3A_86 : f32 to vector<128x128xf32>
      %swap3A_88 = arith.constant 0 : index
      %swap3A_89 = arith.constant 0 : index
      %swap3A_90 = vector.load %arg8[%swap3A_88, %swap3A_89] : memref<128x128xf32, #tpu.memory_space<vmem>>, vector<128x128xf32>
      tpu.vector_store %arg8[%swap3A_88, %swap3A_89], %broadcast_in_dim3A_87 {strides = array<i32>} : memref<128x128xf32, #tpu.memory_space<vmem>>, vector<128x128xf32>,
      %broadcast_in_dim3A_91 = arith.constant 0.000000e+00 : f32
      %broadcast_in_dim3A_92 = vector.broadcast %broadcast_in_dim3A_91 : f32 to vector<1x128xf32>
      %swap3A_93 = arith.constant 0 : index
      %swap3A_94 = arith.constant 0 : index
      %swap3A_95 = vector.load %arg9[%swap3A_93, %swap3A_94] : memref<1x128xf32, #tpu.memory_space<vmem>>, vector<1x128xf32>
      tpu.vector_store %arg9[%swap3A_93, %swap3A_94], %broadcast_in_dim3A_92 {strides = array<i32>} : memref<1x128xf32, #tpu.memory_space<vmem>>, vector<1x128xf32>,
      %broadcast_in_dim3A_96 = arith.constant 0.000000e+00 : f32
      %broadcast_in_dim3A_97 = vector.broadcast %broadcast_in_dim3A_96 : f32 to vector<16x16xf32>
      %swap3A_98 = arith.constant 0 : index
      %swap3A_99 = arith.constant 0 : index
      %swap3A_100 = vector.load %arg10[%swap3A_98, %swap3A_99] : memref<16x16xf32, #tpu.memory_space<vmem>>, vector<16x16xf32>
      tpu.vector_store %arg10[%swap3A_98, %swap3A_99], %broadcast_in_dim3A_97 {strides = array<i32>} : memref<16x16xf32, #tpu.memory_space<vmem>>, vector<16x16xf32>,
      %broadcast_in_dim3A_101 = arith.constant 0.000000e+00 : f32
      %broadcast_in_dim3A_102 = vector.broadcast %broadcast_in_dim3A_101 : f32 to vector<1x16xf32>
      %swap3A_103 = arith.constant 0 : index
      %swap3A_104 = arith.constant 0 : index
      %swap3A_105 = vector.load %arg11[%swap3A_103, %swap3A_104] : memref<1x16xf32, #tpu.memory_space<vmem>>, vector<1x16xf32>
      tpu.vector_store %arg11[%swap3A_103, %swap3A_104], %broadcast_in_dim3A_102 {strides = array<i32>} : memref<1x16xf32, #tpu.memory_space<vmem>>, vector<1x16xf32>,
    } else {
    }
    %get3A_13 = arith.constant 0 : index
    %get3A_14 = arith.constant 0 : index
    %get3A_15 = vector.load %arg8[%get3A_13, %get3A_14] : memref<128x128xf32, #tpu.memory_space<vmem>>, vector<128x128xf32>
    %convert_element_type3A_16 = arith.truncf %get3A_1 : vector<200x128xf32> to vector<200x128xbf16>
    %convert_element_type3A_17 = arith.truncf %get3A_1 : vector<200x128xf32> to vector<200x128xbf16>
    %dot_general3A_18 = arith.constant dense<0.000000e+00> : vector<128x128xf32>
    %dot_general3A_19 = tpu.matmul %convert_element_type3A_16, %convert_element_type3A_17, %dot_general3A_18 {dimension_numbers = #tpu.dot_dimension_numbers<[0], [0], [1], [1], [0, 1, 1, 1], [], []>, transpose_lhs_hint = false} : vector<200x128xbf16>, vector<200x128xbf16>, vector<128x128xf32> -> vector<128x128xf32>
    %add3A = arith.addf %get3A_15, %dot_general3A_19 : vector<128x128xf32>
    %swap3A_20 = arith.constant 0 : index
    %swap3A_21 = arith.constant 0 : index
    %swap3A_22 = vector.load %arg8[%swap3A_20, %swap3A_21] : memref<128x128xf32, #tpu.memory_space<vmem>>, vector<128x128xf32>
    tpu.vector_store %arg8[%swap3A_20, %swap3A_21], %add3A {strides = array<i32>} : memref<128x128xf32, #tpu.memory_space<vmem>>, vector<128x128xf32>,
    %get3A_23 = arith.constant 0 : index
    %get3A_24 = arith.constant 0 : index
    %get3A_25 = vector.load %arg9[%get3A_23, %get3A_24] : memref<1x128xf32, #tpu.memory_space<vmem>>, vector<1x128xf32>
    %reduce_sum3A = arith.constant dense<0.000000e+00> : vector<128xf32>
    %reduce_sum3A_26 = vector.multi_reduction <add>, %get3A_1, %reduce_sum3A [0] : vector<200x128xf32> to vector<128xf32>
    %broadcast_in_dim3A = vector.shape_cast %reduce_sum3A_26 : vector<128xf32> to vector<1x128xf32>
    %add3A_27 = arith.addf %get3A_25, %broadcast_in_dim3A : vector<1x128xf32>
    %swap3A_28 = arith.constant 0 : index
    %swap3A_29 = arith.constant 0 : index
    %swap3A_30 = vector.load %arg9[%swap3A_28, %swap3A_29] : memref<1x128xf32, #tpu.memory_space<vmem>>, vector<1x128xf32>
    tpu.vector_store %arg9[%swap3A_28, %swap3A_29], %add3A_27 {strides = array<i32>} : memref<1x128xf32, #tpu.memory_space<vmem>>, vector<1x128xf32>,
    %get3A_31 = arith.constant 0 : index
    %get3A_32 = arith.constant 0 : index
    %get3A_33 = vector.load %arg3[%get3A_31, %get3A_32] : memref<6400x16xf32, #tpu.memory_space<vmem>>, vector<6400x16xf32>
    %get3A_34 = arith.constant 0 : index
    %get3A_35 = arith.constant 0 : index
    %get3A_36 = vector.load %arg2[%get3A_34, %get3A_35] : memref<200x16xf32, #tpu.memory_space<vmem>>, vector<200x16xf32>
    %broadcast_in_dim3A_37 = vector.shape_cast %get3A_36 : vector<200x16xf32> to vector<200x1x16xf32>
    %broadcast_in_dim3A_38 = vector.shape_cast %broadcast_in_dim3A_37 : vector<200x1x16xf32> to vector<200x1x16xf32>
    %broadcast_in_dim3A_39 = vector.broadcast %broadcast_in_dim3A_38 : vector<200x1x16xf32> to vector<200x32x16xf32>
    %reshape3A = vector.shape_cast %broadcast_in_dim3A_39 : vector<200x32x16xf32> to vector<6400x16xf32>
    %sub3A = arith.subf %reshape3A, %get3A_33 : vector<6400x16xf32>
    %mul3A = arith.mulf %sub3A, %sub3A : vector<6400x16xf32>
    %reduce_sum3A_40 = arith.constant dense<0.000000e+00> : vector<6400xf32>
    %reduce_sum3A_41 = vector.multi_reduction <add>, %mul3A, %reduce_sum3A_40 [1] : vector<6400x16xf32> to vector<6400xf32>
    %broadcast_in_dim3A_42 = vector.shape_cast %reduce_sum3A_41 : vector<6400xf32> to vector<6400x1xf32>
    %sqrt3A = math.sqrt %broadcast_in_dim3A_42 : vector<6400x1xf32>
    %iota3A = tpu.iota {dimensions = array<i32: 1>} : vector<6400x16xi32>
    %get3A_43 = arith.constant 0 : index
    %get3A_44 = arith.constant 0 : index
    %get3A_45 = vector.load %arg5[%get3A_43, %get3A_44] : memref<16x16xf32, #tpu.memory_space<vmem>>, vector<16x16xf32>
    %convert_element_type3A_46 = arith.truncf %reshape3A : vector<6400x16xf32> to vector<6400x16xbf16>
    %convert_element_type3A_47 = arith.truncf %get3A_45 : vector<16x16xf32> to vector<16x16xbf16>
    %dot_general3A_48 = arith.constant dense<0.000000e+00> : vector<6400x16xf32>
    %dot_general3A_49 = tpu.matmul %convert_element_type3A_46, %convert_element_type3A_47, %dot_general3A_48 {dimension_numbers = #tpu.dot_dimension_numbers<[1], [0], [0], [1], [0, 0, 1, 1], [], []>, transpose_lhs_hint = false} : vector<6400x16xbf16>, vector<16x16xbf16>, vector<6400x16xf32> -> vector<6400x16xf32>
    %get3A_50 = arith.constant 0 : index
    %get3A_51 = arith.constant 0 : index
    %get3A_52 = vector.load %arg6[%get3A_50, %get3A_51] : memref<16x16xf32, #tpu.memory_space<vmem>>, vector<16x16xf32>
    %convert_element_type3A_53 = arith.truncf %get3A_33 : vector<6400x16xf32> to vector<6400x16xbf16>
    %convert_element_type3A_54 = arith.truncf %get3A_52 : vector<16x16xf32> to vector<16x16xbf16>
    %dot_general3A_55 = arith.constant dense<0.000000e+00> : vector<6400x16xf32>
    %dot_general3A_56 = tpu.matmul %convert_element_type3A_53, %convert_element_type3A_54, %dot_general3A_55 {dimension_numbers = #tpu.dot_dimension_numbers<[1], [0], [0], [1], [0, 0, 1, 1], [], []>, transpose_lhs_hint = false} : vector<6400x16xbf16>, vector<16x16xbf16>, vector<6400x16xf32> -> vector<6400x16xf32>
    %add3A_57 = arith.addf %dot_general3A_49, %dot_general3A_56 : vector<6400x16xf32>
    %eq3A_58 = arith.constant 0 : i32
    %eq3A_59 = vector.broadcast %eq3A_58 : i32 to vector<6400x16xi32>
    %eq3A_60 = arith.cmpi eq, %iota3A, %eq3A_59 : vector<6400x16xi32>
    %jit3A = arith.constant 0.000000e+00 : f32
    %broadcast_in_dim3A_61 = vector.shape_cast %sqrt3A : vector<6400x1xf32> to vector<6400x1xf32>
    %broadcast_in_dim3A_62 = vector.broadcast %broadcast_in_dim3A_61 : vector<6400x1xf32> to vector<6400x16xf32>
    %broadcast_in_dim3A_63 = vector.broadcast %jit3A : f32 to vector<6400x16xf32>
    %select_n3A = arith.select %eq3A_60, %broadcast_in_dim3A_62, %broadcast_in_dim3A_63 : vector<6400x16xi1>, vector<6400x16xf32>
    %add3A_64 = arith.addf %add3A_57, %select_n3A : vector<6400x16xf32>
    %get3A_65 = arith.constant 0 : index
    %get3A_66 = arith.constant 0 : index
    %get3A_67 = vector.load %arg10[%get3A_65, %get3A_66] : memref<16x16xf32, #tpu.memory_space<vmem>>, vector<16x16xf32>
    %convert_element_type3A_68 = arith.truncf %add3A_64 : vector<6400x16xf32> to vector<6400x16xbf16>
    %convert_element_type3A_69 = arith.truncf %add3A_64 : vector<6400x16xf32> to vector<6400x16xbf16>
    %dot_general3A_70 = arith.constant dense<0.000000e+00> : vector<16x16xf32>
    %dot_general3A_71 = tpu.matmul %convert_element_type3A_68, %convert_element_type3A_69, %dot_general3A_70 {dimension_numbers = #tpu.dot_dimension_numbers<[0], [0], [1], [1], [0, 1, 1, 1], [], []>, transpose_lhs_hint = false} : vector<6400x16xbf16>, vector<6400x16xbf16>, vector<16x16xf32> -> vector<16x16xf32>
    %add3A_72 = arith.addf %get3A_67, %dot_general3A_71 : vector<16x16xf32>
    %swap3A_73 = arith.constant 0 : index
    %swap3A_74 = arith.constant 0 : index
    %swap3A_75 = vector.load %arg10[%swap3A_73, %swap3A_74] : memref<16x16xf32, #tpu.memory_space<vmem>>, vector<16x16xf32>
    tpu.vector_store %arg10[%swap3A_73, %swap3A_74], %add3A_72 {strides = array<i32>} : memref<16x16xf32, #tpu.memory_space<vmem>>, vector<16x16xf32>,
    %get3A_76 = arith.constant 0 : index
    %get3A_77 = arith.constant 0 : index
    %get3A_78 = vector.load %arg11[%get3A_76, %get3A_77] : memref<1x16xf32, #tpu.memory_space<vmem>>, vector<1x16xf32>
    %reduce_sum3A_79 = arith.constant dense<0.000000e+00> : vector<16xf32>
    %reduce_sum3A_80 = vector.multi_reduction <add>, %add3A_64, %reduce_sum3A_79 [0] : vector<6400x16xf32> to vector<16xf32>
    %broadcast_in_dim3A_81 = vector.shape_cast %reduce_sum3A_80 : vector<16xf32> to vector<1x16xf32>
    %add3A_82 = arith.addf %get3A_78, %broadcast_in_dim3A_81 : vector<1x16xf32>
    %swap3A_83 = arith.constant 0 : index
    %swap3A_84 = arith.constant 0 : index
    %swap3A_85 = vector.load %arg11[%swap3A_83, %swap3A_84] : memref<1x16xf32, #tpu.memory_space<vmem>>, vector<1x16xf32>
    tpu.vector_store %arg11[%swap3A_83, %swap3A_84], %add3A_82 {strides = array<i32>} : memref<1x16xf32, #tpu.memory_space<vmem>>, vector<1x16xf32>,
    return
  }
  func.func @transform_0(%arg0: i32) -> (i32, i32) {
    %c0_i32 = arith.constant 0 : i32
    %c0_i32_0 = arith.constant 0 : i32
    return %arg0, %c0_i32 : i32, i32
  }
  func.func @transform_1(%arg0: i32) -> (i32, i32) {
    %c0_i32 = arith.constant 0 : i32
    %c0_i32_0 = arith.constant 0 : i32
    return %arg0, %c0_i32 : i32, i32
  }
  func.func @transform_2(%arg0: i32) -> (i32, i32) {
    %c0_i32 = arith.constant 0 : i32
    %c0_i32_0 = arith.constant 0 : i32
    return %arg0, %c0_i32 : i32, i32
  }
  func.func @transform_3(%arg0: i32) -> (i32, i32) {
    %c0_i32 = arith.constant 0 : i32
    %c0_i32_0 = arith.constant 0 : i32
    %c0_i32_1 = arith.constant 0 : i32
    return %c0_i32, %c0_i32_0 : i32, i32
  }
  func.func @transform_4(%arg0: i32) -> (i32, i32) {
    %c0_i32 = arith.constant 0 : i32
    %c0_i32_0 = arith.constant 0 : i32
    %c0_i32_1 = arith.constant 0 : i32
    return %c0_i32, %c0_i32_0 : i32, i32
  }
  func.func @transform_5(%arg0: i32) -> (i32, i32) {
    %c0_i32 = arith.constant 0 : i32
    %c0_i32_0 = arith.constant 0 : i32
    %c0_i32_1 = arith.constant 0 : i32
    return %c0_i32, %c0_i32_0 : i32, i32
  }
  func.func @transform_6(%arg0: i32) -> (i32, i32) {
    %c0_i32 = arith.constant 0 : i32
    %c0_i32_0 = arith.constant 0 : i32
    return %arg0, %c0_i32 : i32, i32
  }
  func.func @transform_7(%arg0: i32) -> (i32, i32) {
    %c0_i32 = arith.constant 0 : i32
    %c0_i32_0 = arith.constant 0 : i32
    %c0_i32_1 = arith.constant 0 : i32
    return %c0_i32, %c0_i32_0 : i32, i32
  }
  func.func @transform_8(%arg0: i32) -> (i32, i32) {
    %c0_i32 = arith.constant 0 : i32
    %c0_i32_0 = arith.constant 0 : i32
    %c0_i32_1 = arith.constant 0 : i32
    return %c0_i32, %c0_i32_0 : i32, i32
  }
  func.func @transform_9(%arg0: i32) -> (i32, i32) {
    %c0_i32 = arith.constant 0 : i32
    %c0_i32_0 = arith.constant 0 : i32
    %c0_i32_1 = arith.constant 0 : i32
    return %c0_i32, %c0_i32_0 : i32, i32
  }
  func.func @transform_10(%arg0: i32) -> (i32, i32) {
    %c0_i32 = arith.constant 0 : i32
    %c0_i32_0 = arith.constant 0 : i32
    %c0_i32_1 = arith.constant 0 : i32
    return %c0_i32, %c0_i32_0 : i32, i32
  }
}

module attributes {stable_mosaic.version = 14 : i64} {
  func.func @_kernel_att1(%arg0: i32, %arg1: memref<200x16xf32, #tpu.memory_space<vmem>>, %arg2: memref<6400x16xf32, #tpu.memory_space<vmem>>, %arg3: memref<6400x64xbf16, #tpu.memory_space<vmem>>, %arg4: memref<16x128xf32, #tpu.memory_space<vmem>>, %arg5: memref<16x128xf32, #tpu.memory_space<vmem>>, %arg6: memref<1x128xf32, #tpu.memory_space<vmem>>, %arg7: memref<1x128xf32, #tpu.memory_space<vmem>>, %arg8: memref<1x128xf32, #tpu.memory_space<vmem>>, %arg9: memref<1x64xf32, #tpu.memory_space<vmem>>, %arg10: memref<1x64xf32, #tpu.memory_space<vmem>>, %arg11: memref<128x128xf32, #tpu.memory_space<vmem>>, %arg12: memref<64x128xf32, #tpu.memory_space<vmem>>, %arg13: memref<200x64xf32, #tpu.memory_space<vmem>>, %arg14: memref<1x64xf32, #tpu.memory_space<vmem>>, %arg15: memref<1x64xf32, #tpu.memory_space<vmem>>, %arg16: memref<128x128xf32, #tpu.memory_space<vmem>>, %arg17: memref<1x128xf32, #tpu.memory_space<vmem>>) attributes {dimension_semantics = [#tpu.dimension_semantics<arbitrary>], iteration_bounds = array<i64: 50>, scalar_prefetch = 0 : i64, scratch_operands = 0 : i64, tpu.core_type = #tpu.core_type<tc>, window_params = [{transform_indices = @transform_0, window_bounds = array<i64: 200, 16>}, {transform_indices = @transform_1, window_bounds = array<i64: 6400, 16>}, {transform_indices = @transform_2, window_bounds = array<i64: 6400, 64>}, {pipeline_mode = #tpu.pipeline_mode<synchronous>, transform_indices = @transform_3, window_bounds = array<i64: 16, 128>}, {pipeline_mode = #tpu.pipeline_mode<synchronous>, transform_indices = @transform_4, window_bounds = array<i64: 16, 128>}, {pipeline_mode = #tpu.pipeline_mode<synchronous>, transform_indices = @transform_5, window_bounds = array<i64: 1, 128>}, {pipeline_mode = #tpu.pipeline_mode<synchronous>, transform_indices = @transform_6, window_bounds = array<i64: 1, 128>}, {pipeline_mode = #tpu.pipeline_mode<synchronous>, transform_indices = @transform_7, window_bounds = array<i64: 1, 128>}, {pipeline_mode = #tpu.pipeline_mode<synchronous>, transform_indices = @transform_8, window_bounds = array<i64: 1, 64>}, {pipeline_mode = #tpu.pipeline_mode<synchronous>, transform_indices = @transform_9, window_bounds = array<i64: 1, 64>}, {pipeline_mode = #tpu.pipeline_mode<synchronous>, transform_indices = @transform_10, window_bounds = array<i64: 128, 128>}, {pipeline_mode = #tpu.pipeline_mode<synchronous>, transform_indices = @transform_11, window_bounds = array<i64: 64, 128>}, {transform_indices = @transform_12, window_bounds = array<i64: 200, 64>}, {pipeline_mode = #tpu.pipeline_mode<synchronous>, transform_indices = @transform_13, window_bounds = array<i64: 1, 64>}, {pipeline_mode = #tpu.pipeline_mode<synchronous>, transform_indices = @transform_14, window_bounds = array<i64: 1, 64>}, {pipeline_mode = #tpu.pipeline_mode<synchronous>, transform_indices = @transform_15, window_bounds = array<i64: 128, 128>}, {pipeline_mode = #tpu.pipeline_mode<synchronous>, transform_indices = @transform_16, window_bounds = array<i64: 1, 128>}]} {
    %get3A = arith.constant 0 : index
    %get3A_0 = arith.constant 0 : index
    %get3A_1 = vector.load %arg2[%get3A, %get3A_0] : memref<6400x16xf32, #tpu.memory_space<vmem>>, vector<6400x16xf32>
    %get3A_2 = arith.constant 0 : index
    %get3A_3 = arith.constant 0 : index
    %get3A_4 = vector.load %arg1[%get3A_2, %get3A_3] : memref<200x16xf32, #tpu.memory_space<vmem>>, vector<200x16xf32>
    %broadcast_in_dim3A = vector.shape_cast %get3A_4 : vector<200x16xf32> to vector<200x1x16xf32>
    %broadcast_in_dim3A_5 = vector.shape_cast %broadcast_in_dim3A : vector<200x1x16xf32> to vector<200x1x16xf32>
    %broadcast_in_dim3A_6 = vector.broadcast %broadcast_in_dim3A_5 : vector<200x1x16xf32> to vector<200x32x16xf32>
    %reshape3A = vector.shape_cast %broadcast_in_dim3A_6 : vector<200x32x16xf32> to vector<6400x16xf32>
    %sub3A = arith.subf %reshape3A, %get3A_1 : vector<6400x16xf32>
    %mul3A = arith.mulf %sub3A, %sub3A : vector<6400x16xf32>
    %reduce_sum3A = arith.constant dense<0.000000e+00> : vector<6400xf32>
    %reduce_sum3A_7 = vector.multi_reduction <add>, %mul3A, %reduce_sum3A [1] : vector<6400x16xf32> to vector<6400xf32>
    %broadcast_in_dim3A_8 = vector.shape_cast %reduce_sum3A_7 : vector<6400xf32> to vector<6400x1xf32>
    %sqrt3A = math.sqrt %broadcast_in_dim3A_8 : vector<6400x1xf32>
    %get3A_9 = arith.constant 0 : index
    %get3A_10 = arith.constant 0 : index
    %get3A_11 = vector.load %arg4[%get3A_9, %get3A_10] : memref<16x128xf32, #tpu.memory_space<vmem>>, vector<16x128xf32>
    %convert_element_type3A = arith.truncf %get3A_4 : vector<200x16xf32> to vector<200x16xbf16>
    %convert_element_type3A_12 = arith.truncf %get3A_11 : vector<16x128xf32> to vector<16x128xbf16>
    %dot_general3A = arith.constant dense<0.000000e+00> : vector<200x128xf32>
    %dot_general3A_13 = tpu.matmul %convert_element_type3A, %convert_element_type3A_12, %dot_general3A {dimension_numbers = #tpu.dot_dimension_numbers<[1], [0], [0], [1], [0, 0, 1, 1], [], []>, transpose_lhs_hint = false} : vector<200x16xbf16>, vector<16x128xbf16>, vector<200x128xf32> -> vector<200x128xf32>
    %broadcast_in_dim3A_14 = vector.shape_cast %dot_general3A_13 : vector<200x128xf32> to vector<200x1x128xf32>
    %broadcast_in_dim3A_15 = vector.shape_cast %broadcast_in_dim3A_14 : vector<200x1x128xf32> to vector<200x1x128xf32>
    %broadcast_in_dim3A_16 = vector.broadcast %broadcast_in_dim3A_15 : vector<200x1x128xf32> to vector<200x32x128xf32>
    %reshape3A_17 = vector.shape_cast %broadcast_in_dim3A_16 : vector<200x32x128xf32> to vector<6400x128xf32>
    %get3A_18 = arith.constant 0 : index
    %get3A_19 = arith.constant 0 : index
    %get3A_20 = vector.load %arg5[%get3A_18, %get3A_19] : memref<16x128xf32, #tpu.memory_space<vmem>>, vector<16x128xf32>
    %convert_element_type3A_21 = arith.truncf %get3A_1 : vector<6400x16xf32> to vector<6400x16xbf16>
    %convert_element_type3A_22 = arith.truncf %get3A_20 : vector<16x128xf32> to vector<16x128xbf16>
    %dot_general3A_23 = arith.constant dense<0.000000e+00> : vector<6400x128xf32>
    %dot_general3A_24 = tpu.matmul %convert_element_type3A_21, %convert_element_type3A_22, %dot_general3A_23 {dimension_numbers = #tpu.dot_dimension_numbers<[1], [0], [0], [1], [0, 0, 1, 1], [], []>, transpose_lhs_hint = false} : vector<6400x16xbf16>, vector<16x128xbf16>, vector<6400x128xf32> -> vector<6400x128xf32>
    %add3A = arith.addf %reshape3A_17, %dot_general3A_24 : vector<6400x128xf32>
    %get3A_25 = arith.constant 0 : index
    %get3A_26 = arith.constant 0 : index
    %get3A_27 = vector.load %arg6[%get3A_25, %get3A_26] : memref<1x128xf32, #tpu.memory_space<vmem>>, vector<1x128xf32>
    %mul3A_28 = vector.broadcast %sqrt3A : vector<6400x1xf32> to vector<6400x128xf32>
    %mul3A_29 = vector.broadcast %get3A_27 : vector<1x128xf32> to vector<6400x128xf32>
    %mul3A_30 = arith.mulf %mul3A_28, %mul3A_29 : vector<6400x128xf32>
    %add3A_31 = arith.addf %add3A, %mul3A_30 : vector<6400x128xf32>
    %get3A_32 = arith.constant 0 : index
    %get3A_33 = arith.constant 0 : index
    %get3A_34 = vector.load %arg7[%get3A_32, %get3A_33] : memref<1x128xf32, #tpu.memory_space<vmem>>, vector<1x128xf32>
    %mul3A_35 = vector.broadcast %get3A_34 : vector<1x128xf32> to vector<6400x128xf32>
    %mul3A_36 = arith.mulf %add3A_31, %mul3A_35 : vector<6400x128xf32>
    %get3A_37 = arith.constant 0 : index
    %get3A_38 = arith.constant 0 : index
    %get3A_39 = vector.load %arg8[%get3A_37, %get3A_38] : memref<1x128xf32, #tpu.memory_space<vmem>>, vector<1x128xf32>
    %add3A_40 = vector.broadcast %get3A_39 : vector<1x128xf32> to vector<6400x128xf32>
    %add3A_41 = arith.addf %mul3A_36, %add3A_40 : vector<6400x128xf32>
    %max3A = arith.constant 0.000000e+00 : f32
    %max3A_42 = vector.broadcast %max3A : f32 to vector<6400x128xf32>
    %max3A_43 = arith.maximumf %add3A_41, %max3A_42 : vector<6400x128xf32>
    %get3A_44 = arith.constant 0 : index
    %get3A_45 = arith.constant 0 : index
    %get3A_46 = vector.load %arg3[%get3A_44, %get3A_45] : memref<6400x64xbf16, #tpu.memory_space<vmem>>, vector<6400x64xbf16>
    %convert_element_type3A_47 = arith.extf %get3A_46 : vector<6400x64xbf16> to vector<6400x64xf32>
    %get3A_48 = arith.constant 0 : index
    %get3A_49 = arith.constant 0 : index
    %get3A_50 = vector.load %arg9[%get3A_48, %get3A_49] : memref<1x64xf32, #tpu.memory_space<vmem>>, vector<1x64xf32>
    %mul3A_51 = vector.broadcast %get3A_50 : vector<1x64xf32> to vector<6400x64xf32>
    %mul3A_52 = arith.mulf %convert_element_type3A_47, %mul3A_51 : vector<6400x64xf32>
    %get3A_53 = arith.constant 0 : index
    %get3A_54 = arith.constant 0 : index
    %get3A_55 = vector.load %arg10[%get3A_53, %get3A_54] : memref<1x64xf32, #tpu.memory_space<vmem>>, vector<1x64xf32>
    %add3A_56 = vector.broadcast %get3A_55 : vector<1x64xf32> to vector<6400x64xf32>
    %add3A_57 = arith.addf %mul3A_52, %add3A_56 : vector<6400x64xf32>
    %max3A_58 = arith.constant 0.000000e+00 : f32
    %max3A_59 = vector.broadcast %max3A_58 : f32 to vector<6400x64xf32>
    %max3A_60 = arith.maximumf %add3A_57, %max3A_59 : vector<6400x64xf32>
    %jit3A = arith.constant 0 : i32
    %convert_element_type3A_61 = arith.sitofp %jit3A : i32 to f32
    %pad3A = vector.broadcast %convert_element_type3A_61 : f32 to vector<6400x64xf32>
    %pad3A_62 = tpu.concatenate %max3A_60, %pad3A in 1 : vector<6400x64xf32>, vector<6400x64xf32> -> vector<6400x128xf32>
    %add3A_63 = arith.addf %pad3A_62, %max3A_43 : vector<6400x128xf32>
    %get3A_64 = arith.constant 0 : index
    %get3A_65 = arith.constant 0 : index
    %get3A_66 = vector.load %arg11[%get3A_64, %get3A_65] : memref<128x128xf32, #tpu.memory_space<vmem>>, vector<128x128xf32>
    %convert_element_type3A_67 = arith.truncf %add3A_63 : vector<6400x128xf32> to vector<6400x128xbf16>
    %convert_element_type3A_68 = arith.truncf %get3A_66 : vector<128x128xf32> to vector<128x128xbf16>
    %dot_general3A_69 = arith.constant dense<0.000000e+00> : vector<6400x128xf32>
    %dot_general3A_70 = tpu.matmul %convert_element_type3A_67, %convert_element_type3A_68, %dot_general3A_69 {dimension_numbers = #tpu.dot_dimension_numbers<[1], [1], [0], [0], [0, 0, 1, 0], [], []>, transpose_lhs_hint = false} : vector<6400x128xbf16>, vector<128x128xbf16>, vector<6400x128xf32> -> vector<6400x128xf32>
    %reshape3A_71 = vector.shape_cast %dot_general3A_70 : vector<6400x128xf32> to vector<200x32x128xf32>
    %reduce_max3A = arith.constant dense<0xFF800000> : vector<200x128xf32>
    %reduce_max3A_72 = vector.multi_reduction <maximumf>, %reshape3A_71, %reduce_max3A [1] : vector<200x32x128xf32> to vector<200x128xf32>
    %broadcast_in_dim3A_73 = vector.shape_cast %reduce_max3A_72 : vector<200x128xf32> to vector<200x1x128xf32>
    %sub3A_74 = vector.broadcast %broadcast_in_dim3A_73 : vector<200x1x128xf32> to vector<200x32x128xf32>
    %sub3A_75 = arith.subf %reshape3A_71, %sub3A_74 : vector<200x32x128xf32>
    %exp3A = math.exp %sub3A_75 : vector<200x32x128xf32>
    %reduce_sum3A_76 = arith.constant dense<0.000000e+00> : vector<200x128xf32>
    %reduce_sum3A_77 = vector.multi_reduction <add>, %exp3A, %reduce_sum3A_76 [1] : vector<200x32x128xf32> to vector<200x128xf32>
    %broadcast_in_dim3A_78 = vector.shape_cast %reduce_sum3A_77 : vector<200x128xf32> to vector<200x1x128xf32>
    %div3A = vector.broadcast %broadcast_in_dim3A_78 : vector<200x1x128xf32> to vector<200x32x128xf32>
    %div3A_79 = arith.divf %exp3A, %div3A : vector<200x32x128xf32>
    %reshape3A_80 = vector.shape_cast %add3A_63 : vector<6400x128xf32> to vector<200x32x128xf32>
    %mul3A_81 = arith.mulf %reshape3A_80, %div3A_79 : vector<200x32x128xf32>
    %reduce_sum3A_82 = arith.constant dense<0.000000e+00> : vector<200x128xf32>
    %reduce_sum3A_83 = vector.multi_reduction <add>, %mul3A_81, %reduce_sum3A_82 [1] : vector<200x32x128xf32> to vector<200x128xf32>
    %get3A_84 = arith.constant 0 : index
    %get3A_85 = arith.constant 0 : index
    %get3A_86 = vector.load %arg12[%get3A_84, %get3A_85] : memref<64x128xf32, #tpu.memory_space<vmem>>, vector<64x128xf32>
    %convert_element_type3A_87 = arith.truncf %reduce_sum3A_83 : vector<200x128xf32> to vector<200x128xbf16>
    %convert_element_type3A_88 = arith.truncf %get3A_86 : vector<64x128xf32> to vector<64x128xbf16>
    %dot_general3A_89 = arith.constant dense<0.000000e+00> : vector<200x64xf32>
    %dot_general3A_90 = tpu.matmul %convert_element_type3A_87, %convert_element_type3A_88, %dot_general3A_89 {dimension_numbers = #tpu.dot_dimension_numbers<[1], [1], [0], [0], [0, 0, 1, 0], [], []>, transpose_lhs_hint = false} : vector<200x128xbf16>, vector<64x128xbf16>, vector<200x64xf32> -> vector<200x64xf32>
    %swap3A = arith.constant 0 : index
    %swap3A_91 = arith.constant 0 : index
    %swap3A_92 = vector.load %arg13[%swap3A, %swap3A_91] : memref<200x64xf32, #tpu.memory_space<vmem>>, vector<200x64xf32>
    tpu.vector_store %arg13[%swap3A, %swap3A_91], %dot_general3A_90 {strides = array<i32>} : memref<200x64xf32, #tpu.memory_space<vmem>>, vector<200x64xf32>,
    %eq3A = arith.constant 0 : i32
    %eq3A_93 = arith.cmpi eq, %arg0, %eq3A : i32
    %convert_element_type3A_94 = arith.extui %eq3A_93 : i1 to i32
    %cond3A = arith.constant 0 : i32
    %cond3A_95 = arith.cmpi ne, %convert_element_type3A_94, %cond3A : i32
    scf.if %cond3A_95 {
      %broadcast_in_dim3A_138 = arith.constant 0.000000e+00 : f32
      %broadcast_in_dim3A_139 = vector.broadcast %broadcast_in_dim3A_138 : f32 to vector<1x64xf32>
      %swap3A_140 = arith.constant 0 : index
      %swap3A_141 = arith.constant 0 : index
      %swap3A_142 = vector.load %arg14[%swap3A_140, %swap3A_141] : memref<1x64xf32, #tpu.memory_space<vmem>>, vector<1x64xf32>
      tpu.vector_store %arg14[%swap3A_140, %swap3A_141], %broadcast_in_dim3A_139 {strides = array<i32>} : memref<1x64xf32, #tpu.memory_space<vmem>>, vector<1x64xf32>,
      %broadcast_in_dim3A_143 = arith.constant 0.000000e+00 : f32
      %broadcast_in_dim3A_144 = vector.broadcast %broadcast_in_dim3A_143 : f32 to vector<1x64xf32>
      %swap3A_145 = arith.constant 0 : index
      %swap3A_146 = arith.constant 0 : index
      %swap3A_147 = vector.load %arg15[%swap3A_145, %swap3A_146] : memref<1x64xf32, #tpu.memory_space<vmem>>, vector<1x64xf32>
      tpu.vector_store %arg15[%swap3A_145, %swap3A_146], %broadcast_in_dim3A_144 {strides = array<i32>} : memref<1x64xf32, #tpu.memory_space<vmem>>, vector<1x64xf32>,
      %broadcast_in_dim3A_148 = arith.constant 0.000000e+00 : f32
      %broadcast_in_dim3A_149 = vector.broadcast %broadcast_in_dim3A_148 : f32 to vector<128x128xf32>
      %swap3A_150 = arith.constant 0 : index
      %swap3A_151 = arith.constant 0 : index
      %swap3A_152 = vector.load %arg16[%swap3A_150, %swap3A_151] : memref<128x128xf32, #tpu.memory_space<vmem>>, vector<128x128xf32>
      tpu.vector_store %arg16[%swap3A_150, %swap3A_151], %broadcast_in_dim3A_149 {strides = array<i32>} : memref<128x128xf32, #tpu.memory_space<vmem>>, vector<128x128xf32>,
      %broadcast_in_dim3A_153 = arith.constant 0.000000e+00 : f32
      %broadcast_in_dim3A_154 = vector.broadcast %broadcast_in_dim3A_153 : f32 to vector<1x128xf32>
      %swap3A_155 = arith.constant 0 : index
      %swap3A_156 = arith.constant 0 : index
      %swap3A_157 = vector.load %arg17[%swap3A_155, %swap3A_156] : memref<1x128xf32, #tpu.memory_space<vmem>>, vector<1x128xf32>
      tpu.vector_store %arg17[%swap3A_155, %swap3A_156], %broadcast_in_dim3A_154 {strides = array<i32>} : memref<1x128xf32, #tpu.memory_space<vmem>>, vector<1x128xf32>,
    } else {
    }
    %get3A_96 = arith.constant 0 : index
    %get3A_97 = arith.constant 0 : index
    %get3A_98 = vector.load %arg14[%get3A_96, %get3A_97] : memref<1x64xf32, #tpu.memory_space<vmem>>, vector<1x64xf32>
    %reduce_sum3A_99 = arith.constant dense<0.000000e+00> : vector<64xf32>
    %reduce_sum3A_100 = vector.multi_reduction <add>, %dot_general3A_90, %reduce_sum3A_99 [0] : vector<200x64xf32> to vector<64xf32>
    %broadcast_in_dim3A_101 = vector.shape_cast %reduce_sum3A_100 : vector<64xf32> to vector<1x64xf32>
    %add3A_102 = arith.addf %get3A_98, %broadcast_in_dim3A_101 : vector<1x64xf32>
    %swap3A_103 = arith.constant 0 : index
    %swap3A_104 = arith.constant 0 : index
    %swap3A_105 = vector.load %arg14[%swap3A_103, %swap3A_104] : memref<1x64xf32, #tpu.memory_space<vmem>>, vector<1x64xf32>
    tpu.vector_store %arg14[%swap3A_103, %swap3A_104], %add3A_102 {strides = array<i32>} : memref<1x64xf32, #tpu.memory_space<vmem>>, vector<1x64xf32>,
    %get3A_106 = arith.constant 0 : index
    %get3A_107 = arith.constant 0 : index
    %get3A_108 = vector.load %arg15[%get3A_106, %get3A_107] : memref<1x64xf32, #tpu.memory_space<vmem>>, vector<1x64xf32>
    %mul3A_109 = arith.mulf %dot_general3A_90, %dot_general3A_90 : vector<200x64xf32>
    %reduce_sum3A_110 = arith.constant dense<0.000000e+00> : vector<64xf32>
    %reduce_sum3A_111 = vector.multi_reduction <add>, %mul3A_109, %reduce_sum3A_110 [0] : vector<200x64xf32> to vector<64xf32>
    %broadcast_in_dim3A_112 = vector.shape_cast %reduce_sum3A_111 : vector<64xf32> to vector<1x64xf32>
    %add3A_113 = arith.addf %get3A_108, %broadcast_in_dim3A_112 : vector<1x64xf32>
    %swap3A_114 = arith.constant 0 : index
    %swap3A_115 = arith.constant 0 : index
    %swap3A_116 = vector.load %arg15[%swap3A_114, %swap3A_115] : memref<1x64xf32, #tpu.memory_space<vmem>>, vector<1x64xf32>
    tpu.vector_store %arg15[%swap3A_114, %swap3A_115], %add3A_113 {strides = array<i32>} : memref<1x64xf32, #tpu.memory_space<vmem>>, vector<1x64xf32>,
    %get3A_117 = arith.constant 0 : index
    %get3A_118 = arith.constant 0 : index
    %get3A_119 = vector.load %arg16[%get3A_117, %get3A_118] : memref<128x128xf32, #tpu.memory_space<vmem>>, vector<128x128xf32>
    %convert_element_type3A_120 = arith.truncf %add3A_63 : vector<6400x128xf32> to vector<6400x128xbf16>
    %convert_element_type3A_121 = arith.truncf %add3A_63 : vector<6400x128xf32> to vector<6400x128xbf16>
    %dot_general3A_122 = arith.constant dense<0.000000e+00> : vector<128x128xf32>
    %dot_general3A_123 = tpu.matmul %convert_element_type3A_120, %convert_element_type3A_121, %dot_general3A_122 {dimension_numbers = #tpu.dot_dimension_numbers<[0], [0], [1], [1], [0, 1, 1, 1], [], []>, transpose_lhs_hint = false} : vector<6400x128xbf16>, vector<6400x128xbf16>, vector<128x128xf32> -> vector<128x128xf32>
    %add3A_124 = arith.addf %get3A_119, %dot_general3A_123 : vector<128x128xf32>
    %swap3A_125 = arith.constant 0 : index
    %swap3A_126 = arith.constant 0 : index
    %swap3A_127 = vector.load %arg16[%swap3A_125, %swap3A_126] : memref<128x128xf32, #tpu.memory_space<vmem>>, vector<128x128xf32>
    tpu.vector_store %arg16[%swap3A_125, %swap3A_126], %add3A_124 {strides = array<i32>} : memref<128x128xf32, #tpu.memory_space<vmem>>, vector<128x128xf32>,
    %get3A_128 = arith.constant 0 : index
    %get3A_129 = arith.constant 0 : index
    %get3A_130 = vector.load %arg17[%get3A_128, %get3A_129] : memref<1x128xf32, #tpu.memory_space<vmem>>, vector<1x128xf32>
    %reduce_sum3A_131 = arith.constant dense<0.000000e+00> : vector<128xf32>
    %reduce_sum3A_132 = vector.multi_reduction <add>, %add3A_63, %reduce_sum3A_131 [0] : vector<6400x128xf32> to vector<128xf32>
    %broadcast_in_dim3A_133 = vector.shape_cast %reduce_sum3A_132 : vector<128xf32> to vector<1x128xf32>
    %add3A_134 = arith.addf %get3A_130, %broadcast_in_dim3A_133 : vector<1x128xf32>
    %swap3A_135 = arith.constant 0 : index
    %swap3A_136 = arith.constant 0 : index
    %swap3A_137 = vector.load %arg17[%swap3A_135, %swap3A_136] : memref<1x128xf32, #tpu.memory_space<vmem>>, vector<1x128xf32>
    tpu.vector_store %arg17[%swap3A_135, %swap3A_136], %add3A_134 {strides = array<i32>} : memref<1x128xf32, #tpu.memory_space<vmem>>, vector<1x128xf32>,
    return
  }
  func.func @transform_0(%arg0: i32) -> (i32, i32) {
    %c0_i32 = arith.constant 0 : i32
    %c0_i32_0 = arith.constant 0 : i32
    return %arg0, %c0_i32 : i32, i32
  }
  func.func @transform_1(%arg0: i32) -> (i32, i32) {
    %c0_i32 = arith.constant 0 : i32
    %c0_i32_0 = arith.constant 0 : i32
    return %arg0, %c0_i32 : i32, i32
  }
  func.func @transform_2(%arg0: i32) -> (i32, i32) {
    %c0_i32 = arith.constant 0 : i32
    %c0_i32_0 = arith.constant 0 : i32
    return %arg0, %c0_i32 : i32, i32
  }
  func.func @transform_3(%arg0: i32) -> (i32, i32) {
    %c0_i32 = arith.constant 0 : i32
    %c0_i32_0 = arith.constant 0 : i32
    %c0_i32_1 = arith.constant 0 : i32
    return %c0_i32, %c0_i32_0 : i32, i32
  }
  func.func @transform_4(%arg0: i32) -> (i32, i32) {
    %c0_i32 = arith.constant 0 : i32
    %c0_i32_0 = arith.constant 0 : i32
    %c0_i32_1 = arith.constant 0 : i32
    return %c0_i32, %c0_i32_0 : i32, i32
  }
  func.func @transform_5(%arg0: i32) -> (i32, i32) {
    %c0_i32 = arith.constant 0 : i32
    %c0_i32_0 = arith.constant 0 : i32
    %c0_i32_1 = arith.constant 0 : i32
    return %c0_i32, %c0_i32_0 : i32, i32
  }
  func.func @transform_6(%arg0: i32) -> (i32, i32) {
    %c0_i32 = arith.constant 0 : i32
    %c0_i32_0 = arith.constant 0 : i32
    %c0_i32_1 = arith.constant 0 : i32
    return %c0_i32, %c0_i32_0 : i32, i32
  }
  func.func @transform_7(%arg0: i32) -> (i32, i32) {
    %c0_i32 = arith.constant 0 : i32
    %c0_i32_0 = arith.constant 0 : i32
    %c0_i32_1 = arith.constant 0 : i32
    return %c0_i32, %c0_i32_0 : i32, i32
  }
  func.func @transform_8(%arg0: i32) -> (i32, i32) {
    %c0_i32 = arith.constant 0 : i32
    %c0_i32_0 = arith.constant 0 : i32
    %c0_i32_1 = arith.constant 0 : i32
    return %c0_i32, %c0_i32_0 : i32, i32
  }
  func.func @transform_9(%arg0: i32) -> (i32, i32) {
    %c0_i32 = arith.constant 0 : i32
    %c0_i32_0 = arith.constant 0 : i32
    %c0_i32_1 = arith.constant 0 : i32
    return %c0_i32, %c0_i32_0 : i32, i32
  }
  func.func @transform_10(%arg0: i32) -> (i32, i32) {
    %c0_i32 = arith.constant 0 : i32
    %c0_i32_0 = arith.constant 0 : i32
    %c0_i32_1 = arith.constant 0 : i32
    return %c0_i32, %c0_i32_0 : i32, i32
  }
  func.func @transform_11(%arg0: i32) -> (i32, i32) {
    %c0_i32 = arith.constant 0 : i32
    %c0_i32_0 = arith.constant 0 : i32
    %c0_i32_1 = arith.constant 0 : i32
    return %c0_i32, %c0_i32_0 : i32, i32
  }
  func.func @transform_12(%arg0: i32) -> (i32, i32) {
    %c0_i32 = arith.constant 0 : i32
    %c0_i32_0 = arith.constant 0 : i32
    return %arg0, %c0_i32 : i32, i32
  }
  func.func @transform_13(%arg0: i32) -> (i32, i32) {
    %c0_i32 = arith.constant 0 : i32
    %c0_i32_0 = arith.constant 0 : i32
    %c0_i32_1 = arith.constant 0 : i32
    return %c0_i32, %c0_i32_0 : i32, i32
  }
  func.func @transform_14(%arg0: i32) -> (i32, i32) {
    %c0_i32 = arith.constant 0 : i32
    %c0_i32_0 = arith.constant 0 : i32
    %c0_i32_1 = arith.constant 0 : i32
    return %c0_i32, %c0_i32_0 : i32, i32
  }
  func.func @transform_15(%arg0: i32) -> (i32, i32) {
    %c0_i32 = arith.constant 0 : i32
    %c0_i32_0 = arith.constant 0 : i32
    %c0_i32_1 = arith.constant 0 : i32
    return %c0_i32, %c0_i32_0 : i32, i32
  }
  func.func @transform_16(%arg0: i32) -> (i32, i32) {
    %c0_i32 = arith.constant 0 : i32
    %c0_i32_0 = arith.constant 0 : i32
    %c0_i32_1 = arith.constant 0 : i32
    return %c0_i32, %c0_i32_0 : i32, i32
  }
}

module attributes {stable_mosaic.version = 14 : i64} {
  func.func @_kernel_att2(%arg0: i32, %arg1: memref<200x16xf32, #tpu.memory_space<vmem>>, %arg2: memref<6400x16xf32, #tpu.memory_space<vmem>>, %arg3: memref<6400x64xbf16, #tpu.memory_space<vmem>>, %arg4: memref<16x128xf32, #tpu.memory_space<vmem>>, %arg5: memref<16x128xf32, #tpu.memory_space<vmem>>, %arg6: memref<1x128xf32, #tpu.memory_space<vmem>>, %arg7: memref<1x128xf32, #tpu.memory_space<vmem>>, %arg8: memref<1x128xf32, #tpu.memory_space<vmem>>, %arg9: memref<128x128xf32, #tpu.memory_space<vmem>>, %arg10: memref<1x128xf32, #tpu.memory_space<vmem>>, %arg11: memref<1x128xf32, #tpu.memory_space<vmem>>, %arg12: memref<1x64xf32, #tpu.memory_space<vmem>>, %arg13: memref<1x64xf32, #tpu.memory_space<vmem>>, %arg14: memref<128x128xf32, #tpu.memory_space<vmem>>, %arg15: memref<128x128xf32, #tpu.memory_space<vmem>>, %arg16: memref<200x128xf32, #tpu.memory_space<vmem>>, %arg17: memref<1x128xf32, #tpu.memory_space<vmem>>, %arg18: memref<1x128xf32, #tpu.memory_space<vmem>>) attributes {dimension_semantics = [#tpu.dimension_semantics<arbitrary>], iteration_bounds = array<i64: 50>, scalar_prefetch = 0 : i64, scratch_operands = 0 : i64, tpu.core_type = #tpu.core_type<tc>, window_params = [{transform_indices = @transform_0, window_bounds = array<i64: 200, 16>}, {transform_indices = @transform_1, window_bounds = array<i64: 6400, 16>}, {transform_indices = @transform_2, window_bounds = array<i64: 6400, 64>}, {pipeline_mode = #tpu.pipeline_mode<synchronous>, transform_indices = @transform_3, window_bounds = array<i64: 16, 128>}, {pipeline_mode = #tpu.pipeline_mode<synchronous>, transform_indices = @transform_4, window_bounds = array<i64: 16, 128>}, {pipeline_mode = #tpu.pipeline_mode<synchronous>, transform_indices = @transform_5, window_bounds = array<i64: 1, 128>}, {pipeline_mode = #tpu.pipeline_mode<synchronous>, transform_indices = @transform_6, window_bounds = array<i64: 1, 128>}, {pipeline_mode = #tpu.pipeline_mode<synchronous>, transform_indices = @transform_7, window_bounds = array<i64: 1, 128>}, {pipeline_mode = #tpu.pipeline_mode<synchronous>, transform_indices = @transform_8, window_bounds = array<i64: 128, 128>}, {pipeline_mode = #tpu.pipeline_mode<synchronous>, transform_indices = @transform_9, window_bounds = array<i64: 1, 128>}, {pipeline_mode = #tpu.pipeline_mode<synchronous>, transform_indices = @transform_10, window_bounds = array<i64: 1, 128>}, {pipeline_mode = #tpu.pipeline_mode<synchronous>, transform_indices = @transform_11, window_bounds = array<i64: 1, 64>}, {pipeline_mode = #tpu.pipeline_mode<synchronous>, transform_indices = @transform_12, window_bounds = array<i64: 1, 64>}, {pipeline_mode = #tpu.pipeline_mode<synchronous>, transform_indices = @transform_13, window_bounds = array<i64: 128, 128>}, {pipeline_mode = #tpu.pipeline_mode<synchronous>, transform_indices = @transform_14, window_bounds = array<i64: 128, 128>}, {transform_indices = @transform_15, window_bounds = array<i64: 200, 128>}, {pipeline_mode = #tpu.pipeline_mode<synchronous>, transform_indices = @transform_16, window_bounds = array<i64: 1, 128>}, {pipeline_mode = #tpu.pipeline_mode<synchronous>, transform_indices = @transform_17, window_bounds = array<i64: 1, 128>}]} {
    %get3A = arith.constant 0 : index
    %get3A_0 = arith.constant 0 : index
    %get3A_1 = vector.load %arg2[%get3A, %get3A_0] : memref<6400x16xf32, #tpu.memory_space<vmem>>, vector<6400x16xf32>
    %get3A_2 = arith.constant 0 : index
    %get3A_3 = arith.constant 0 : index
    %get3A_4 = vector.load %arg1[%get3A_2, %get3A_3] : memref<200x16xf32, #tpu.memory_space<vmem>>, vector<200x16xf32>
    %broadcast_in_dim3A = vector.shape_cast %get3A_4 : vector<200x16xf32> to vector<200x1x16xf32>
    %broadcast_in_dim3A_5 = vector.shape_cast %broadcast_in_dim3A : vector<200x1x16xf32> to vector<200x1x16xf32>
    %broadcast_in_dim3A_6 = vector.broadcast %broadcast_in_dim3A_5 : vector<200x1x16xf32> to vector<200x32x16xf32>
    %reshape3A = vector.shape_cast %broadcast_in_dim3A_6 : vector<200x32x16xf32> to vector<6400x16xf32>
    %sub3A = arith.subf %reshape3A, %get3A_1 : vector<6400x16xf32>
    %mul3A = arith.mulf %sub3A, %sub3A : vector<6400x16xf32>
    %reduce_sum3A = arith.constant dense<0.000000e+00> : vector<6400xf32>
    %reduce_sum3A_7 = vector.multi_reduction <add>, %mul3A, %reduce_sum3A [1] : vector<6400x16xf32> to vector<6400xf32>
    %broadcast_in_dim3A_8 = vector.shape_cast %reduce_sum3A_7 : vector<6400xf32> to vector<6400x1xf32>
    %sqrt3A = math.sqrt %broadcast_in_dim3A_8 : vector<6400x1xf32>
    %get3A_9 = arith.constant 0 : index
    %get3A_10 = arith.constant 0 : index
    %get3A_11 = vector.load %arg4[%get3A_9, %get3A_10] : memref<16x128xf32, #tpu.memory_space<vmem>>, vector<16x128xf32>
    %convert_element_type3A = arith.truncf %get3A_4 : vector<200x16xf32> to vector<200x16xbf16>
    %convert_element_type3A_12 = arith.truncf %get3A_11 : vector<16x128xf32> to vector<16x128xbf16>
    %dot_general3A = arith.constant dense<0.000000e+00> : vector<200x128xf32>
    %dot_general3A_13 = tpu.matmul %convert_element_type3A, %convert_element_type3A_12, %dot_general3A {dimension_numbers = #tpu.dot_dimension_numbers<[1], [0], [0], [1], [0, 0, 1, 1], [], []>, transpose_lhs_hint = false} : vector<200x16xbf16>, vector<16x128xbf16>, vector<200x128xf32> -> vector<200x128xf32>
    %broadcast_in_dim3A_14 = vector.shape_cast %dot_general3A_13 : vector<200x128xf32> to vector<200x1x128xf32>
    %broadcast_in_dim3A_15 = vector.shape_cast %broadcast_in_dim3A_14 : vector<200x1x128xf32> to vector<200x1x128xf32>
    %broadcast_in_dim3A_16 = vector.broadcast %broadcast_in_dim3A_15 : vector<200x1x128xf32> to vector<200x32x128xf32>
    %reshape3A_17 = vector.shape_cast %broadcast_in_dim3A_16 : vector<200x32x128xf32> to vector<6400x128xf32>
    %get3A_18 = arith.constant 0 : index
    %get3A_19 = arith.constant 0 : index
    %get3A_20 = vector.load %arg5[%get3A_18, %get3A_19] : memref<16x128xf32, #tpu.memory_space<vmem>>, vector<16x128xf32>
    %convert_element_type3A_21 = arith.truncf %get3A_1 : vector<6400x16xf32> to vector<6400x16xbf16>
    %convert_element_type3A_22 = arith.truncf %get3A_20 : vector<16x128xf32> to vector<16x128xbf16>
    %dot_general3A_23 = arith.constant dense<0.000000e+00> : vector<6400x128xf32>
    %dot_general3A_24 = tpu.matmul %convert_element_type3A_21, %convert_element_type3A_22, %dot_general3A_23 {dimension_numbers = #tpu.dot_dimension_numbers<[1], [0], [0], [1], [0, 0, 1, 1], [], []>, transpose_lhs_hint = false} : vector<6400x16xbf16>, vector<16x128xbf16>, vector<6400x128xf32> -> vector<6400x128xf32>
    %add3A = arith.addf %reshape3A_17, %dot_general3A_24 : vector<6400x128xf32>
    %get3A_25 = arith.constant 0 : index
    %get3A_26 = arith.constant 0 : index
    %get3A_27 = vector.load %arg6[%get3A_25, %get3A_26] : memref<1x128xf32, #tpu.memory_space<vmem>>, vector<1x128xf32>
    %mul3A_28 = vector.broadcast %sqrt3A : vector<6400x1xf32> to vector<6400x128xf32>
    %mul3A_29 = vector.broadcast %get3A_27 : vector<1x128xf32> to vector<6400x128xf32>
    %mul3A_30 = arith.mulf %mul3A_28, %mul3A_29 : vector<6400x128xf32>
    %add3A_31 = arith.addf %add3A, %mul3A_30 : vector<6400x128xf32>
    %get3A_32 = arith.constant 0 : index
    %get3A_33 = arith.constant 0 : index
    %get3A_34 = vector.load %arg7[%get3A_32, %get3A_33] : memref<1x128xf32, #tpu.memory_space<vmem>>, vector<1x128xf32>
    %mul3A_35 = vector.broadcast %get3A_34 : vector<1x128xf32> to vector<6400x128xf32>
    %mul3A_36 = arith.mulf %add3A_31, %mul3A_35 : vector<6400x128xf32>
    %get3A_37 = arith.constant 0 : index
    %get3A_38 = arith.constant 0 : index
    %get3A_39 = vector.load %arg8[%get3A_37, %get3A_38] : memref<1x128xf32, #tpu.memory_space<vmem>>, vector<1x128xf32>
    %add3A_40 = vector.broadcast %get3A_39 : vector<1x128xf32> to vector<6400x128xf32>
    %add3A_41 = arith.addf %mul3A_36, %add3A_40 : vector<6400x128xf32>
    %max3A = arith.constant 0.000000e+00 : f32
    %max3A_42 = vector.broadcast %max3A : f32 to vector<6400x128xf32>
    %max3A_43 = arith.maximumf %add3A_41, %max3A_42 : vector<6400x128xf32>
    %get3A_44 = arith.constant 0 : index
    %get3A_45 = arith.constant 0 : index
    %get3A_46 = vector.load %arg9[%get3A_44, %get3A_45] : memref<128x128xf32, #tpu.memory_space<vmem>>, vector<128x128xf32>
    %convert_element_type3A_47 = arith.truncf %max3A_43 : vector<6400x128xf32> to vector<6400x128xbf16>
    %convert_element_type3A_48 = arith.truncf %get3A_46 : vector<128x128xf32> to vector<128x128xbf16>
    %dot_general3A_49 = arith.constant dense<0.000000e+00> : vector<6400x128xf32>
    %dot_general3A_50 = tpu.matmul %convert_element_type3A_47, %convert_element_type3A_48, %dot_general3A_49 {dimension_numbers = #tpu.dot_dimension_numbers<[1], [1], [0], [0], [0, 0, 1, 0], [], []>, transpose_lhs_hint = false} : vector<6400x128xbf16>, vector<128x128xbf16>, vector<6400x128xf32> -> vector<6400x128xf32>
    %get3A_51 = arith.constant 0 : index
    %get3A_52 = arith.constant 0 : index
    %get3A_53 = vector.load %arg10[%get3A_51, %get3A_52] : memref<1x128xf32, #tpu.memory_space<vmem>>, vector<1x128xf32>
    %mul3A_54 = vector.broadcast %get3A_53 : vector<1x128xf32> to vector<6400x128xf32>
    %mul3A_55 = arith.mulf %dot_general3A_50, %mul3A_54 : vector<6400x128xf32>
    %get3A_56 = arith.constant 0 : index
    %get3A_57 = arith.constant 0 : index
    %get3A_58 = vector.load %arg11[%get3A_56, %get3A_57] : memref<1x128xf32, #tpu.memory_space<vmem>>, vector<1x128xf32>
    %add3A_59 = vector.broadcast %get3A_58 : vector<1x128xf32> to vector<6400x128xf32>
    %add3A_60 = arith.addf %mul3A_55, %add3A_59 : vector<6400x128xf32>
    %max3A_61 = arith.constant 0.000000e+00 : f32
    %max3A_62 = vector.broadcast %max3A_61 : f32 to vector<6400x128xf32>
    %max3A_63 = arith.maximumf %add3A_60, %max3A_62 : vector<6400x128xf32>
    %get3A_64 = arith.constant 0 : index
    %get3A_65 = arith.constant 0 : index
    %get3A_66 = vector.load %arg3[%get3A_64, %get3A_65] : memref<6400x64xbf16, #tpu.memory_space<vmem>>, vector<6400x64xbf16>
    %convert_element_type3A_67 = arith.extf %get3A_66 : vector<6400x64xbf16> to vector<6400x64xf32>
    %get3A_68 = arith.constant 0 : index
    %get3A_69 = arith.constant 0 : index
    %get3A_70 = vector.load %arg12[%get3A_68, %get3A_69] : memref<1x64xf32, #tpu.memory_space<vmem>>, vector<1x64xf32>
    %mul3A_71 = vector.broadcast %get3A_70 : vector<1x64xf32> to vector<6400x64xf32>
    %mul3A_72 = arith.mulf %convert_element_type3A_67, %mul3A_71 : vector<6400x64xf32>
    %get3A_73 = arith.constant 0 : index
    %get3A_74 = arith.constant 0 : index
    %get3A_75 = vector.load %arg13[%get3A_73, %get3A_74] : memref<1x64xf32, #tpu.memory_space<vmem>>, vector<1x64xf32>
    %add3A_76 = vector.broadcast %get3A_75 : vector<1x64xf32> to vector<6400x64xf32>
    %add3A_77 = arith.addf %mul3A_72, %add3A_76 : vector<6400x64xf32>
    %max3A_78 = arith.constant 0.000000e+00 : f32
    %max3A_79 = vector.broadcast %max3A_78 : f32 to vector<6400x64xf32>
    %max3A_80 = arith.maximumf %add3A_77, %max3A_79 : vector<6400x64xf32>
    %jit3A = arith.constant 0 : i32
    %convert_element_type3A_81 = arith.sitofp %jit3A : i32 to f32
    %pad3A = vector.broadcast %convert_element_type3A_81 : f32 to vector<6400x64xf32>
    %pad3A_82 = tpu.concatenate %max3A_80, %pad3A in 1 : vector<6400x64xf32>, vector<6400x64xf32> -> vector<6400x128xf32>
    %add3A_83 = arith.addf %pad3A_82, %max3A_63 : vector<6400x128xf32>
    %get3A_84 = arith.constant 0 : index
    %get3A_85 = arith.constant 0 : index
    %get3A_86 = vector.load %arg14[%get3A_84, %get3A_85] : memref<128x128xf32, #tpu.memory_space<vmem>>, vector<128x128xf32>
    %convert_element_type3A_87 = arith.truncf %add3A_83 : vector<6400x128xf32> to vector<6400x128xbf16>
    %convert_element_type3A_88 = arith.truncf %get3A_86 : vector<128x128xf32> to vector<128x128xbf16>
    %dot_general3A_89 = arith.constant dense<0.000000e+00> : vector<6400x128xf32>
    %dot_general3A_90 = tpu.matmul %convert_element_type3A_87, %convert_element_type3A_88, %dot_general3A_89 {dimension_numbers = #tpu.dot_dimension_numbers<[1], [1], [0], [0], [0, 0, 1, 0], [], []>, transpose_lhs_hint = false} : vector<6400x128xbf16>, vector<128x128xbf16>, vector<6400x128xf32> -> vector<6400x128xf32>
    %reshape3A_91 = vector.shape_cast %dot_general3A_90 : vector<6400x128xf32> to vector<200x32x128xf32>
    %reduce_max3A = arith.constant dense<0xFF800000> : vector<200x128xf32>
    %reduce_max3A_92 = vector.multi_reduction <maximumf>, %reshape3A_91, %reduce_max3A [1] : vector<200x32x128xf32> to vector<200x128xf32>
    %broadcast_in_dim3A_93 = vector.shape_cast %reduce_max3A_92 : vector<200x128xf32> to vector<200x1x128xf32>
    %sub3A_94 = vector.broadcast %broadcast_in_dim3A_93 : vector<200x1x128xf32> to vector<200x32x128xf32>
    %sub3A_95 = arith.subf %reshape3A_91, %sub3A_94 : vector<200x32x128xf32>
    %exp3A = math.exp %sub3A_95 : vector<200x32x128xf32>
    %reduce_sum3A_96 = arith.constant dense<0.000000e+00> : vector<200x128xf32>
    %reduce_sum3A_97 = vector.multi_reduction <add>, %exp3A, %reduce_sum3A_96 [1] : vector<200x32x128xf32> to vector<200x128xf32>
    %broadcast_in_dim3A_98 = vector.shape_cast %reduce_sum3A_97 : vector<200x128xf32> to vector<200x1x128xf32>
    %div3A = vector.broadcast %broadcast_in_dim3A_98 : vector<200x1x128xf32> to vector<200x32x128xf32>
    %div3A_99 = arith.divf %exp3A, %div3A : vector<200x32x128xf32>
    %reshape3A_100 = vector.shape_cast %add3A_83 : vector<6400x128xf32> to vector<200x32x128xf32>
    %mul3A_101 = arith.mulf %reshape3A_100, %div3A_99 : vector<200x32x128xf32>
    %reduce_sum3A_102 = arith.constant dense<0.000000e+00> : vector<200x128xf32>
    %reduce_sum3A_103 = vector.multi_reduction <add>, %mul3A_101, %reduce_sum3A_102 [1] : vector<200x32x128xf32> to vector<200x128xf32>
    %get3A_104 = arith.constant 0 : index
    %get3A_105 = arith.constant 0 : index
    %get3A_106 = vector.load %arg15[%get3A_104, %get3A_105] : memref<128x128xf32, #tpu.memory_space<vmem>>, vector<128x128xf32>
    %convert_element_type3A_107 = arith.truncf %reduce_sum3A_103 : vector<200x128xf32> to vector<200x128xbf16>
    %convert_element_type3A_108 = arith.truncf %get3A_106 : vector<128x128xf32> to vector<128x128xbf16>
    %dot_general3A_109 = arith.constant dense<0.000000e+00> : vector<200x128xf32>
    %dot_general3A_110 = tpu.matmul %convert_element_type3A_107, %convert_element_type3A_108, %dot_general3A_109 {dimension_numbers = #tpu.dot_dimension_numbers<[1], [1], [0], [0], [0, 0, 1, 0], [], []>, transpose_lhs_hint = false} : vector<200x128xbf16>, vector<128x128xbf16>, vector<200x128xf32> -> vector<200x128xf32>
    %swap3A = arith.constant 0 : index
    %swap3A_111 = arith.constant 0 : index
    %swap3A_112 = vector.load %arg16[%swap3A, %swap3A_111] : memref<200x128xf32, #tpu.memory_space<vmem>>, vector<200x128xf32>
    tpu.vector_store %arg16[%swap3A, %swap3A_111], %dot_general3A_110 {strides = array<i32>} : memref<200x128xf32, #tpu.memory_space<vmem>>, vector<200x128xf32>,
    %eq3A = arith.constant 0 : i32
    %eq3A_113 = arith.cmpi eq, %arg0, %eq3A : i32
    %convert_element_type3A_114 = arith.extui %eq3A_113 : i1 to i32
    %cond3A = arith.constant 0 : i32
    %cond3A_115 = arith.cmpi ne, %convert_element_type3A_114, %cond3A : i32
    scf.if %cond3A_115 {
      %broadcast_in_dim3A_137 = arith.constant 0.000000e+00 : f32
      %broadcast_in_dim3A_138 = vector.broadcast %broadcast_in_dim3A_137 : f32 to vector<1x128xf32>
      %swap3A_139 = arith.constant 0 : index
      %swap3A_140 = arith.constant 0 : index
      %swap3A_141 = vector.load %arg17[%swap3A_139, %swap3A_140] : memref<1x128xf32, #tpu.memory_space<vmem>>, vector<1x128xf32>
      tpu.vector_store %arg17[%swap3A_139, %swap3A_140], %broadcast_in_dim3A_138 {strides = array<i32>} : memref<1x128xf32, #tpu.memory_space<vmem>>, vector<1x128xf32>,
      %broadcast_in_dim3A_142 = arith.constant 0.000000e+00 : f32
      %broadcast_in_dim3A_143 = vector.broadcast %broadcast_in_dim3A_142 : f32 to vector<1x128xf32>
      %swap3A_144 = arith.constant 0 : index
      %swap3A_145 = arith.constant 0 : index
      %swap3A_146 = vector.load %arg18[%swap3A_144, %swap3A_145] : memref<1x128xf32, #tpu.memory_space<vmem>>, vector<1x128xf32>
      tpu.vector_store %arg18[%swap3A_144, %swap3A_145], %broadcast_in_dim3A_143 {strides = array<i32>} : memref<1x128xf32, #tpu.memory_space<vmem>>, vector<1x128xf32>,
    } else {
    }
    %get3A_116 = arith.constant 0 : index
    %get3A_117 = arith.constant 0 : index
    %get3A_118 = vector.load %arg17[%get3A_116, %get3A_117] : memref<1x128xf32, #tpu.memory_space<vmem>>, vector<1x128xf32>
    %reduce_sum3A_119 = arith.constant dense<0.000000e+00> : vector<128xf32>
    %reduce_sum3A_120 = vector.multi_reduction <add>, %dot_general3A_110, %reduce_sum3A_119 [0] : vector<200x128xf32> to vector<128xf32>
    %broadcast_in_dim3A_121 = vector.shape_cast %reduce_sum3A_120 : vector<128xf32> to vector<1x128xf32>
    %add3A_122 = arith.addf %get3A_118, %broadcast_in_dim3A_121 : vector<1x128xf32>
    %swap3A_123 = arith.constant 0 : index
    %swap3A_124 = arith.constant 0 : index
    %swap3A_125 = vector.load %arg17[%swap3A_123, %swap3A_124] : memref<1x128xf32, #tpu.memory_space<vmem>>, vector<1x128xf32>
    tpu.vector_store %arg17[%swap3A_123, %swap3A_124], %add3A_122 {strides = array<i32>} : memref<1x128xf32, #tpu.memory_space<vmem>>, vector<1x128xf32>,
    %get3A_126 = arith.constant 0 : index
    %get3A_127 = arith.constant 0 : index
    %get3A_128 = vector.load %arg18[%get3A_126, %get3A_127] : memref<1x128xf32, #tpu.memory_space<vmem>>, vector<1x128xf32>
    %mul3A_129 = arith.mulf %dot_general3A_110, %dot_general3A_110 : vector<200x128xf32>
    %reduce_sum3A_130 = arith.constant dense<0.000000e+00> : vector<128xf32>
    %reduce_sum3A_131 = vector.multi_reduction <add>, %mul3A_129, %reduce_sum3A_130 [0] : vector<200x128xf32> to vector<128xf32>
    %broadcast_in_dim3A_132 = vector.shape_cast %reduce_sum3A_131 : vector<128xf32> to vector<1x128xf32>
    %add3A_133 = arith.addf %get3A_128, %broadcast_in_dim3A_132 : vector<1x128xf32>
    %swap3A_134 = arith.constant 0 : index
    %swap3A_135 = arith.constant 0 : index
    %swap3A_136 = vector.load %arg18[%swap3A_134, %swap3A_135] : memref<1x128xf32, #tpu.memory_space<vmem>>, vector<1x128xf32>
    tpu.vector_store %arg18[%swap3A_134, %swap3A_135], %add3A_133 {strides = array<i32>} : memref<1x128xf32, #tpu.memory_space<vmem>>, vector<1x128xf32>,
    return
  }
  func.func @transform_0(%arg0: i32) -> (i32, i32) {
    %c0_i32 = arith.constant 0 : i32
    %c0_i32_0 = arith.constant 0 : i32
    return %arg0, %c0_i32 : i32, i32
  }
  func.func @transform_1(%arg0: i32) -> (i32, i32) {
    %c0_i32 = arith.constant 0 : i32
    %c0_i32_0 = arith.constant 0 : i32
    return %arg0, %c0_i32 : i32, i32
  }
  func.func @transform_2(%arg0: i32) -> (i32, i32) {
    %c0_i32 = arith.constant 0 : i32
    %c0_i32_0 = arith.constant 0 : i32
    return %arg0, %c0_i32 : i32, i32
  }
  func.func @transform_3(%arg0: i32) -> (i32, i32) {
    %c0_i32 = arith.constant 0 : i32
    %c0_i32_0 = arith.constant 0 : i32
    %c0_i32_1 = arith.constant 0 : i32
    return %c0_i32, %c0_i32_0 : i32, i32
  }
  func.func @transform_4(%arg0: i32) -> (i32, i32) {
    %c0_i32 = arith.constant 0 : i32
    %c0_i32_0 = arith.constant 0 : i32
    %c0_i32_1 = arith.constant 0 : i32
    return %c0_i32, %c0_i32_0 : i32, i32
  }
  func.func @transform_5(%arg0: i32) -> (i32, i32) {
    %c0_i32 = arith.constant 0 : i32
    %c0_i32_0 = arith.constant 0 : i32
    %c0_i32_1 = arith.constant 0 : i32
    return %c0_i32, %c0_i32_0 : i32, i32
  }
  func.func @transform_6(%arg0: i32) -> (i32, i32) {
    %c0_i32 = arith.constant 0 : i32
    %c0_i32_0 = arith.constant 0 : i32
    %c0_i32_1 = arith.constant 0 : i32
    return %c0_i32, %c0_i32_0 : i32, i32
  }
  func.func @transform_7(%arg0: i32) -> (i32, i32) {
    %c0_i32 = arith.constant 0 : i32
    %c0_i32_0 = arith.constant 0 : i32
    %c0_i32_1 = arith.constant 0 : i32
    return %c0_i32, %c0_i32_0 : i32, i32
  }
  func.func @transform_8(%arg0: i32) -> (i32, i32) {
    %c0_i32 = arith.constant 0 : i32
    %c0_i32_0 = arith.constant 0 : i32
    %c0_i32_1 = arith.constant 0 : i32
    return %c0_i32, %c0_i32_0 : i32, i32
  }
  func.func @transform_9(%arg0: i32) -> (i32, i32) {
    %c0_i32 = arith.constant 0 : i32
    %c0_i32_0 = arith.constant 0 : i32
    %c0_i32_1 = arith.constant 0 : i32
    return %c0_i32, %c0_i32_0 : i32, i32
  }
  func.func @transform_10(%arg0: i32) -> (i32, i32) {
    %c0_i32 = arith.constant 0 : i32
    %c0_i32_0 = arith.constant 0 : i32
    %c0_i32_1 = arith.constant 0 : i32
    return %c0_i32, %c0_i32_0 : i32, i32
  }
  func.func @transform_11(%arg0: i32) -> (i32, i32) {
    %c0_i32 = arith.constant 0 : i32
    %c0_i32_0 = arith.constant 0 : i32
    %c0_i32_1 = arith.constant 0 : i32
    return %c0_i32, %c0_i32_0 : i32, i32
  }
  func.func @transform_12(%arg0: i32) -> (i32, i32) {
    %c0_i32 = arith.constant 0 : i32
    %c0_i32_0 = arith.constant 0 : i32
    %c0_i32_1 = arith.constant 0 : i32
    return %c0_i32, %c0_i32_0 : i32, i32
  }
  func.func @transform_13(%arg0: i32) -> (i32, i32) {
    %c0_i32 = arith.constant 0 : i32
    %c0_i32_0 = arith.constant 0 : i32
    %c0_i32_1 = arith.constant 0 : i32
    return %c0_i32, %c0_i32_0 : i32, i32
  }
  func.func @transform_14(%arg0: i32) -> (i32, i32) {
    %c0_i32 = arith.constant 0 : i32
    %c0_i32_0 = arith.constant 0 : i32
    %c0_i32_1 = arith.constant 0 : i32
    return %c0_i32, %c0_i32_0 : i32, i32
  }
  func.func @transform_15(%arg0: i32) -> (i32, i32) {
    %c0_i32 = arith.constant 0 : i32
    %c0_i32_0 = arith.constant 0 : i32
    return %arg0, %c0_i32 : i32, i32
  }
  func.func @transform_16(%arg0: i32) -> (i32, i32) {
    %c0_i32 = arith.constant 0 : i32
    %c0_i32_0 = arith.constant 0 : i32
    %c0_i32_1 = arith.constant 0 : i32
    return %c0_i32, %c0_i32_0 : i32, i32
  }
  func.func @transform_17(%arg0: i32) -> (i32, i32) {
    %c0_i32 = arith.constant 0 : i32
    %c0_i32_0 = arith.constant 0 : i32
    %c0_i32_1 = arith.constant 0 : i32
    return %c0_i32, %c0_i32_0 : i32, i32
  }
}

module attributes {stable_mosaic.version = 14 : i64} {
  func.func @_kernel_stats3(%arg0: i32, %arg1: memref<2000x128xf32, #tpu.memory_space<vmem>>, %arg2: memref<1x128xf32, #tpu.memory_space<vmem>>, %arg3: memref<1x128xf32, #tpu.memory_space<vmem>>, %arg4: memref<128x128xf32, #tpu.memory_space<vmem>>, %arg5: memref<1x128xf32, #tpu.memory_space<vmem>>) attributes {dimension_semantics = [#tpu.dimension_semantics<arbitrary>], iteration_bounds = array<i64: 5>, scalar_prefetch = 0 : i64, scratch_operands = 0 : i64, tpu.core_type = #tpu.core_type<tc>, window_params = [{transform_indices = @transform_0, window_bounds = array<i64: 2000, 128>}, {pipeline_mode = #tpu.pipeline_mode<synchronous>, transform_indices = @transform_1, window_bounds = array<i64: 1, 128>}, {pipeline_mode = #tpu.pipeline_mode<synchronous>, transform_indices = @transform_2, window_bounds = array<i64: 1, 128>}, {pipeline_mode = #tpu.pipeline_mode<synchronous>, transform_indices = @transform_3, window_bounds = array<i64: 128, 128>}, {pipeline_mode = #tpu.pipeline_mode<synchronous>, transform_indices = @transform_4, window_bounds = array<i64: 1, 128>}]} {
    %get3A = arith.constant 0 : index
    %get3A_0 = arith.constant 0 : index
    %get3A_1 = vector.load %arg1[%get3A, %get3A_0] : memref<2000x128xf32, #tpu.memory_space<vmem>>, vector<2000x128xf32>
    %get3A_2 = arith.constant 0 : index
    %get3A_3 = arith.constant 0 : index
    %get3A_4 = vector.load %arg2[%get3A_2, %get3A_3] : memref<1x128xf32, #tpu.memory_space<vmem>>, vector<1x128xf32>
    %mul3A = vector.broadcast %get3A_4 : vector<1x128xf32> to vector<2000x128xf32>
    %mul3A_5 = arith.mulf %get3A_1, %mul3A : vector<2000x128xf32>
    %get3A_6 = arith.constant 0 : index
    %get3A_7 = arith.constant 0 : index
    %get3A_8 = vector.load %arg3[%get3A_6, %get3A_7] : memref<1x128xf32, #tpu.memory_space<vmem>>, vector<1x128xf32>
    %add3A = vector.broadcast %get3A_8 : vector<1x128xf32> to vector<2000x128xf32>
    %add3A_9 = arith.addf %mul3A_5, %add3A : vector<2000x128xf32>
    %max3A = arith.constant 0.000000e+00 : f32
    %max3A_10 = vector.broadcast %max3A : f32 to vector<2000x128xf32>
    %max3A_11 = arith.maximumf %add3A_9, %max3A_10 : vector<2000x128xf32>
    %eq3A = arith.constant 0 : i32
    %eq3A_12 = arith.cmpi eq, %arg0, %eq3A : i32
    %convert_element_type3A = arith.extui %eq3A_12 : i1 to i32
    %cond3A = arith.constant 0 : i32
    %cond3A_13 = arith.cmpi ne, %convert_element_type3A, %cond3A : i32
    scf.if %cond3A_13 {
      %broadcast_in_dim3A_31 = arith.constant 0.000000e+00 : f32
      %broadcast_in_dim3A_32 = vector.broadcast %broadcast_in_dim3A_31 : f32 to vector<128x128xf32>
      %swap3A_33 = arith.constant 0 : index
      %swap3A_34 = arith.constant 0 : index
      %swap3A_35 = vector.load %arg4[%swap3A_33, %swap3A_34] : memref<128x128xf32, #tpu.memory_space<vmem>>, vector<128x128xf32>
      tpu.vector_store %arg4[%swap3A_33, %swap3A_34], %broadcast_in_dim3A_32 {strides = array<i32>} : memref<128x128xf32, #tpu.memory_space<vmem>>, vector<128x128xf32>,
      %broadcast_in_dim3A_36 = arith.constant 0.000000e+00 : f32
      %broadcast_in_dim3A_37 = vector.broadcast %broadcast_in_dim3A_36 : f32 to vector<1x128xf32>
      %swap3A_38 = arith.constant 0 : index
      %swap3A_39 = arith.constant 0 : index
      %swap3A_40 = vector.load %arg5[%swap3A_38, %swap3A_39] : memref<1x128xf32, #tpu.memory_space<vmem>>, vector<1x128xf32>
      tpu.vector_store %arg5[%swap3A_38, %swap3A_39], %broadcast_in_dim3A_37 {strides = array<i32>} : memref<1x128xf32, #tpu.memory_space<vmem>>, vector<1x128xf32>,
    } else {
    }
    %get3A_14 = arith.constant 0 : index
    %get3A_15 = arith.constant 0 : index
    %get3A_16 = vector.load %arg4[%get3A_14, %get3A_15] : memref<128x128xf32, #tpu.memory_space<vmem>>, vector<128x128xf32>
    %convert_element_type3A_17 = arith.truncf %max3A_11 : vector<2000x128xf32> to vector<2000x128xbf16>
    %convert_element_type3A_18 = arith.truncf %max3A_11 : vector<2000x128xf32> to vector<2000x128xbf16>
    %dot_general3A = arith.constant dense<0.000000e+00> : vector<128x128xf32>
    %dot_general3A_19 = tpu.matmul %convert_element_type3A_17, %convert_element_type3A_18, %dot_general3A {dimension_numbers = #tpu.dot_dimension_numbers<[0], [0], [1], [1], [0, 1, 1, 1], [], []>, transpose_lhs_hint = false} : vector<2000x128xbf16>, vector<2000x128xbf16>, vector<128x128xf32> -> vector<128x128xf32>
    %add3A_20 = arith.addf %get3A_16, %dot_general3A_19 : vector<128x128xf32>
    %swap3A = arith.constant 0 : index
    %swap3A_21 = arith.constant 0 : index
    %swap3A_22 = vector.load %arg4[%swap3A, %swap3A_21] : memref<128x128xf32, #tpu.memory_space<vmem>>, vector<128x128xf32>
    tpu.vector_store %arg4[%swap3A, %swap3A_21], %add3A_20 {strides = array<i32>} : memref<128x128xf32, #tpu.memory_space<vmem>>, vector<128x128xf32>,
    %get3A_23 = arith.constant 0 : index
    %get3A_24 = arith.constant 0 : index
    %get3A_25 = vector.load %arg5[%get3A_23, %get3A_24] : memref<1x128xf32, #tpu.memory_space<vmem>>, vector<1x128xf32>
    %reduce_sum3A = arith.constant dense<0.000000e+00> : vector<128xf32>
    %reduce_sum3A_26 = vector.multi_reduction <add>, %max3A_11, %reduce_sum3A [0] : vector<2000x128xf32> to vector<128xf32>
    %broadcast_in_dim3A = vector.shape_cast %reduce_sum3A_26 : vector<128xf32> to vector<1x128xf32>
    %add3A_27 = arith.addf %get3A_25, %broadcast_in_dim3A : vector<1x128xf32>
    %swap3A_28 = arith.constant 0 : index
    %swap3A_29 = arith.constant 0 : index
    %swap3A_30 = vector.load %arg5[%swap3A_28, %swap3A_29] : memref<1x128xf32, #tpu.memory_space<vmem>>, vector<1x128xf32>
    tpu.vector_store %arg5[%swap3A_28, %swap3A_29], %add3A_27 {strides = array<i32>} : memref<1x128xf32, #tpu.memory_space<vmem>>, vector<1x128xf32>,
    return
  }
  func.func @transform_0(%arg0: i32) -> (i32, i32) {
    %c0_i32 = arith.constant 0 : i32
    %c0_i32_0 = arith.constant 0 : i32
    return %arg0, %c0_i32 : i32, i32
  }
  func.func @transform_1(%arg0: i32) -> (i32, i32) {
    %c0_i32 = arith.constant 0 : i32
    %c0_i32_0 = arith.constant 0 : i32
    %c0_i32_1 = arith.constant 0 : i32
    return %c0_i32, %c0_i32_0 : i32, i32
  }
  func.func @transform_2(%arg0: i32) -> (i32, i32) {
    %c0_i32 = arith.constant 0 : i32
    %c0_i32_0 = arith.constant 0 : i32
    %c0_i32_1 = arith.constant 0 : i32
    return %c0_i32, %c0_i32_0 : i32, i32
  }
  func.func @transform_3(%arg0: i32) -> (i32, i32) {
    %c0_i32 = arith.constant 0 : i32
    %c0_i32_0 = arith.constant 0 : i32
    %c0_i32_1 = arith.constant 0 : i32
    return %c0_i32, %c0_i32_0 : i32, i32
  }
  func.func @transform_4(%arg0: i32) -> (i32, i32) {
    %c0_i32 = arith.constant 0 : i32
    %c0_i32_0 = arith.constant 0 : i32
    %c0_i32_1 = arith.constant 0 : i32
    return %c0_i32, %c0_i32_0 : i32, i32
  }
}

module attributes {stable_mosaic.version = 14 : i64} {
  func.func @_kernel_final(%arg0: i32, %arg1: memref<400x128xf32, #tpu.memory_space<vmem>>, %arg2: memref<400x128xf32, #tpu.memory_space<vmem>>, %arg3: memref<1x128xf32, #tpu.memory_space<vmem>>, %arg4: memref<1x128xf32, #tpu.memory_space<vmem>>, %arg5: memref<256x128xf32, #tpu.memory_space<vmem>>, %arg6: memref<1x256xf32, #tpu.memory_space<vmem>>, %arg7: memref<1x256xf32, #tpu.memory_space<vmem>>, %arg8: memref<256x128xf32, #tpu.memory_space<vmem>>, %arg9: memref<1x256xf32, #tpu.memory_space<vmem>>, %arg10: memref<1x256xf32, #tpu.memory_space<vmem>>, %arg11: memref<400x256xf32, #tpu.memory_space<vmem>>) attributes {dimension_semantics = [#tpu.dimension_semantics<arbitrary>], iteration_bounds = array<i64: 25>, scalar_prefetch = 0 : i64, scratch_operands = 0 : i64, tpu.core_type = #tpu.core_type<tc>, window_params = [{transform_indices = @transform_0, window_bounds = array<i64: 400, 128>}, {transform_indices = @transform_1, window_bounds = array<i64: 400, 128>}, {pipeline_mode = #tpu.pipeline_mode<synchronous>, transform_indices = @transform_2, window_bounds = array<i64: 1, 128>}, {pipeline_mode = #tpu.pipeline_mode<synchronous>, transform_indices = @transform_3, window_bounds = array<i64: 1, 128>}, {pipeline_mode = #tpu.pipeline_mode<synchronous>, transform_indices = @transform_4, window_bounds = array<i64: 256, 128>}, {pipeline_mode = #tpu.pipeline_mode<synchronous>, transform_indices = @transform_5, window_bounds = array<i64: 1, 256>}, {pipeline_mode = #tpu.pipeline_mode<synchronous>, transform_indices = @transform_6, window_bounds = array<i64: 1, 256>}, {pipeline_mode = #tpu.pipeline_mode<synchronous>, transform_indices = @transform_7, window_bounds = array<i64: 256, 128>}, {pipeline_mode = #tpu.pipeline_mode<synchronous>, transform_indices = @transform_8, window_bounds = array<i64: 1, 256>}, {pipeline_mode = #tpu.pipeline_mode<synchronous>, transform_indices = @transform_9, window_bounds = array<i64: 1, 256>}, {transform_indices = @transform_10, window_bounds = array<i64: 400, 256>}]} {
    %get3A = arith.constant 0 : index
    %get3A_0 = arith.constant 0 : index
    %get3A_1 = vector.load %arg1[%get3A, %get3A_0] : memref<400x128xf32, #tpu.memory_space<vmem>>, vector<400x128xf32>
    %get3A_2 = arith.constant 0 : index
    %get3A_3 = arith.constant 0 : index
    %get3A_4 = vector.load %arg3[%get3A_2, %get3A_3] : memref<1x128xf32, #tpu.memory_space<vmem>>, vector<1x128xf32>
    %mul3A = vector.broadcast %get3A_4 : vector<1x128xf32> to vector<400x128xf32>
    %mul3A_5 = arith.mulf %get3A_1, %mul3A : vector<400x128xf32>
    %get3A_6 = arith.constant 0 : index
    %get3A_7 = arith.constant 0 : index
    %get3A_8 = vector.load %arg4[%get3A_6, %get3A_7] : memref<1x128xf32, #tpu.memory_space<vmem>>, vector<1x128xf32>
    %add3A = vector.broadcast %get3A_8 : vector<1x128xf32> to vector<400x128xf32>
    %add3A_9 = arith.addf %mul3A_5, %add3A : vector<400x128xf32>
    %max3A = arith.constant 0.000000e+00 : f32
    %max3A_10 = vector.broadcast %max3A : f32 to vector<400x128xf32>
    %max3A_11 = arith.maximumf %add3A_9, %max3A_10 : vector<400x128xf32>
    %get3A_12 = arith.constant 0 : index
    %get3A_13 = arith.constant 0 : index
    %get3A_14 = vector.load %arg5[%get3A_12, %get3A_13] : memref<256x128xf32, #tpu.memory_space<vmem>>, vector<256x128xf32>
    %convert_element_type3A = arith.truncf %max3A_11 : vector<400x128xf32> to vector<400x128xbf16>
    %convert_element_type3A_15 = arith.truncf %get3A_14 : vector<256x128xf32> to vector<256x128xbf16>
    %dot_general3A = arith.constant dense<0.000000e+00> : vector<400x256xf32>
    %dot_general3A_16 = tpu.matmul %convert_element_type3A, %convert_element_type3A_15, %dot_general3A {dimension_numbers = #tpu.dot_dimension_numbers<[1], [1], [0], [0], [0, 0, 1, 0], [], []>, transpose_lhs_hint = false} : vector<400x128xbf16>, vector<256x128xbf16>, vector<400x256xf32> -> vector<400x256xf32>
    %get3A_17 = arith.constant 0 : index
    %get3A_18 = arith.constant 0 : index
    %get3A_19 = vector.load %arg6[%get3A_17, %get3A_18] : memref<1x256xf32, #tpu.memory_space<vmem>>, vector<1x256xf32>
    %mul3A_20 = vector.broadcast %get3A_19 : vector<1x256xf32> to vector<400x256xf32>
    %mul3A_21 = arith.mulf %dot_general3A_16, %mul3A_20 : vector<400x256xf32>
    %get3A_22 = arith.constant 0 : index
    %get3A_23 = arith.constant 0 : index
    %get3A_24 = vector.load %arg7[%get3A_22, %get3A_23] : memref<1x256xf32, #tpu.memory_space<vmem>>, vector<1x256xf32>
    %add3A_25 = vector.broadcast %get3A_24 : vector<1x256xf32> to vector<400x256xf32>
    %add3A_26 = arith.addf %mul3A_21, %add3A_25 : vector<400x256xf32>
    %get3A_27 = arith.constant 0 : index
    %get3A_28 = arith.constant 0 : index
    %get3A_29 = vector.load %arg2[%get3A_27, %get3A_28] : memref<400x128xf32, #tpu.memory_space<vmem>>, vector<400x128xf32>
    %get3A_30 = arith.constant 0 : index
    %get3A_31 = arith.constant 0 : index
    %get3A_32 = vector.load %arg8[%get3A_30, %get3A_31] : memref<256x128xf32, #tpu.memory_space<vmem>>, vector<256x128xf32>
    %convert_element_type3A_33 = arith.truncf %get3A_29 : vector<400x128xf32> to vector<400x128xbf16>
    %convert_element_type3A_34 = arith.truncf %get3A_32 : vector<256x128xf32> to vector<256x128xbf16>
    %dot_general3A_35 = arith.constant dense<0.000000e+00> : vector<400x256xf32>
    %dot_general3A_36 = tpu.matmul %convert_element_type3A_33, %convert_element_type3A_34, %dot_general3A_35 {dimension_numbers = #tpu.dot_dimension_numbers<[1], [1], [0], [0], [0, 0, 1, 0], [], []>, transpose_lhs_hint = false} : vector<400x128xbf16>, vector<256x128xbf16>, vector<400x256xf32> -> vector<400x256xf32>
    %get3A_37 = arith.constant 0 : index
    %get3A_38 = arith.constant 0 : index
    %get3A_39 = vector.load %arg9[%get3A_37, %get3A_38] : memref<1x256xf32, #tpu.memory_space<vmem>>, vector<1x256xf32>
    %mul3A_40 = vector.broadcast %get3A_39 : vector<1x256xf32> to vector<400x256xf32>
    %mul3A_41 = arith.mulf %dot_general3A_36, %mul3A_40 : vector<400x256xf32>
    %get3A_42 = arith.constant 0 : index
    %get3A_43 = arith.constant 0 : index
    %get3A_44 = vector.load %arg10[%get3A_42, %get3A_43] : memref<1x256xf32, #tpu.memory_space<vmem>>, vector<1x256xf32>
    %add3A_45 = vector.broadcast %get3A_44 : vector<1x256xf32> to vector<400x256xf32>
    %add3A_46 = arith.addf %mul3A_41, %add3A_45 : vector<400x256xf32>
    %add3A_47 = arith.addf %add3A_26, %add3A_46 : vector<400x256xf32>
    %ge3A = arith.constant 0.000000e+00 : f32
    %ge3A_48 = vector.broadcast %ge3A : f32 to vector<400x256xf32>
    %ge3A_49 = arith.cmpf oge, %add3A_47, %ge3A_48 : vector<400x256xf32>
    %mul3A_50 = arith.constant 2.000000e-01 : f32
    %mul3A_51 = vector.broadcast %mul3A_50 : f32 to vector<400x256xf32>
    %mul3A_52 = arith.mulf %mul3A_51, %add3A_47 : vector<400x256xf32>
    %select_n3A = arith.select %ge3A_49, %add3A_47, %mul3A_52 : vector<400x256xi1>, vector<400x256xf32>
    %swap3A = arith.constant 0 : index
    %swap3A_53 = arith.constant 0 : index
    %swap3A_54 = vector.load %arg11[%swap3A, %swap3A_53] : memref<400x256xf32, #tpu.memory_space<vmem>>, vector<400x256xf32>
    tpu.vector_store %arg11[%swap3A, %swap3A_53], %select_n3A {strides = array<i32>} : memref<400x256xf32, #tpu.memory_space<vmem>>, vector<400x256xf32>,
    return
  }
  func.func @transform_0(%arg0: i32) -> (i32, i32) {
    %c0_i32 = arith.constant 0 : i32
    %c0_i32_0 = arith.constant 0 : i32
    return %arg0, %c0_i32 : i32, i32
  }
  func.func @transform_1(%arg0: i32) -> (i32, i32) {
    %c0_i32 = arith.constant 0 : i32
    %c0_i32_0 = arith.constant 0 : i32
    return %arg0, %c0_i32 : i32, i32
  }
  func.func @transform_2(%arg0: i32) -> (i32, i32) {
    %c0_i32 = arith.constant 0 : i32
    %c0_i32_0 = arith.constant 0 : i32
    %c0_i32_1 = arith.constant 0 : i32
    return %c0_i32, %c0_i32_0 : i32, i32
  }
  func.func @transform_3(%arg0: i32) -> (i32, i32) {
    %c0_i32 = arith.constant 0 : i32
    %c0_i32_0 = arith.constant 0 : i32
    %c0_i32_1 = arith.constant 0 : i32
    return %c0_i32, %c0_i32_0 : i32, i32
  }
  func.func @transform_4(%arg0: i32) -> (i32, i32) {
    %c0_i32 = arith.constant 0 : i32
    %c0_i32_0 = arith.constant 0 : i32
    %c0_i32_1 = arith.constant 0 : i32
    return %c0_i32, %c0_i32_0 : i32, i32
  }
  func.func @transform_5(%arg0: i32) -> (i32, i32) {
    %c0_i32 = arith.constant 0 : i32
    %c0_i32_0 = arith.constant 0 : i32
    %c0_i32_1 = arith.constant 0 : i32
    return %c0_i32, %c0_i32_0 : i32, i32
  }
  func.func @transform_6(%arg0: i32) -> (i32, i32) {
    %c0_i32 = arith.constant 0 : i32
    %c0_i32_0 = arith.constant 0 : i32
    %c0_i32_1 = arith.constant 0 : i32
    return %c0_i32, %c0_i32_0 : i32, i32
  }
  func.func @transform_7(%arg0: i32) -> (i32, i32) {
    %c0_i32 = arith.constant 0 : i32
    %c0_i32_0 = arith.constant 0 : i32
    %c0_i32_1 = arith.constant 0 : i32
    return %c0_i32, %c0_i32_0 : i32, i32
  }
  func.func @transform_8(%arg0: i32) -> (i32, i32) {
    %c0_i32 = arith.constant 0 : i32
    %c0_i32_0 = arith.constant 0 : i32
    %c0_i32_1 = arith.constant 0 : i32
    return %c0_i32, %c0_i32_0 : i32, i32
  }
  func.func @transform_9(%arg0: i32) -> (i32, i32) {
    %c0_i32 = arith.constant 0 : i32
    %c0_i32_0 = arith.constant 0 : i32
    %c0_i32_1 = arith.constant 0 : i32
    return %c0_i32, %c0_i32_0 : i32, i32
  }
  func.func @transform_10(%arg0: i32) -> (i32, i32) {
    %c0_i32 = arith.constant 0 : i32
    %c0_i32_0 = arith.constant 0 : i32
    return %arg0, %c0_i32 : i32, i32
  }
}

</mosaic_0001>

<sc_bundles>
// kernel: kernel.10.cloned.1.call-start
scs
__scs_entry_jumppad:
0x0: {  	(pc) =	sbr.rel $0x88, $3  }
0x1: {  	(tag) =	ssettag $0x0;
	lr =	simm.s32 $0x1  }
0x2: {  	[smem:$0x3F87] =	sst lr;
	_ =	strace $0xD0000000  }
0x3: {  	_ = 	snop  }
0x4: {  	_ = 	snop  }
0x5: {  	_ = 	snop  }
0x6: {  	_ = 	snop  }
0x7: {  	_ = 	snop  }
__scs_overlays_trampoline_lowered:
0x8: {  	[smem:$0x3F96] =	sst s0  }
0x9: {  	[smem:$0x3F97] =	sst s1  }
0xa: {  	[smem:$0x3F98] =	sst s2  }
0xb: {  	[smem:$0x3F99] =	sst s3  }
0xc: {  	[smem:$0x3F9A] =	sst s4  }
0xd: {  	[smem:$0x3F9B] =	sst s5  }
0xe: {  	[smem:$0x3F9C] =	sst s6  }
0xf: {  	[smem:$0x3F9D] =	sst s7  }
0x10: {  	[smem:$0x3F9E] =	sst s8  }
0x11: {  	[smem:$0x3F9F] =	sst s9;
	s0 =	simm.s32 @!p0 $0x0  }
0x12: {  	s1 =	sld [smem:$0x3F85];
	s0 =	simm.s32 @p0 $0x1  }
0x13: {  	[smem:$0x3FA0] =	sst s0;
	s0 =	simm.s32 @!p1 $0x0  }
0x14: {  	s2 =	sld [smem:$0x3F84];
	s0 =	simm.s32 @p1 $0x1  }
0x15: {  	[smem:$0x3FA1] =	sst s0;
	s0 =	simm.s32 @!p2 $0x0  }
0x16: {  	s3 =	sld [smem:$0x3FDB];
	s0 =	simm.s32 @p2 $0x1  }
0x17: {  	s4 =	simm.s32 $0x1BF5;
	[smem:$0x3FA3] =	sst s0  }
0x18: {  	s0 =	sld [smem:$0x3F86];
	_ =	swait.ge [sflag:s4], $0x0  }
0x19: {  	s7 =	sld [smem:$0x3F87]  }
0x1a: {  	s8 =	sadd.s32 $0xFFFFE003, lr  }
0x1b: {  	s9 =	sadd.s32 $0xFFFFFEF7, lr;
	s5 =	simm.s32 $0xFFFFFFFF;
	p2 =	slt.u32 s8, $0xFFFFF086  }
0x1c: {  	p1 =	slt.u32 s9, $0xF7A;
	s5 =	simm.s32 @!p2 $0x0  }
0x1d: {  	s5 =	simm.s32 @p1 $0x1;
	p0 =	seq.s32 s7, s2  }
0x1e: {  	s7 =	smul.u32 @!p0 $0xF7A, s2;
	p2 =	seq.s32 @!p0 s5, $0x0  }
0x1f: {  	s9 =	smul.u32 $0xF7A, s1;
	s8 =	simm.s32 @!p0 $0x1BF5;
	p2 =	por !p2, p0  }
0x20: {  	[sflag:s8] =	ssyncset.s32 @!p0 $0xFFFFF086;
	s6 =	sadd.s32 @!p0 s3, s7;
	s7 =	simm.s32 @!p0 $0x108  }
0x21: {  	s3 =	sadd.s32 s3, s9;
	s6 =	sadd.s32 @!p0 $0x88, s6;
	s7 =	simm.s32 @p2 $0x1082  }
0x22: {  	[simem:s7], [sflag:s8] =	dma.local @!p0 [hbm:s6], $0xF7A  }
0x23: {  	s9 =	sor.u32 $0xD0000000, s2;
	s6 =	simm.s32 $0x108;
	_ =	swait.ge @!p0 [sflag:s8], $0x0  }
0x24: {  	s3 =	sadd.s32 $0x88, s3;
	s6 =	simm.s32 @!p1 $0x1082;
	[sflag:s4] =	ssyncset.s32 $0xFFFFF086  }
0x25: {  	[simem:s6], [sflag:s4] =	dma.local [hbm:s3], $0xF7A  }
0x26: {  	[smem:$0x3F87] =	sst s1;
	(tag) =	ssettag s2;
	_ =	strace s9  }
0x27: {  	s1 =	sld [smem:$0x3F97]  }
0x28: {  	s2 =	sld [smem:$0x3F98]  }
0x29: {  	s4 =	sld [smem:$0x3F9A]  }
0x2a: {  	p0 =	seq.s32 s5, $0x0;
	s5 =	sld [smem:$0x3F9B]  }
0x2b: {  	s6 =	sld [smem:$0x3F9C]  }
0x2c: {  	s7 =	sld [smem:$0x3F9D]  }
0x2d: {  	s3 =	simm.s32 $0x108;
	s8 =	sld [smem:$0x3F9E]  }
0x2e: {  	s3 =	simm.s32 @!p0 $0x1082;
	s9 =	sld [smem:$0x3F9F]  }
0x2f: {  	lr =	sadd.s32 s0, s3;
	s0 =	sld [smem:$0x3F96]  }
0x30: {  	s3 =	sld [smem:$0x3F99]  }
0x31: {  	[smem:$0x3FA2] =	sst s10  }
0x32: {  	s10 =	sld [smem:$0x3FA0];
	_ =	sdelay $0x3  }
0x33: {  	p0 =	seq.s32 s10, $0x1;
	s10 =	sld [smem:$0x3FA2];
	_ =	sdelay $0x3  }
0x34: {  	[smem:$0x3FA2] =	sst s10  }
0x35: {  	s10 =	sld [smem:$0x3FA1];
	_ =	sdelay $0x3  }
0x36: {  	p1 =	seq.s32 s10, $0x1;
	s10 =	sld [smem:$0x3FA2];
	_ =	sdelay $0x3  }
0x37: {  	[smem:$0x3FA2] =	sst s10  }
0x38: {  	s10 =	sld [smem:$0x3FA3]  }
0x39: {  	_ = 	snop;
	(pc) =	sbr.ind lr, $3  }
0x3a: {  	_ = 	snop  }
0x3b: {  	_ = 	snop  }
0x3c: {  	p2 =	seq.s32 s10, $0x1;
	s10 =	sld [smem:$0x3FA2]  }
0x3d: {  	_ =	shalt  }
0x3e: {  	_ =	shalt  }
0x3f: {  	_ =	shalt  }
0x40: {  	_ =	shalt  }
0x41: {  	_ =	shalt  }
0x42: {  	_ =	shalt  }
0x43: {  	_ =	shalt  }
0x44: {  	_ =	shalt  }
0x45: {  	_ =	shalt  }
0x46: {  	_ =	shalt  }
0x47: {  	_ =	shalt  }
0x48: {  	_ =	shalt  }
0x49: {  	_ =	shalt  }
0x4a: {  	_ =	shalt  }
0x4b: {  	_ =	shalt  }
0x4c: {  	_ =	shalt  }
0x4d: {  	_ =	shalt  }
0x4e: {  	_ =	shalt  }
0x4f: {  	_ =	shalt  }
0x50: {  	_ =	shalt  }
0x51: {  	_ =	shalt  }
0x52: {  	_ =	shalt  }
0x53: {  	_ =	shalt  }
0x54: {  	_ =	shalt  }
0x55: {  	_ =	shalt  }
0x56: {  	_ =	shalt  }
0x57: {  	_ =	shalt  }
0x58: {  	_ =	shalt  }
0x59: {  	_ =	shalt  }
0x5a: {  	_ =	shalt  }
0x5b: {  	_ =	shalt  }
0x5c: {  	_ =	shalt  }
0x5d: {  	_ =	shalt  }
0x5e: {  	_ =	shalt  }
0x5f: {  	_ =	shalt  }
0x60: {  	_ =	shalt  }
0x61: {  	_ =	shalt  }
0x62: {  	_ =	shalt  }
0x63: {  	_ =	shalt  }
0x64: {  	_ =	shalt  }
0x65: {  	_ =	shalt  }
0x66: {  	_ =	shalt  }
0x67: {  	_ =	shalt  }
0x68: {  	_ =	shalt  }
0x69: {  	_ =	shalt  }
0x6a: {  	_ =	shalt  }
0x6b: {  	_ =	shalt  }
0x6c: {  	_ =	shalt  }
0x6d: {  	_ =	shalt  }
0x6e: {  	_ =	shalt  }
0x6f: {  	_ =	shalt  }
0x70: {  	_ =	shalt  }
0x71: {  	_ =	shalt  }
0x72: {  	_ =	shalt  }
0x73: {  	_ =	shalt  }
0x74: {  	_ =	shalt  }
0x75: {  	_ =	shalt  }
0x76: {  	_ =	shalt  }
0x77: {  	_ =	shalt  }
0x78: {  	_ =	shalt  }
0x79: {  	_ =	shalt  }
0x7a: {  	_ =	shalt  }
0x7b: {  	_ =	shalt  }
0x7c: {  	_ =	shalt  }
0x7d: {  	_ =	shalt  }
0x7e: {  	_ =	shalt  }
0x7f: {  	_ =	shalt  }
0x80: {  	_ =	shalt  }
0x81: {  	_ =	shalt  }
0x82: {  	_ =	shalt  }
0x83: {  	_ =	shalt  }
0x84: {  	_ =	shalt  }
0x85: {  	_ =	shalt  }
0x86: {  	_ =	shalt  }
0x87: {  	_ =	shalt  }
.Lfunc_end0:
.L_simem_size_0:
called_computation_lowered:
.L_overlay_start_0:
0x88: {  	s2 =	sld [smem:$0x3FD9]  }
0x89: {  	s3 =	sld [smem:$0x3FFE];
	_ =	sdelay $0x1  }
0x8a: {  	s1 =	srdreg.scid  }
0x8b: {  	s0 =	sand.u32 $0x1, s1  }
0x8c: {  	s17 =	sshll.u32 s0, $0xA;
	s2 =	sadd.s32 s3, s2  }
0x8d: {  	s2 =	sadd.s32 s2, s17  }
0x8e: {  	[smem:$0x3FAE] =	sst s2  }
0x8f: {  	_ = 	snop  }
0x90: {  	s2 =	sld [smem:$0x3FD0];
	(tm) =	ssettm $0x1  }
0x91: {  	s18 =	sld [smem:$0x3FFB];
	_ =	sdelay $0x3  }
0x92: {  	_ =	strace s18  }
0x93: {  	s3 =	sld [smem:$0x3FFC];
	_ =	sdelay $0x3  }
0x94: {  	_ =	strace s3  }
0x95: {  	s3 =	sld [smem:$0x3FFD];
	_ =	sdelay $0x3  }
0x96: {  	_ =	strace s3  }
0x97: {  	_ =	strace $0x8FFFFFFF  }
0x98: {  	s19 =	sld [smem:$0x3FDB];
	_ =	sdelay $0x1  }
0x99: {  	s4 =	simm.s32 $_scs_section_size  }
0x9a: {  	s5 =	simm.s32 $_size__tile_overlayer_lowered;
	s6 =	simm.s32 $_tile_overlayer_lowered  }
0x9b: {  	s22 =	simm.s32 $0x1BFF;
	s21 =	sshll.u32 s6, $0x1;
	s3 =	sadd.s32 s4, s19  }
0x9c: {  	s7 =	simm.s32 $0x0;
	s20 =	sshll.u32 s5, $0x1;
	s5 =	sadd.s32 s21, s3  }
0x9d: {  	[timem:s7], [sflag:s22] =	dma.local [hbm:s5], s20  }
0x9e: {  	_ =	swait.ge [sflag:s22], s20  }
0x9f: {  	s4 =	ssub.s32 $0x0, s20;
	[sflag:s22] =	ssyncset.done $0x0  }
0xa0: {  	[sflag:s22] =	ssyncadd.s32 s4;
	_ =	sdelay $0x1  }
0xa1: {  	s23 =	simm.s32 $0x1B8B  }
0xa2: {  	_ =	swait.ge [sflag:s23], $0x1  }
0xa3: {  	[sflag:s23] =	ssyncset.done $0x0  }
0xa4: {  	s25 =	simm.s32 $0x1B8E;
	s24 =	sld [smem:$0x3FFE];
	[sflag:s23] =	ssyncadd.s32 $0xFFFFFFFF  }
0xa5: {  	s26 =	simm.s32 $execute0_lowered;
	[smem:$0x3FD2] =	sst s25  }
0xa6: {  	s5 =	sshll.u32 s26, $0x1;
	_ =	strace $0x80000046;
	[dreg:$0x1] =	wrdreg $0xFFFFFFFF  }
0xa7: {  	s28 =	simm.s32 $_size_execute0_lowered;
	s3 =	sadd.s32 s3, s5;
	[dreg:$0x0] =	wrdreg $0x0  }
0xa8: {  	s5 =	sshll.u32 s28, $0x1;
	[dreg:$0x2] =	wrdreg s3  }
0xa9: {  	[dreg:$0x3] =	wrdreg s5  }
0xaa: {  	[dreg:$0x4] =	wrdreg $0xC0  }
0xab: {  	_ =	task [dreg:s7], $0x5FFFF  }
0xac: {  	[dreg:$0x1] =	wrdreg $0xFFFFFFFF  }
0xad: {  	[dreg:$0x0] =	wrdreg $0x60  }
0xae: {  	[dreg:$0x2] =	wrdreg s24  }
0xaf: {  	[dreg:$0x3] =	wrdreg s2  }
0xb0: {  	[dreg:$0x4] =	wrdreg $0x9  }
0xb1: {  	_ =	task.clear_ibuf [dreg:s7], $0x5FFFF;
	_ =	strace $0x90000046  }
0xb2: {  	s29 =	simm.s32 $0x9;
	_ =	strace $0x80000048  }
0xb3: {  	_ =	swait.ge [sflag:s29], $0x1  }
0xb4: {  	[sflag:s29] =	ssyncadd.s32 $0xFFFFFFFF  }
0xb5: {  	_ =	strace $0x90000048  }
0xb6: {  	_ =	sfence  }
0xb7: {  	s30 =	sld [smem:$0x0];
	_ =	sdelay $0x2  }
0xb8: {  	s31 =	sshll.u32 s1, $0xD;
	s1 =	sshrl.u32 s1, $0x2  }
0xb9: {  	s3 =	sand.u32 $0x4000, s31;
	s1 =	sadd.s32 s1, s30  }
0xba: {  	s0 =	sor.u32 s3, s0;
	s1 =	sshll.u32 s1, $0x11  }
0xbb: {  	s0 =	sor.u32 s1, s0  }
0xbc: {  	s0 =	sadd.s32 $0x8F2B, s0  }
0xbd: {  	[sflag:s0] =	ssyncadd.remote.s32 $0x1  }
0xbe: {  	_ =	sfence.sel $0xFFFF  }
0xbf: {  	[dreg:$0x0] =	wrdreg $0xFFFFFFFF;
	(pc) =	sbr.abs _section_cstart, $3  }
0xc0: {  	[dreg:$0x1] =	wrdreg $0xFFFFFFFF  }
0xc1: {  	_ =	task.clear_ibuf [dreg:s7], $0x2FFFF;
	_ =	strace $0x9FFFFFFF  }
0xc2: {  	(tm) =	ssettm $0x7FFFFFFF  }
0xc3: {  	_ =	shalt  }
tec
execute0_lowered:
.L_overlay_start_1:
0x0: {  	(tag) =	ssettag $0x1  }
0x1: {  	s4 =	rddreg [dreg:$0x0]  }
0x2: {  	s5 =	rddreg [dreg:$0x1]  }
0x3: {  	s0 =	rddreg [dreg:$0x2]  }
0x4: {  	s3 =	srdreg.scid;
	s1 =	stileid.u32;
	s2 =	simm.s32 $0x0  }
0x5: {  	s10 =	simm.s32 $0x3000;
	s11 =	simm.s32 $0x3800;
	s12 =	simm.s32 $0x4000  }
0x6: {  	s13 =	simm.s32 $0x4800;
	s14 =	simm.s32 $0x5000;
	s15 =	simm.s32 $0x5800  }
0x7: {  	s16 =	simm.s32 $0x6000;
	s17 =	simm.s32 $0x1;
	s18 =	simm.s32 $0x0  }
0x8: {  	s3 =	sand.u32 $0x1, s3;
	s6 =	smul.u32 $0x50000, s1;
	[smem:$0x7FF] =	sst s2  }
0x9: {  	s8 =	sshll.u32 s1, $0x1;
	s7 =	smul.u32 $0x28000, s3;
	_ =	strace $0x80000047  }
0xa: {  	s30 =	ssub.s32 $0x2, s3;
	s3 =	sor.u32 s3, s8;
	s8 =	simm.s32 $0x80  }
0xb: {  	s31 =	sshrl.u32 s30, $0x1;
	s9 =	smul.u32 $0x500, s3;
	s6 =	sadd.s32 s7, s6  }
0xc: {  	s3 =	sadd.s32 $0x6000, s4;
	s7 =	ssub.s32 s30, s31;
	s6 =	sshrl.u32 s6, $0x3  }
0xd: {  	s6 =	sadd.s32 s6, s4;
	s4 =	sadd.s32 s5, s9;
	s5 =	smax.u32 s7, $0x1  }
0xe: {  	s7 =	simm.s32 $0x2;
	s9 =	simm.s32 $0x2800;
	s6 =	sadd.s32 $0xB000, s6  }
.LBB2_1:
0xf: {  	[tilespmem:s2], [sflag:$0x2] =	stream.linear.gather [hbm4b:s4+s2], $0x2800, $0x38;
	[tilespmem:$0x6800] =	vst v63  }
0x10: {  	_ =	swait.ge [sflag:s7], $0x2800  }
0x11: {  	[sflag:s7] =	ssyncset.done $0x0  }
0x12: {  	s19 =	simm.s32 $0x0;
	[sflag:s7] =	ssyncadd.s32 $0xFFFFD800  }
0x13: {  	[tilespmem:s9], [sflag:$0x1] =	stream.indirect.gather [hbm4b:s3+s8], $0x10, s19, s8, $0xb8;
	[tilespmem:$0x6800] =	vst v63  }
0x14: {  	s24 =	simm.s32 $0x80  }
0x15: {  	[tilespmem:s10], [sflag:$0x1] =	stream.indirect.gather [hbm4b:s3+s8], $0x10, s24, s8, $0xb8;
	[tilespmem:$0x6800] =	vst v63  }
0x16: {  	s25 =	simm.s32 $0x100  }
0x17: {  	[tilespmem:s11], [sflag:$0x1] =	stream.indirect.gather [hbm4b:s3+s8], $0x10, s25, s8, $0xb8;
	[tilespmem:$0x6800] =	vst v63  }
0x18: {  	s26 =	simm.s32 $0x180  }
0x19: {  	[tilespmem:s12], [sflag:$0x1] =	stream.indirect.gather [hbm4b:s3+s8], $0x10, s26, s8, $0xb8;
	[tilespmem:$0x6800] =	vst v63  }
0x1a: {  	s28 =	simm.s32 $0x200  }
0x1b: {  	[tilespmem:s13], [sflag:$0x1] =	stream.indirect.gather [hbm4b:s3+s8], $0x10, s28, s8, $0xb8;
	[tilespmem:$0x6800] =	vst v63  }
0x1c: {  	s29 =	simm.s32 $0x280  }
0x1d: {  	[tilespmem:s14], [sflag:$0x1] =	stream.indirect.gather [hbm4b:s3+s8], $0x10, s29, s8, $0xb8;
	[tilespmem:$0x6800] =	vst v63  }
0x1e: {  	s30 =	simm.s32 $0x300  }
0x1f: {  	[tilespmem:s15], [sflag:$0x1] =	stream.indirect.gather [hbm4b:s3+s8], $0x10, s30, s8, $0xb8;
	[tilespmem:$0x6800] =	vst v63  }
0x20: {  	s31 =	simm.s32 $0x380  }
0x21: {  	[tilespmem:s16], [sflag:$0x1] =	stream.indirect.gather [hbm4b:s3+s8], $0x10, s31, s8, $0xb8;
	[tilespmem:$0x6800] =	vst v63  }
0x22: {  	_ =	swait.ge [sflag:s17], $0x800  }
0x23: {  	[sflag:s17] =	ssyncset.done $0x0  }
0x24: {  	[sflag:s17] =	ssyncadd.s32 $0xFFFFF800  }
0x25: {  	_ =	swait.ge [sflag:s17], $0x800  }
0x26: {  	[sflag:s17] =	ssyncset.done $0x0  }
0x27: {  	[sflag:s17] =	ssyncadd.s32 $0xFFFFF800  }
0x28: {  	_ =	swait.ge [sflag:s17], $0x800  }
0x29: {  	[sflag:s17] =	ssyncset.done $0x0  }
0x2a: {  	[sflag:s17] =	ssyncadd.s32 $0xFFFFF800  }
0x2b: {  	_ =	swait.ge [sflag:s17], $0x800  }
0x2c: {  	[sflag:s17] =	ssyncset.done $0x0  }
0x2d: {  	[sflag:s17] =	ssyncadd.s32 $0xFFFFF800  }
0x2e: {  	_ =	swait.ge [sflag:s17], $0x800  }
0x2f: {  	[sflag:s17] =	ssyncset.done $0x0  }
0x30: {  	[sflag:s17] =	ssyncadd.s32 $0xFFFFF800  }
0x31: {  	_ =	swait.ge [sflag:s17], $0x800  }
0x32: {  	[sflag:s17] =	ssyncset.done $0x0  }
0x33: {  	[sflag:s17] =	ssyncadd.s32 $0xFFFFF800  }
0x34: {  	_ =	swait.ge [sflag:s17], $0x800  }
0x35: {  	[sflag:s17] =	ssyncset.done $0x0  }
0x36: {  	[sflag:s17] =	ssyncadd.s32 $0xFFFFF800  }
0x37: {  	_ =	swait.ge [sflag:s17], $0x800  }
0x38: {  	[sflag:s17] =	ssyncset.done $0x0  }
0x39: {  	[sflag:s17] =	ssyncadd.s32 $0xFFFFF800  }
0x3a: {  	[hbm4b:s6+s2] =	stream.linear.scatter [tilespmem:s9], [sflag:$0x2], $0x4000, $0x38;
	[tilespmem:$0x6800] =	vst v63  }
0x3b: {  	s20 =	simm.s32 $0x1000;
	_ =	swait.ge [sflag:s7], $0x4000  }
0x3c: {  	s22 =	simm.s32 $0x2000;
	s19 =	sadd.s32 $0x800, s6;
	[sflag:s7] =	ssyncset.done $0x0  }
.LBB2_2:
0x3d: {  	s23 =	sshra.s32 s20, $0x2  }
0x3e: {  	[sflag:s7] =	ssyncadd.s32 $0xFFFFC000;
	s20 =	smov.u32 s22;
	s21 =	sadd.s32 $0x1000, s22  }
0x3f: {  	[tilespmem:s9], [sflag:$0x1] =	stream.indirect.gather [hbm4b:s3+s8], $0x10, s23, s8, $0xb8;
	[tilespmem:$0x6800] =	vst v63  }
0x40: {  	p0 =	sne.s32 s22, $0x9000;
	s22 =	sadd.s32 $0x80, s23  }
0x41: {  	[tilespmem:s10], [sflag:$0x1] =	stream.indirect.gather [hbm4b:s3+s8], $0x10, s22, s8, $0xb8;
	[tilespmem:$0x6800] =	vst v63  }
0x42: {  	s22 =	sadd.s32 $0x100, s23  }
0x43: {  	[tilespmem:s11], [sflag:$0x1] =	stream.indirect.gather [hbm4b:s3+s8], $0x10, s22, s8, $0xb8;
	[tilespmem:$0x6800] =	vst v63  }
0x44: {  	s22 =	sadd.s32 $0x180, s23  }
0x45: {  	[tilespmem:s12], [sflag:$0x1] =	stream.indirect.gather [hbm4b:s3+s8], $0x10, s22, s8, $0xb8;
	[tilespmem:$0x6800] =	vst v63  }
0x46: {  	s22 =	sadd.s32 $0x200, s23  }
0x47: {  	[tilespmem:s13], [sflag:$0x1] =	stream.indirect.gather [hbm4b:s3+s8], $0x10, s22, s8, $0xb8;
	[tilespmem:$0x6800] =	vst v63  }
0x48: {  	s22 =	sadd.s32 $0x280, s23  }
0x49: {  	[tilespmem:s14], [sflag:$0x1] =	stream.indirect.gather [hbm4b:s3+s8], $0x10, s22, s8, $0xb8;
	[tilespmem:$0x6800] =	vst v63  }
0x4a: {  	s22 =	sadd.s32 $0x300, s23  }
0x4b: {  	[tilespmem:s15], [sflag:$0x1] =	stream.indirect.gather [hbm4b:s3+s8], $0x10, s22, s8, $0xb8;
	[tilespmem:$0x6800] =	vst v63  }
0x4c: {  	s22 =	sadd.s32 $0x380, s23  }
0x4d: {  	[tilespmem:s16], [sflag:$0x1] =	stream.indirect.gather [hbm4b:s3+s8], $0x10, s22, s8, $0xb8;
	[tilespmem:$0x6800] =	vst v63  }
0x4e: {  	_ =	swait.ge [sflag:s17], $0x800  }
0x4f: {  	[sflag:s17] =	ssyncset.done $0x0  }
0x50: {  	[sflag:s17] =	ssyncadd.s32 $0xFFFFF800  }
0x51: {  	_ =	swait.ge [sflag:s17], $0x800  }
0x52: {  	[sflag:s17] =	ssyncset.done $0x0  }
0x53: {  	[sflag:s17] =	ssyncadd.s32 $0xFFFFF800  }
0x54: {  	_ =	swait.ge [sflag:s17], $0x800  }
0x55: {  	[sflag:s17] =	ssyncset.done $0x0  }
0x56: {  	[sflag:s17] =	ssyncadd.s32 $0xFFFFF800  }
0x57: {  	_ =	swait.ge [sflag:s17], $0x800  }
0x58: {  	[sflag:s17] =	ssyncset.done $0x0  }
0x59: {  	[sflag:s17] =	ssyncadd.s32 $0xFFFFF800  }
0x5a: {  	_ =	swait.ge [sflag:s17], $0x800  }
0x5b: {  	[sflag:s17] =	ssyncset.done $0x0  }
0x5c: {  	[sflag:s17] =	ssyncadd.s32 $0xFFFFF800  }
0x5d: {  	_ =	swait.ge [sflag:s17], $0x800  }
0x5e: {  	[sflag:s17] =	ssyncset.done $0x0  }
0x5f: {  	[sflag:s17] =	ssyncadd.s32 $0xFFFFF800  }
0x60: {  	_ =	swait.ge [sflag:s17], $0x800  }
0x61: {  	[sflag:s17] =	ssyncset.done $0x0  }
0x62: {  	[sflag:s17] =	ssyncadd.s32 $0xFFFFF800  }
0x63: {  	_ =	swait.ge [sflag:s17], $0x800  }
.Ltmp0:
0x64: {  	[sflag:s17] =	ssyncset.done $0x0;
	(pc) =	sbr.rel @p0 .LBB2_2-.Ltmp0, $4  }
0x65: {  	[sflag:s17] =	ssyncadd.s32 $0xFFFFF800  }
0x66: {  	[hbm4b:s19+s2] =	stream.linear.scatter [tilespmem:s9], [sflag:$0x2], $0x4000, $0x38;
	[tilespmem:$0x6800] =	vst v63  }
0x67: {  	_ =	swait.ge [sflag:s7], $0x4000  }
0x68: {  	s22 =	smov.u32 s21;
	s19 =	sadd.s32 $0x800, s19;
	[sflag:s7] =	ssyncset.done $0x0  }
0x69: {  	s20 =	sshra.s32 s20, $0x2;
	[sflag:s7] =	ssyncadd.s32 $0xFFFFC000  }
0x6a: {  	[tilespmem:s9], [sflag:$0x1] =	stream.indirect.gather [hbm4b:s3+s8], $0x10, s20, s8, $0xb8;
	[tilespmem:$0x6800] =	vst v63  }
0x6b: {  	s21 =	sadd.s32 $0x80, s20  }
0x6c: {  	[tilespmem:s10], [sflag:$0x1] =	stream.indirect.gather [hbm4b:s3+s8], $0x10, s21, s8, $0xb8;
	[tilespmem:$0x6800] =	vst v63  }
0x6d: {  	s26 =	sadd.s32 $0x100, s20  }
0x6e: {  	[tilespmem:s11], [sflag:$0x1] =	stream.indirect.gather [hbm4b:s3+s8], $0x10, s26, s8, $0xb8;
	[tilespmem:$0x6800] =	vst v63  }
0x6f: {  	s28 =	sadd.s32 $0x180, s20  }
0x70: {  	[tilespmem:s12], [sflag:$0x1] =	stream.indirect.gather [hbm4b:s3+s8], $0x10, s28, s8, $0xb8;
	[tilespmem:$0x6800] =	vst v63  }
0x71: {  	s29 =	sadd.s32 $0x200, s20  }
0x72: {  	[tilespmem:s13], [sflag:$0x1] =	stream.indirect.gather [hbm4b:s3+s8], $0x10, s29, s8, $0xb8;
	[tilespmem:$0x6800] =	vst v63  }
0x73: {  	s30 =	sadd.s32 $0x280, s20  }
0x74: {  	[tilespmem:s14], [sflag:$0x1] =	stream.indirect.gather [hbm4b:s3+s8], $0x10, s30, s8, $0xb8;
	[tilespmem:$0x6800] =	vst v63  }
0x75: {  	s31 =	sadd.s32 $0x300, s20  }
0x76: {  	[tilespmem:s15], [sflag:$0x1] =	stream.indirect.gather [hbm4b:s3+s8], $0x10, s31, s8, $0xb8;
	[tilespmem:$0x6800] =	vst v63  }
0x77: {  	s20 =	sadd.s32 $0x380, s20  }
0x78: {  	[tilespmem:s16], [sflag:$0x1] =	stream.indirect.gather [hbm4b:s3+s8], $0x10, s20, s8, $0xb8;
	[tilespmem:$0x6800] =	vst v63  }
0x79: {  	_ =	swait.ge [sflag:s17], $0x800  }
0x7a: {  	[sflag:s17] =	ssyncset.done $0x0  }
0x7b: {  	[sflag:s17] =	ssyncadd.s32 $0xFFFFF800  }
0x7c: {  	_ =	swait.ge [sflag:s17], $0x800  }
0x7d: {  	[sflag:s17] =	ssyncset.done $0x0  }
0x7e: {  	[sflag:s17] =	ssyncadd.s32 $0xFFFFF800  }
0x7f: {  	_ =	swait.ge [sflag:s17], $0x800  }
0x80: {  	[sflag:s17] =	ssyncset.done $0x0  }
0x81: {  	[sflag:s17] =	ssyncadd.s32 $0xFFFFF800  }
0x82: {  	_ =	swait.ge [sflag:s17], $0x800  }
0x83: {  	[sflag:s17] =	ssyncset.done $0x0  }
0x84: {  	[sflag:s17] =	ssyncadd.s32 $0xFFFFF800  }
0x85: {  	_ =	swait.ge [sflag:s17], $0x800  }
0x86: {  	[sflag:s17] =	ssyncset.done $0x0  }
0x87: {  	[sflag:s17] =	ssyncadd.s32 $0xFFFFF800  }
0x88: {  	_ =	swait.ge [sflag:s17], $0x800  }
0x89: {  	[sflag:s17] =	ssyncset.done $0x0  }
0x8a: {  	[sflag:s17] =	ssyncadd.s32 $0xFFFFF800  }
0x8b: {  	_ =	swait.ge [sflag:s17], $0x800  }
0x8c: {  	[sflag:s17] =	ssyncset.done $0x0  }
0x8d: {  	[sflag:s17] =	ssyncadd.s32 $0xFFFFF800  }
0x8e: {  	s18 =	sadd.s32 $0x1, s18;
	_ =	swait.ge [sflag:s17], $0x800  }
0x8f: {  	p0 =	sne.s32 s18, s5;
	[sflag:s17] =	ssyncset.done $0x0  }
.Ltmp1:
0x90: {  	[sflag:s17] =	ssyncadd.s32 $0xFFFFF800;
	(pc) =	sbr.rel @p0 .LBB2_1-.Ltmp1, $4  }
0x91: {  	[hbm4b:s19+s2] =	stream.linear.scatter [tilespmem:s9], [sflag:$0x2], $0x4000, $0x38;
	[tilespmem:$0x6800] =	vst v63  }
0x92: {  	_ =	swait.ge [sflag:s7], $0x4000  }
0x93: {  	[sflag:s7] =	ssyncset.done $0x0  }
0x94: {  	[sflag:s7] =	ssyncadd.s32 $0xFFFFC000  }
0x95: {  	_ =	sfence.sel $0x180000  }
0x96: {  	[bflag:$0x0] =	sbarrier.arrive $0xFFFF  }
0x97: {  	p0 =	sne.s32 s1, $0x0;
	_ =	strace $0x90000047  }
0x98: {  	s0 =	sadd.s32 @!p0 $0x100000, s0;
	[bflag:$0x2] =	sbarrier.arrive $0xFFFF  }
0x99: {  	[sflag:s0] =	ssyncadd.tile.s32 @!p0 $0x1;
	_ =	shalt  }
.Lfunc_end2:
_tile_overlayer_lowered:
.L_overlay_start_2:
0x9a: {  	(tag) =	ssettag $0x2  }
0x9b: {  	s0 =	rddreg [dreg:$0x0];
	s2 =	stileid.u32  }
0x9c: {  	s1 =	rddreg [dreg:$0x1];
	p0 =	sne.s32 s2, $0x0  }
0x9d: {  	s3 =	rddreg [dreg:$0x2];
	[bflag:$0x3] =	sbarrier.arrive $0xFFFF;
	s2 =	simm.s32 @!p0 $0x1C02  }
0x9e: {  	[timem:s3], [sflag:s2] =	dma.local @!p0 [hbm:s0], s1  }
0x9f: {  	s0 =	simm.s32 @!p0 $0x2  }
0xa0: {  	_ =	swait.ge @!p0 [sflag:s0], s1  }
0xa1: {  	s1 =	ssub.s32 @!p0 $0x0, s1;
	[sflag:s0] =	ssyncset.done @!p0 $0x0  }
0xa2: {  	[sflag:s0] =	ssyncadd.s32 @!p0 s1  }
0xa3: {  	[bflag:$0x3] =	sbarrier.arrive $0xFFFF  }
0xa4: {  	_ =	shalt  }

// kernel: kernel.13.cloned.1.call-start
scs
__scs_entry_jumppad:
0x0: {  	(pc) =	sbr.rel $0x88, $3  }
0x1: {  	(tag) =	ssettag $0x0;
	lr =	simm.s32 $0x1  }
0x2: {  	[smem:$0x3F87] =	sst lr;
	_ =	strace $0xD0000000  }
0x3: {  	_ = 	snop  }
0x4: {  	_ = 	snop  }
0x5: {  	_ = 	snop  }
0x6: {  	_ = 	snop  }
0x7: {  	_ = 	snop  }
__scs_overlays_trampoline_lowered:
0x8: {  	[smem:$0x3F96] =	sst s0  }
0x9: {  	[smem:$0x3F97] =	sst s1  }
0xa: {  	[smem:$0x3F98] =	sst s2  }
0xb: {  	[smem:$0x3F99] =	sst s3  }
0xc: {  	[smem:$0x3F9A] =	sst s4  }
0xd: {  	[smem:$0x3F9B] =	sst s5  }
0xe: {  	[smem:$0x3F9C] =	sst s6  }
0xf: {  	[smem:$0x3F9D] =	sst s7  }
0x10: {  	[smem:$0x3F9E] =	sst s8  }
0x11: {  	[smem:$0x3F9F] =	sst s9;
	s0 =	simm.s32 @!p0 $0x0  }
0x12: {  	s1 =	sld [smem:$0x3F85];
	s0 =	simm.s32 @p0 $0x1  }
0x13: {  	[smem:$0x3FA0] =	sst s0;
	s0 =	simm.s32 @!p1 $0x0  }
0x14: {  	s2 =	sld [smem:$0x3F84];
	s0 =	simm.s32 @p1 $0x1  }
0x15: {  	[smem:$0x3FA1] =	sst s0;
	s0 =	simm.s32 @!p2 $0x0  }
0x16: {  	s3 =	sld [smem:$0x3FDB];
	s0 =	simm.s32 @p2 $0x1  }
0x17: {  	s4 =	simm.s32 $0x1BF5;
	[smem:$0x3FA3] =	sst s0  }
0x18: {  	s0 =	sld [smem:$0x3F86];
	_ =	swait.ge [sflag:s4], $0x0  }
0x19: {  	s7 =	sld [smem:$0x3F87]  }
0x1a: {  	s8 =	sadd.s32 $0xFFFFE003, lr  }
0x1b: {  	s9 =	sadd.s32 $0xFFFFFEF7, lr;
	s5 =	simm.s32 $0xFFFFFFFF;
	p2 =	slt.u32 s8, $0xFFFFF086  }
0x1c: {  	p1 =	slt.u32 s9, $0xF7A;
	s5 =	simm.s32 @!p2 $0x0  }
0x1d: {  	s5 =	simm.s32 @p1 $0x1;
	p0 =	seq.s32 s7, s2  }
0x1e: {  	s7 =	smul.u32 @!p0 $0xF7A, s2;
	p2 =	seq.s32 @!p0 s5, $0x0  }
0x1f: {  	s9 =	smul.u32 $0xF7A, s1;
	s8 =	simm.s32 @!p0 $0x1BF5;
	p2 =	por !p2, p0  }
0x20: {  	[sflag:s8] =	ssyncset.s32 @!p0 $0xFFFFF086;
	s6 =	sadd.s32 @!p0 s3, s7;
	s7 =	simm.s32 @!p0 $0x108  }
0x21: {  	s3 =	sadd.s32 s3, s9;
	s6 =	sadd.s32 @!p0 $0x88, s6;
	s7 =	simm.s32 @p2 $0x1082  }
0x22: {  	[simem:s7], [sflag:s8] =	dma.local @!p0 [hbm:s6], $0xF7A  }
0x23: {  	s9 =	sor.u32 $0xD0000000, s2;
	s6 =	simm.s32 $0x108;
	_ =	swait.ge @!p0 [sflag:s8], $0x0  }
0x24: {  	s3 =	sadd.s32 $0x88, s3;
	s6 =	simm.s32 @!p1 $0x1082;
	[sflag:s4] =	ssyncset.s32 $0xFFFFF086  }
0x25: {  	[simem:s6], [sflag:s4] =	dma.local [hbm:s3], $0xF7A  }
0x26: {  	[smem:$0x3F87] =	sst s1;
	(tag) =	ssettag s2;
	_ =	strace s9  }
0x27: {  	s1 =	sld [smem:$0x3F97]  }
0x28: {  	s2 =	sld [smem:$0x3F98]  }
0x29: {  	s4 =	sld [smem:$0x3F9A]  }
0x2a: {  	p0 =	seq.s32 s5, $0x0;
	s5 =	sld [smem:$0x3F9B]  }
0x2b: {  	s6 =	sld [smem:$0x3F9C]  }
0x2c: {  	s7 =	sld [smem:$0x3F9D]  }
0x2d: {  	s3 =	simm.s32 $0x108;
	s8 =	sld [smem:$0x3F9E]  }
0x2e: {  	s3 =	simm.s32 @!p0 $0x1082;
	s9 =	sld [smem:$0x3F9F]  }
0x2f: {  	lr =	sadd.s32 s0, s3;
	s0 =	sld [smem:$0x3F96]  }
0x30: {  	s3 =	sld [smem:$0x3F99]  }
0x31: {  	[smem:$0x3FA2] =	sst s10  }
0x32: {  	s10 =	sld [smem:$0x3FA0];
	_ =	sdelay $0x3  }
0x33: {  	p0 =	seq.s32 s10, $0x1;
	s10 =	sld [smem:$0x3FA2];
	_ =	sdelay $0x3  }
0x34: {  	[smem:$0x3FA2] =	sst s10  }
0x35: {  	s10 =	sld [smem:$0x3FA1];
	_ =	sdelay $0x3  }
0x36: {  	p1 =	seq.s32 s10, $0x1;
	s10 =	sld [smem:$0x3FA2];
	_ =	sdelay $0x3  }
0x37: {  	[smem:$0x3FA2] =	sst s10  }
0x38: {  	s10 =	sld [smem:$0x3FA3]  }
0x39: {  	_ = 	snop;
	(pc) =	sbr.ind lr, $3  }
0x3a: {  	_ = 	snop  }
0x3b: {  	_ = 	snop  }
0x3c: {  	p2 =	seq.s32 s10, $0x1;
	s10 =	sld [smem:$0x3FA2]  }
0x3d: {  	_ =	shalt  }
0x3e: {  	_ =	shalt  }
0x3f: {  	_ =	shalt  }
0x40: {  	_ =	shalt  }
0x41: {  	_ =	shalt  }
0x42: {  	_ =	shalt  }
0x43: {  	_ =	shalt  }
0x44: {  	_ =	shalt  }
0x45: {  	_ =	shalt  }
0x46: {  	_ =	shalt  }
0x47: {  	_ =	shalt  }
0x48: {  	_ =	shalt  }
0x49: {  	_ =	shalt  }
0x4a: {  	_ =	shalt  }
0x4b: {  	_ =	shalt  }
0x4c: {  	_ =	shalt  }
0x4d: {  	_ =	shalt  }
0x4e: {  	_ =	shalt  }
0x4f: {  	_ =	shalt  }
0x50: {  	_ =	shalt  }
0x51: {  	_ =	shalt  }
0x52: {  	_ =	shalt  }
0x53: {  	_ =	shalt  }
0x54: {  	_ =	shalt  }
0x55: {  	_ =	shalt  }
0x56: {  	_ =	shalt  }
0x57: {  	_ =	shalt  }
0x58: {  	_ =	shalt  }
0x59: {  	_ =	shalt  }
0x5a: {  	_ =	shalt  }
0x5b: {  	_ =	shalt  }
0x5c: {  	_ =	shalt  }
0x5d: {  	_ =	shalt  }
0x5e: {  	_ =	shalt  }
0x5f: {  	_ =	shalt  }
0x60: {  	_ =	shalt  }
0x61: {  	_ =	shalt  }
0x62: {  	_ =	shalt  }
0x63: {  	_ =	shalt  }
0x64: {  	_ =	shalt  }
0x65: {  	_ =	shalt  }
0x66: {  	_ =	shalt  }
0x67: {  	_ =	shalt  }
0x68: {  	_ =	shalt  }
0x69: {  	_ =	shalt  }
0x6a: {  	_ =	shalt  }
0x6b: {  	_ =	shalt  }
0x6c: {  	_ =	shalt  }
0x6d: {  	_ =	shalt  }
0x6e: {  	_ =	shalt  }
0x6f: {  	_ =	shalt  }
0x70: {  	_ =	shalt  }
0x71: {  	_ =	shalt  }
0x72: {  	_ =	shalt  }
0x73: {  	_ =	shalt  }
0x74: {  	_ =	shalt  }
0x75: {  	_ =	shalt  }
0x76: {  	_ =	shalt  }
0x77: {  	_ =	shalt  }
0x78: {  	_ =	shalt  }
0x79: {  	_ =	shalt  }
0x7a: {  	_ =	shalt  }
0x7b: {  	_ =	shalt  }
0x7c: {  	_ =	shalt  }
0x7d: {  	_ =	shalt  }
0x7e: {  	_ =	shalt  }
0x7f: {  	_ =	shalt  }
0x80: {  	_ =	shalt  }
0x81: {  	_ =	shalt  }
0x82: {  	_ =	shalt  }
0x83: {  	_ =	shalt  }
0x84: {  	_ =	shalt  }
0x85: {  	_ =	shalt  }
0x86: {  	_ =	shalt  }
0x87: {  	_ =	shalt  }
.Lfunc_end0:
.L_simem_size_0:
called_computation.1_lowered:
.L_overlay_start_0:
0x88: {  	s2 =	sld [smem:$0x3FD9]  }
0x89: {  	s3 =	sld [smem:$0x3FFE];
	_ =	sdelay $0x1  }
0x8a: {  	s1 =	srdreg.scid  }
0x8b: {  	s0 =	sand.u32 $0x1, s1  }
0x8c: {  	s17 =	sshll.u32 s0, $0xA;
	s2 =	sadd.s32 s3, s2  }
0x8d: {  	s2 =	sadd.s32 s2, s17  }
0x8e: {  	[smem:$0x3FAE] =	sst s2  }
0x8f: {  	_ = 	snop  }
0x90: {  	s2 =	sld [smem:$0x3FD0];
	(tm) =	ssettm $0x1  }
0x91: {  	s18 =	sld [smem:$0x3FFB];
	_ =	sdelay $0x3  }
0x92: {  	_ =	strace s18  }
0x93: {  	s3 =	sld [smem:$0x3FFC];
	_ =	sdelay $0x3  }
0x94: {  	_ =	strace s3  }
0x95: {  	s3 =	sld [smem:$0x3FFD];
	_ =	sdelay $0x3  }
0x96: {  	_ =	strace s3  }
0x97: {  	_ =	strace $0x8FFFFFFF  }
0x98: {  	s19 =	sld [smem:$0x3FDB];
	_ =	sdelay $0x1  }
0x99: {  	s4 =	simm.s32 $_scs_section_size  }
0x9a: {  	s5 =	simm.s32 $_size__tile_overlayer_lowered;
	s6 =	simm.s32 $_tile_overlayer_lowered  }
0x9b: {  	s22 =	simm.s32 $0x1BFF;
	s21 =	sshll.u32 s6, $0x1;
	s3 =	sadd.s32 s4, s19  }
0x9c: {  	s7 =	simm.s32 $0x0;
	s20 =	sshll.u32 s5, $0x1;
	s5 =	sadd.s32 s21, s3  }
0x9d: {  	[timem:s7], [sflag:s22] =	dma.local [hbm:s5], s20  }
0x9e: {  	_ =	swait.ge [sflag:s22], s20  }
0x9f: {  	s4 =	ssub.s32 $0x0, s20;
	[sflag:s22] =	ssyncset.done $0x0  }
0xa0: {  	[sflag:s22] =	ssyncadd.s32 s4;
	_ =	sdelay $0x1  }
0xa1: {  	s23 =	simm.s32 $0x1B8B  }
0xa2: {  	_ =	swait.ge [sflag:s23], $0x1  }
0xa3: {  	[sflag:s23] =	ssyncset.done $0x0  }
0xa4: {  	s25 =	simm.s32 $0x1B8E;
	s24 =	sld [smem:$0x3FFE];
	[sflag:s23] =	ssyncadd.s32 $0xFFFFFFFF  }
0xa5: {  	s26 =	simm.s32 $execute0_lowered;
	[smem:$0x3FD2] =	sst s25  }
0xa6: {  	s5 =	sshll.u32 s26, $0x1;
	_ =	strace $0x80000049;
	[dreg:$0x1] =	wrdreg $0xFFFFFFFF  }
0xa7: {  	s28 =	simm.s32 $_size_execute0_lowered;
	s3 =	sadd.s32 s3, s5;
	[dreg:$0x0] =	wrdreg $0x0  }
0xa8: {  	s5 =	sshll.u32 s28, $0x1;
	[dreg:$0x2] =	wrdreg s3  }
0xa9: {  	[dreg:$0x3] =	wrdreg s5  }
0xaa: {  	[dreg:$0x4] =	wrdreg $0xC0  }
0xab: {  	_ =	task [dreg:s7], $0x5FFFF  }
0xac: {  	[dreg:$0x1] =	wrdreg $0xFFFFFFFF  }
0xad: {  	[dreg:$0x0] =	wrdreg $0x60  }
0xae: {  	[dreg:$0x2] =	wrdreg s24  }
0xaf: {  	[dreg:$0x3] =	wrdreg s2  }
0xb0: {  	[dreg:$0x4] =	wrdreg $0x9  }
0xb1: {  	_ =	task.clear_ibuf [dreg:s7], $0x5FFFF;
	_ =	strace $0x90000049  }
0xb2: {  	s29 =	simm.s32 $0x9;
	_ =	strace $0x8000004B  }
0xb3: {  	_ =	swait.ge [sflag:s29], $0x1  }
0xb4: {  	[sflag:s29] =	ssyncadd.s32 $0xFFFFFFFF  }
0xb5: {  	_ =	strace $0x9000004B  }
0xb6: {  	_ =	sfence  }
0xb7: {  	s30 =	sld [smem:$0x0];
	_ =	sdelay $0x2  }
0xb8: {  	s31 =	sshll.u32 s1, $0xD;
	s1 =	sshrl.u32 s1, $0x2  }
0xb9: {  	s3 =	sand.u32 $0x4000, s31;
	s1 =	sadd.s32 s1, s30  }
0xba: {  	s0 =	sor.u32 s3, s0;
	s1 =	sshll.u32 s1, $0x11  }
0xbb: {  	s0 =	sor.u32 s1, s0  }
0xbc: {  	s0 =	sadd.s32 $0x8F2B, s0  }
0xbd: {  	[sflag:s0] =	ssyncadd.remote.s32 $0x1  }
0xbe: {  	_ =	sfence.sel $0xFFFF  }
0xbf: {  	[dreg:$0x0] =	wrdreg $0xFFFFFFFF;
	(pc) =	sbr.abs _section_cstart, $3  }
0xc0: {  	[dreg:$0x1] =	wrdreg $0xFFFFFFFF  }
0xc1: {  	_ =	task.clear_ibuf [dreg:s7], $0x2FFFF;
	_ =	strace $0x9FFFFFFF  }
0xc2: {  	(tm) =	ssettm $0x7FFFFFFF  }
0xc3: {  	_ =	shalt  }
tec
execute0_lowered:
.L_overlay_start_1:
0x0: {  	(tag) =	ssettag $0x1  }
0x1: {  	s4 =	rddreg [dreg:$0x0]  }
0x2: {  	s5 =	rddreg [dreg:$0x1]  }
0x3: {  	s0 =	rddreg [dreg:$0x2]  }
0x4: {  	s3 =	srdreg.scid;
	s1 =	stileid.u32;
	s2 =	simm.s32 $0x0  }
0x5: {  	s10 =	simm.s32 $0x3800;
	s11 =	simm.s32 $0x4800;
	s12 =	simm.s32 $0x5800  }
0x6: {  	s13 =	simm.s32 $0x6800;
	s14 =	simm.s32 $0x7800;
	s15 =	simm.s32 $0x8800  }
0x7: {  	s16 =	simm.s32 $0x9800;
	s17 =	simm.s32 $0x1;
	s18 =	simm.s32 $0x0  }
0x8: {  	s3 =	sand.u32 $0x1, s3;
	s6 =	smul.u32 $0x140000, s1;
	[smem:$0x7FF] =	sst s2  }
0x9: {  	s8 =	sshll.u32 s1, $0x1;
	s7 =	smul.u32 $0xA0000, s3;
	_ =	strace $0x8000004A  }
0xa: {  	s30 =	ssub.s32 $0x2, s3;
	s3 =	sor.u32 s3, s8;
	s8 =	simm.s32 $0x80  }
0xb: {  	s31 =	sshrl.u32 s30, $0x1;
	s9 =	smul.u32 $0x500, s3;
	s6 =	sadd.s32 s7, s6  }
0xc: {  	s3 =	sadd.s32 $0x6A00, s4;
	s7 =	ssub.s32 s30, s31;
	s6 =	sshrl.u32 s6, $0x4  }
0xd: {  	s6 =	sadd.s32 s6, s4;
	s4 =	sadd.s32 s5, s9;
	s5 =	smax.u32 s7, $0x1  }
0xe: {  	s7 =	simm.s32 $0x2;
	s9 =	simm.s32 $0x2800;
	s6 =	sadd.s32 $0x5AB000, s6  }
.LBB2_1:
0xf: {  	[tilespmem:s2], [sflag:$0x2] =	stream.linear.gather [hbm4b:s4+s2], $0x2800, $0x38;
	[tilespmem:$0xA800] =	vst v63  }
0x10: {  	_ =	swait.ge [sflag:s7], $0x2800  }
0x11: {  	[sflag:s7] =	ssyncset.done $0x0  }
0x12: {  	s19 =	simm.s32 $0x0;
	[sflag:s7] =	ssyncadd.s32 $0xFFFFD800  }
0x13: {  	[tilespmem:s9], [sflag:$0x1] =	stream.indirect.gather [hbm4b:s3+s8], $0x20, s19, s8, $0xb8;
	[tilespmem:$0xA800] =	vst v63  }
0x14: {  	s23 =	simm.s32 $0x80  }
0x15: {  	[tilespmem:s10], [sflag:$0x1] =	stream.indirect.gather [hbm4b:s3+s8], $0x20, s23, s8, $0xb8;
	[tilespmem:$0xA800] =	vst v63  }
0x16: {  	s24 =	simm.s32 $0x100  }
0x17: {  	[tilespmem:s11], [sflag:$0x1] =	stream.indirect.gather [hbm4b:s3+s8], $0x20, s24, s8, $0xb8;
	[tilespmem:$0xA800] =	vst v63  }
0x18: {  	s25 =	simm.s32 $0x180  }
0x19: {  	[tilespmem:s12], [sflag:$0x1] =	stream.indirect.gather [hbm4b:s3+s8], $0x20, s25, s8, $0xb8;
	[tilespmem:$0xA800] =	vst v63  }
0x1a: {  	s26 =	simm.s32 $0x200  }
0x1b: {  	[tilespmem:s13], [sflag:$0x1] =	stream.indirect.gather [hbm4b:s3+s8], $0x20, s26, s8, $0xb8;
	[tilespmem:$0xA800] =	vst v63  }
0x1c: {  	s28 =	simm.s32 $0x280  }
0x1d: {  	[tilespmem:s14], [sflag:$0x1] =	stream.indirect.gather [hbm4b:s3+s8], $0x20, s28, s8, $0xb8;
	[tilespmem:$0xA800] =	vst v63  }
0x1e: {  	s29 =	simm.s32 $0x300  }
0x1f: {  	[tilespmem:s15], [sflag:$0x1] =	stream.indirect.gather [hbm4b:s3+s8], $0x20, s29, s8, $0xb8;
	[tilespmem:$0xA800] =	vst v63  }
0x20: {  	s30 =	simm.s32 $0x380  }
0x21: {  	[tilespmem:s16], [sflag:$0x1] =	stream.indirect.gather [hbm4b:s3+s8], $0x20, s30, s8, $0xb8;
	[tilespmem:$0xA800] =	vst v63  }
0x22: {  	_ =	swait.ge [sflag:s17], $0x1000  }
0x23: {  	[sflag:s17] =	ssyncset.done $0x0  }
0x24: {  	[sflag:s17] =	ssyncadd.s32 $0xFFFFF000  }
0x25: {  	_ =	swait.ge [sflag:s17], $0x1000  }
0x26: {  	[sflag:s17] =	ssyncset.done $0x0  }
0x27: {  	[sflag:s17] =	ssyncadd.s32 $0xFFFFF000  }
0x28: {  	_ =	swait.ge [sflag:s17], $0x1000  }
0x29: {  	[sflag:s17] =	ssyncset.done $0x0  }
0x2a: {  	[sflag:s17] =	ssyncadd.s32 $0xFFFFF000  }
0x2b: {  	_ =	swait.ge [sflag:s17], $0x1000  }
0x2c: {  	[sflag:s17] =	ssyncset.done $0x0  }
0x2d: {  	[sflag:s17] =	ssyncadd.s32 $0xFFFFF000  }
0x2e: {  	_ =	swait.ge [sflag:s17], $0x1000  }
0x2f: {  	[sflag:s17] =	ssyncset.done $0x0  }
0x30: {  	[sflag:s17] =	ssyncadd.s32 $0xFFFFF000  }
0x31: {  	_ =	swait.ge [sflag:s17], $0x1000  }
0x32: {  	[sflag:s17] =	ssyncset.done $0x0  }
0x33: {  	[sflag:s17] =	ssyncadd.s32 $0xFFFFF000  }
0x34: {  	_ =	swait.ge [sflag:s17], $0x1000  }
0x35: {  	[sflag:s17] =	ssyncset.done $0x0  }
0x36: {  	[sflag:s17] =	ssyncadd.s32 $0xFFFFF000  }
0x37: {  	_ =	swait.ge [sflag:s17], $0x1000  }
0x38: {  	[sflag:s17] =	ssyncset.done $0x0  }
0x39: {  	s31 =	sadd.s32 $0x0, s6;
	[sflag:s17] =	ssyncadd.s32 $0xFFFFF000  }
0x3a: {  	[hbm4b:s31+s2] =	stream.linear.scatter [tilespmem:s9], [sflag:$0x2], $0x8000, $0x38;
	[tilespmem:$0xA800] =	vst v63  }
0x3b: {  	_ =	swait.ge [sflag:s7], $0x8000  }
0x3c: {  	s22 =	simm.s32 $0x2000;
	s19 =	simm.s32 $0x1000;
	[sflag:s7] =	ssyncset.done $0x0  }
.LBB2_2:
0x3d: {  	s23 =	sshra.s32 s19, $0x2  }
0x3e: {  	[sflag:s7] =	ssyncadd.s32 $0xFFFF8000;
	s21 =	smov.u32 s22;
	s20 =	sadd.s32 $0x1000, s22  }
0x3f: {  	[tilespmem:s9], [sflag:$0x1] =	stream.indirect.gather [hbm4b:s3+s8], $0x20, s23, s8, $0xb8;
	[tilespmem:$0xA800] =	vst v63  }
0x40: {  	p0 =	sne.s32 s22, $0x9000;
	s22 =	sadd.s32 $0x80, s23  }
0x41: {  	[tilespmem:s10], [sflag:$0x1] =	stream.indirect.gather [hbm4b:s3+s8], $0x20, s22, s8, $0xb8;
	[tilespmem:$0xA800] =	vst v63  }
0x42: {  	s22 =	sadd.s32 $0x100, s23  }
0x43: {  	[tilespmem:s11], [sflag:$0x1] =	stream.indirect.gather [hbm4b:s3+s8], $0x20, s22, s8, $0xb8;
	[tilespmem:$0xA800] =	vst v63  }
0x44: {  	s22 =	sadd.s32 $0x180, s23  }
0x45: {  	[tilespmem:s12], [sflag:$0x1] =	stream.indirect.gather [hbm4b:s3+s8], $0x20, s22, s8, $0xb8;
	[tilespmem:$0xA800] =	vst v63  }
0x46: {  	s22 =	sadd.s32 $0x200, s23  }
0x47: {  	[tilespmem:s13], [sflag:$0x1] =	stream.indirect.gather [hbm4b:s3+s8], $0x20, s22, s8, $0xb8;
	[tilespmem:$0xA800] =	vst v63  }
0x48: {  	s22 =	sadd.s32 $0x280, s23  }
0x49: {  	[tilespmem:s14], [sflag:$0x1] =	stream.indirect.gather [hbm4b:s3+s8], $0x20, s22, s8, $0xb8;
	[tilespmem:$0xA800] =	vst v63  }
0x4a: {  	s22 =	sadd.s32 $0x300, s23  }
0x4b: {  	[tilespmem:s15], [sflag:$0x1] =	stream.indirect.gather [hbm4b:s3+s8], $0x20, s22, s8, $0xb8;
	[tilespmem:$0xA800] =	vst v63  }
0x4c: {  	s22 =	sadd.s32 $0x380, s23  }
0x4d: {  	[tilespmem:s16], [sflag:$0x1] =	stream.indirect.gather [hbm4b:s3+s8], $0x20, s22, s8, $0xb8;
	[tilespmem:$0xA800] =	vst v63  }
0x4e: {  	_ =	swait.ge [sflag:s17], $0x1000  }
0x4f: {  	[sflag:s17] =	ssyncset.done $0x0  }
0x50: {  	[sflag:s17] =	ssyncadd.s32 $0xFFFFF000  }
0x51: {  	_ =	swait.ge [sflag:s17], $0x1000  }
0x52: {  	[sflag:s17] =	ssyncset.done $0x0  }
0x53: {  	[sflag:s17] =	ssyncadd.s32 $0xFFFFF000  }
0x54: {  	_ =	swait.ge [sflag:s17], $0x1000  }
0x55: {  	[sflag:s17] =	ssyncset.done $0x0  }
0x56: {  	[sflag:s17] =	ssyncadd.s32 $0xFFFFF000  }
0x57: {  	_ =	swait.ge [sflag:s17], $0x1000  }
0x58: {  	[sflag:s17] =	ssyncset.done $0x0  }
0x59: {  	[sflag:s17] =	ssyncadd.s32 $0xFFFFF000  }
0x5a: {  	_ =	swait.ge [sflag:s17], $0x1000  }
0x5b: {  	[sflag:s17] =	ssyncset.done $0x0  }
0x5c: {  	[sflag:s17] =	ssyncadd.s32 $0xFFFFF000  }
0x5d: {  	_ =	swait.ge [sflag:s17], $0x1000  }
0x5e: {  	[sflag:s17] =	ssyncset.done $0x0  }
0x5f: {  	[sflag:s17] =	ssyncadd.s32 $0xFFFFF000  }
0x60: {  	_ =	swait.ge [sflag:s17], $0x1000  }
0x61: {  	[sflag:s17] =	ssyncset.done $0x0  }
0x62: {  	[sflag:s17] =	ssyncadd.s32 $0xFFFFF000  }
0x63: {  	_ =	swait.ge [sflag:s17], $0x1000  }
.Ltmp0:
0x64: {  	[sflag:s17] =	ssyncset.done $0x0;
	(pc) =	sbr.rel @p0 .LBB2_2-.Ltmp0, $4  }
0x65: {  	s22 =	sadd.s32 s19, s6;
	s19 =	smov.u32 s21;
	[sflag:s17] =	ssyncadd.s32 $0xFFFFF000  }
0x66: {  	[hbm4b:s22+s2] =	stream.linear.scatter [tilespmem:s9], [sflag:$0x2], $0x8000, $0x38;
	[tilespmem:$0xA800] =	vst v63  }
0x67: {  	_ =	swait.ge [sflag:s7], $0x8000  }
0x68: {  	s22 =	smov.u32 s20;
	[sflag:s7] =	ssyncset.done $0x0  }
0x69: {  	s20 =	sshra.s32 s19, $0x2;
	[sflag:s7] =	ssyncadd.s32 $0xFFFF8000  }
0x6a: {  	[tilespmem:s9], [sflag:$0x1] =	stream.indirect.gather [hbm4b:s3+s8], $0x20, s20, s8, $0xb8;
	[tilespmem:$0xA800] =	vst v63  }
0x6b: {  	s21 =	sadd.s32 $0x80, s20  }
0x6c: {  	[tilespmem:s10], [sflag:$0x1] =	stream.indirect.gather [hbm4b:s3+s8], $0x20, s21, s8, $0xb8;
	[tilespmem:$0xA800] =	vst v63  }
0x6d: {  	s25 =	sadd.s32 $0x100, s20  }
0x6e: {  	[tilespmem:s11], [sflag:$0x1] =	stream.indirect.gather [hbm4b:s3+s8], $0x20, s25, s8, $0xb8;
	[tilespmem:$0xA800] =	vst v63  }
0x6f: {  	s26 =	sadd.s32 $0x180, s20  }
0x70: {  	[tilespmem:s12], [sflag:$0x1] =	stream.indirect.gather [hbm4b:s3+s8], $0x20, s26, s8, $0xb8;
	[tilespmem:$0xA800] =	vst v63  }
0x71: {  	s28 =	sadd.s32 $0x200, s20  }
0x72: {  	[tilespmem:s13], [sflag:$0x1] =	stream.indirect.gather [hbm4b:s3+s8], $0x20, s28, s8, $0xb8;
	[tilespmem:$0xA800] =	vst v63  }
0x73: {  	s29 =	sadd.s32 $0x280, s20  }
0x74: {  	[tilespmem:s14], [sflag:$0x1] =	stream.indirect.gather [hbm4b:s3+s8], $0x20, s29, s8, $0xb8;
	[tilespmem:$0xA800] =	vst v63  }
0x75: {  	s30 =	sadd.s32 $0x300, s20  }
0x76: {  	[tilespmem:s15], [sflag:$0x1] =	stream.indirect.gather [hbm4b:s3+s8], $0x20, s30, s8, $0xb8;
	[tilespmem:$0xA800] =	vst v63  }
0x77: {  	s20 =	sadd.s32 $0x380, s20  }
0x78: {  	[tilespmem:s16], [sflag:$0x1] =	stream.indirect.gather [hbm4b:s3+s8], $0x20, s20, s8, $0xb8;
	[tilespmem:$0xA800] =	vst v63  }
0x79: {  	_ =	swait.ge [sflag:s17], $0x1000  }
0x7a: {  	[sflag:s17] =	ssyncset.done $0x0  }
0x7b: {  	[sflag:s17] =	ssyncadd.s32 $0xFFFFF000  }
0x7c: {  	_ =	swait.ge [sflag:s17], $0x1000  }
0x7d: {  	[sflag:s17] =	ssyncset.done $0x0  }
0x7e: {  	[sflag:s17] =	ssyncadd.s32 $0xFFFFF000  }
0x7f: {  	_ =	swait.ge [sflag:s17], $0x1000  }
0x80: {  	[sflag:s17] =	ssyncset.done $0x0  }
0x81: {  	[sflag:s17] =	ssyncadd.s32 $0xFFFFF000  }
0x82: {  	_ =	swait.ge [sflag:s17], $0x1000  }
0x83: {  	[sflag:s17] =	ssyncset.done $0x0  }
0x84: {  	[sflag:s17] =	ssyncadd.s32 $0xFFFFF000  }
0x85: {  	_ =	swait.ge [sflag:s17], $0x1000  }
0x86: {  	[sflag:s17] =	ssyncset.done $0x0  }
0x87: {  	[sflag:s17] =	ssyncadd.s32 $0xFFFFF000  }
0x88: {  	_ =	swait.ge [sflag:s17], $0x1000  }
0x89: {  	[sflag:s17] =	ssyncset.done $0x0  }
0x8a: {  	[sflag:s17] =	ssyncadd.s32 $0xFFFFF000  }
0x8b: {  	_ =	swait.ge [sflag:s17], $0x1000  }
0x8c: {  	[sflag:s17] =	ssyncset.done $0x0  }
0x8d: {  	[sflag:s17] =	ssyncadd.s32 $0xFFFFF000  }
0x8e: {  	s18 =	sadd.s32 $0x1, s18;
	_ =	swait.ge [sflag:s17], $0x1000  }
0x8f: {  	p0 =	sne.s32 s18, s5;
	[sflag:s17] =	ssyncset.done $0x0  }
.Ltmp1:
0x90: {  	s31 =	sadd.s32 s19, s6;
	[sflag:s17] =	ssyncadd.s32 $0xFFFFF000;
	(pc) =	sbr.rel @p0 .LBB2_1-.Ltmp1, $4  }
0x91: {  	[hbm4b:s31+s2] =	stream.linear.scatter [tilespmem:s9], [sflag:$0x2], $0x8000, $0x38;
	[tilespmem:$0xA800] =	vst v63  }
0x92: {  	_ =	swait.ge [sflag:s7], $0x8000  }
0x93: {  	[sflag:s7] =	ssyncset.done $0x0  }
0x94: {  	[sflag:s7] =	ssyncadd.s32 $0xFFFF8000  }
0x95: {  	_ =	sfence.sel $0x180000  }
0x96: {  	[bflag:$0x0] =	sbarrier.arrive $0xFFFF  }
0x97: {  	p0 =	sne.s32 s1, $0x0;
	_ =	strace $0x9000004A  }
0x98: {  	s0 =	sadd.s32 @!p0 $0x100000, s0;
	[bflag:$0x2] =	sbarrier.arrive $0xFFFF  }
0x99: {  	[sflag:s0] =	ssyncadd.tile.s32 @!p0 $0x1;
	_ =	shalt  }
.Lfunc_end2:
_tile_overlayer_lowered:
.L_overlay_start_2:
0x9a: {  	(tag) =	ssettag $0x2  }
0x9b: {  	s0 =	rddreg [dreg:$0x0];
	s2 =	stileid.u32  }
0x9c: {  	s1 =	rddreg [dreg:$0x1];
	p0 =	sne.s32 s2, $0x0  }
0x9d: {  	s3 =	rddreg [dreg:$0x2];
	[bflag:$0x3] =	sbarrier.arrive $0xFFFF;
	s2 =	simm.s32 @!p0 $0x1C02  }
0x9e: {  	[timem:s3], [sflag:s2] =	dma.local @!p0 [hbm:s0], s1  }
0x9f: {  	s0 =	simm.s32 @!p0 $0x2  }
0xa0: {  	_ =	swait.ge @!p0 [sflag:s0], s1  }
0xa1: {  	s1 =	ssub.s32 @!p0 $0x0, s1;
	[sflag:s0] =	ssyncset.done @!p0 $0x0  }
0xa2: {  	[sflag:s0] =	ssyncadd.s32 @!p0 s1  }
0xa3: {  	[bflag:$0x3] =	sbarrier.arrive $0xFFFF  }
0xa4: {  	_ =	shalt  }

// kernel: kernel.16.cloned.1.call-start
scs
__scs_entry_jumppad:
0x0: {  	(pc) =	sbr.rel $0x88, $3  }
0x1: {  	(tag) =	ssettag $0x0;
	lr =	simm.s32 $0x1  }
0x2: {  	[smem:$0x3F87] =	sst lr;
	_ =	strace $0xD0000000  }
0x3: {  	_ = 	snop  }
0x4: {  	_ = 	snop  }
0x5: {  	_ = 	snop  }
0x6: {  	_ = 	snop  }
0x7: {  	_ = 	snop  }
__scs_overlays_trampoline_lowered:
0x8: {  	[smem:$0x3F96] =	sst s0  }
0x9: {  	[smem:$0x3F97] =	sst s1  }
0xa: {  	[smem:$0x3F98] =	sst s2  }
0xb: {  	[smem:$0x3F99] =	sst s3  }
0xc: {  	[smem:$0x3F9A] =	sst s4  }
0xd: {  	[smem:$0x3F9B] =	sst s5  }
0xe: {  	[smem:$0x3F9C] =	sst s6  }
0xf: {  	[smem:$0x3F9D] =	sst s7  }
0x10: {  	[smem:$0x3F9E] =	sst s8  }
0x11: {  	[smem:$0x3F9F] =	sst s9;
	s0 =	simm.s32 @!p0 $0x0  }
0x12: {  	s1 =	sld [smem:$0x3F85];
	s0 =	simm.s32 @p0 $0x1  }
0x13: {  	[smem:$0x3FA0] =	sst s0;
	s0 =	simm.s32 @!p1 $0x0  }
0x14: {  	s2 =	sld [smem:$0x3F84];
	s0 =	simm.s32 @p1 $0x1  }
0x15: {  	[smem:$0x3FA1] =	sst s0;
	s0 =	simm.s32 @!p2 $0x0  }
0x16: {  	s3 =	sld [smem:$0x3FDB];
	s0 =	simm.s32 @p2 $0x1  }
0x17: {  	s4 =	simm.s32 $0x1BF5;
	[smem:$0x3FA3] =	sst s0  }
0x18: {  	s0 =	sld [smem:$0x3F86];
	_ =	swait.ge [sflag:s4], $0x0  }
0x19: {  	s7 =	sld [smem:$0x3F87]  }
0x1a: {  	s8 =	sadd.s32 $0xFFFFE003, lr  }
0x1b: {  	s9 =	sadd.s32 $0xFFFFFEF7, lr;
	s5 =	simm.s32 $0xFFFFFFFF;
	p2 =	slt.u32 s8, $0xFFFFF086  }
0x1c: {  	p1 =	slt.u32 s9, $0xF7A;
	s5 =	simm.s32 @!p2 $0x0  }
0x1d: {  	s5 =	simm.s32 @p1 $0x1;
	p0 =	seq.s32 s7, s2  }
0x1e: {  	s7 =	smul.u32 @!p0 $0xF7A, s2;
	p2 =	seq.s32 @!p0 s5, $0x0  }
0x1f: {  	s9 =	smul.u32 $0xF7A, s1;
	s8 =	simm.s32 @!p0 $0x1BF5;
	p2 =	por !p2, p0  }
0x20: {  	[sflag:s8] =	ssyncset.s32 @!p0 $0xFFFFF086;
	s6 =	sadd.s32 @!p0 s3, s7;
	s7 =	simm.s32 @!p0 $0x108  }
0x21: {  	s3 =	sadd.s32 s3, s9;
	s6 =	sadd.s32 @!p0 $0x88, s6;
	s7 =	simm.s32 @p2 $0x1082  }
0x22: {  	[simem:s7], [sflag:s8] =	dma.local @!p0 [hbm:s6], $0xF7A  }
0x23: {  	s9 =	sor.u32 $0xD0000000, s2;
	s6 =	simm.s32 $0x108;
	_ =	swait.ge @!p0 [sflag:s8], $0x0  }
0x24: {  	s3 =	sadd.s32 $0x88, s3;
	s6 =	simm.s32 @!p1 $0x1082;
	[sflag:s4] =	ssyncset.s32 $0xFFFFF086  }
0x25: {  	[simem:s6], [sflag:s4] =	dma.local [hbm:s3], $0xF7A  }
0x26: {  	[smem:$0x3F87] =	sst s1;
	(tag) =	ssettag s2;
	_ =	strace s9  }
0x27: {  	s1 =	sld [smem:$0x3F97]  }
0x28: {  	s2 =	sld [smem:$0x3F98]  }
0x29: {  	s4 =	sld [smem:$0x3F9A]  }
0x2a: {  	p0 =	seq.s32 s5, $0x0;
	s5 =	sld [smem:$0x3F9B]  }
0x2b: {  	s6 =	sld [smem:$0x3F9C]  }
0x2c: {  	s7 =	sld [smem:$0x3F9D]  }
0x2d: {  	s3 =	simm.s32 $0x108;
	s8 =	sld [smem:$0x3F9E]  }
0x2e: {  	s3 =	simm.s32 @!p0 $0x1082;
	s9 =	sld [smem:$0x3F9F]  }
0x2f: {  	lr =	sadd.s32 s0, s3;
	s0 =	sld [smem:$0x3F96]  }
0x30: {  	s3 =	sld [smem:$0x3F99]  }
0x31: {  	[smem:$0x3FA2] =	sst s10  }
0x32: {  	s10 =	sld [smem:$0x3FA0];
	_ =	sdelay $0x3  }
0x33: {  	p0 =	seq.s32 s10, $0x1;
	s10 =	sld [smem:$0x3FA2];
	_ =	sdelay $0x3  }
0x34: {  	[smem:$0x3FA2] =	sst s10  }
0x35: {  	s10 =	sld [smem:$0x3FA1];
	_ =	sdelay $0x3  }
0x36: {  	p1 =	seq.s32 s10, $0x1;
	s10 =	sld [smem:$0x3FA2];
	_ =	sdelay $0x3  }
0x37: {  	[smem:$0x3FA2] =	sst s10  }
0x38: {  	s10 =	sld [smem:$0x3FA3]  }
0x39: {  	_ = 	snop;
	(pc) =	sbr.ind lr, $3  }
0x3a: {  	_ = 	snop  }
0x3b: {  	_ = 	snop  }
0x3c: {  	p2 =	seq.s32 s10, $0x1;
	s10 =	sld [smem:$0x3FA2]  }
0x3d: {  	_ =	shalt  }
0x3e: {  	_ =	shalt  }
0x3f: {  	_ =	shalt  }
0x40: {  	_ =	shalt  }
0x41: {  	_ =	shalt  }
0x42: {  	_ =	shalt  }
0x43: {  	_ =	shalt  }
0x44: {  	_ =	shalt  }
0x45: {  	_ =	shalt  }
0x46: {  	_ =	shalt  }
0x47: {  	_ =	shalt  }
0x48: {  	_ =	shalt  }
0x49: {  	_ =	shalt  }
0x4a: {  	_ =	shalt  }
0x4b: {  	_ =	shalt  }
0x4c: {  	_ =	shalt  }
0x4d: {  	_ =	shalt  }
0x4e: {  	_ =	shalt  }
0x4f: {  	_ =	shalt  }
0x50: {  	_ =	shalt  }
0x51: {  	_ =	shalt  }
0x52: {  	_ =	shalt  }
0x53: {  	_ =	shalt  }
0x54: {  	_ =	shalt  }
0x55: {  	_ =	shalt  }
0x56: {  	_ =	shalt  }
0x57: {  	_ =	shalt  }
0x58: {  	_ =	shalt  }
0x59: {  	_ =	shalt  }
0x5a: {  	_ =	shalt  }
0x5b: {  	_ =	shalt  }
0x5c: {  	_ =	shalt  }
0x5d: {  	_ =	shalt  }
0x5e: {  	_ =	shalt  }
0x5f: {  	_ =	shalt  }
0x60: {  	_ =	shalt  }
0x61: {  	_ =	shalt  }
0x62: {  	_ =	shalt  }
0x63: {  	_ =	shalt  }
0x64: {  	_ =	shalt  }
0x65: {  	_ =	shalt  }
0x66: {  	_ =	shalt  }
0x67: {  	_ =	shalt  }
0x68: {  	_ =	shalt  }
0x69: {  	_ =	shalt  }
0x6a: {  	_ =	shalt  }
0x6b: {  	_ =	shalt  }
0x6c: {  	_ =	shalt  }
0x6d: {  	_ =	shalt  }
0x6e: {  	_ =	shalt  }
0x6f: {  	_ =	shalt  }
0x70: {  	_ =	shalt  }
0x71: {  	_ =	shalt  }
0x72: {  	_ =	shalt  }
0x73: {  	_ =	shalt  }
0x74: {  	_ =	shalt  }
0x75: {  	_ =	shalt  }
0x76: {  	_ =	shalt  }
0x77: {  	_ =	shalt  }
0x78: {  	_ =	shalt  }
0x79: {  	_ =	shalt  }
0x7a: {  	_ =	shalt  }
0x7b: {  	_ =	shalt  }
0x7c: {  	_ =	shalt  }
0x7d: {  	_ =	shalt  }
0x7e: {  	_ =	shalt  }
0x7f: {  	_ =	shalt  }
0x80: {  	_ =	shalt  }
0x81: {  	_ =	shalt  }
0x82: {  	_ =	shalt  }
0x83: {  	_ =	shalt  }
0x84: {  	_ =	shalt  }
0x85: {  	_ =	shalt  }
0x86: {  	_ =	shalt  }
0x87: {  	_ =	shalt  }
.Lfunc_end0:
.L_simem_size_0:
called_computation.2_lowered:
.L_overlay_start_0:
0x88: {  	s2 =	sld [smem:$0x3FD9]  }
0x89: {  	s3 =	sld [smem:$0x3FFE];
	_ =	sdelay $0x1  }
0x8a: {  	s1 =	srdreg.scid  }
0x8b: {  	s0 =	sand.u32 $0x1, s1  }
0x8c: {  	s17 =	sshll.u32 s0, $0xA;
	s2 =	sadd.s32 s3, s2  }
0x8d: {  	s2 =	sadd.s32 s2, s17  }
0x8e: {  	[smem:$0x3FAE] =	sst s2  }
0x8f: {  	_ = 	snop  }
0x90: {  	s2 =	sld [smem:$0x3FD0];
	(tm) =	ssettm $0x1  }
0x91: {  	s18 =	sld [smem:$0x3FFB];
	_ =	sdelay $0x3  }
0x92: {  	_ =	strace s18  }
0x93: {  	s3 =	sld [smem:$0x3FFC];
	_ =	sdelay $0x3  }
0x94: {  	_ =	strace s3  }
0x95: {  	s3 =	sld [smem:$0x3FFD];
	_ =	sdelay $0x3  }
0x96: {  	_ =	strace s3  }
0x97: {  	_ =	strace $0x8FFFFFFF  }
0x98: {  	s19 =	sld [smem:$0x3FDB];
	_ =	sdelay $0x1  }
0x99: {  	s4 =	simm.s32 $_scs_section_size  }
0x9a: {  	s5 =	simm.s32 $_size__tile_overlayer_lowered;
	s6 =	simm.s32 $_tile_overlayer_lowered  }
0x9b: {  	s22 =	simm.s32 $0x1BFF;
	s21 =	sshll.u32 s6, $0x1;
	s3 =	sadd.s32 s4, s19  }
0x9c: {  	s7 =	simm.s32 $0x0;
	s20 =	sshll.u32 s5, $0x1;
	s5 =	sadd.s32 s21, s3  }
0x9d: {  	[timem:s7], [sflag:s22] =	dma.local [hbm:s5], s20  }
0x9e: {  	_ =	swait.ge [sflag:s22], s20  }
0x9f: {  	s4 =	ssub.s32 $0x0, s20;
	[sflag:s22] =	ssyncset.done $0x0  }
0xa0: {  	[sflag:s22] =	ssyncadd.s32 s4;
	_ =	sdelay $0x1  }
0xa1: {  	s23 =	simm.s32 $0x1B8B  }
0xa2: {  	_ =	swait.ge [sflag:s23], $0x1  }
0xa3: {  	[sflag:s23] =	ssyncset.done $0x0  }
0xa4: {  	s25 =	simm.s32 $0x1B8E;
	s24 =	sld [smem:$0x3FFE];
	[sflag:s23] =	ssyncadd.s32 $0xFFFFFFFF  }
0xa5: {  	s26 =	simm.s32 $execute0_lowered;
	[smem:$0x3FD2] =	sst s25  }
0xa6: {  	s5 =	sshll.u32 s26, $0x1;
	_ =	strace $0x8000004C;
	[dreg:$0x1] =	wrdreg $0xFFFFFFFF  }
0xa7: {  	s28 =	simm.s32 $_size_execute0_lowered;
	s3 =	sadd.s32 s3, s5;
	[dreg:$0x0] =	wrdreg $0x0  }
0xa8: {  	s5 =	sshll.u32 s28, $0x1;
	[dreg:$0x2] =	wrdreg s3  }
0xa9: {  	[dreg:$0x3] =	wrdreg s5  }
0xaa: {  	[dreg:$0x4] =	wrdreg $0xC0  }
0xab: {  	_ =	task [dreg:s7], $0x5FFFF  }
0xac: {  	[dreg:$0x1] =	wrdreg $0xFFFFFFFF  }
0xad: {  	[dreg:$0x0] =	wrdreg $0x60  }
0xae: {  	[dreg:$0x2] =	wrdreg s24  }
0xaf: {  	[dreg:$0x3] =	wrdreg s2  }
0xb0: {  	[dreg:$0x4] =	wrdreg $0x9  }
0xb1: {  	_ =	task.clear_ibuf [dreg:s7], $0x5FFFF;
	_ =	strace $0x9000004C  }
0xb2: {  	s29 =	simm.s32 $0x9;
	_ =	strace $0x8000004E  }
0xb3: {  	_ =	swait.ge [sflag:s29], $0x1  }
0xb4: {  	[sflag:s29] =	ssyncadd.s32 $0xFFFFFFFF  }
0xb5: {  	_ =	strace $0x9000004E  }
0xb6: {  	_ =	sfence  }
0xb7: {  	s30 =	sld [smem:$0x0];
	_ =	sdelay $0x2  }
0xb8: {  	s31 =	sshll.u32 s1, $0xD;
	s1 =	sshrl.u32 s1, $0x2  }
0xb9: {  	s3 =	sand.u32 $0x4000, s31;
	s1 =	sadd.s32 s1, s30  }
0xba: {  	s0 =	sor.u32 s3, s0;
	s1 =	sshll.u32 s1, $0x11  }
0xbb: {  	s0 =	sor.u32 s1, s0  }
0xbc: {  	s0 =	sadd.s32 $0x8F2B, s0  }
0xbd: {  	[sflag:s0] =	ssyncadd.remote.s32 $0x1  }
0xbe: {  	_ =	sfence.sel $0xFFFF  }
0xbf: {  	[dreg:$0x0] =	wrdreg $0xFFFFFFFF;
	(pc) =	sbr.abs _section_cstart, $3  }
0xc0: {  	[dreg:$0x1] =	wrdreg $0xFFFFFFFF  }
0xc1: {  	_ =	task.clear_ibuf [dreg:s7], $0x2FFFF;
	_ =	strace $0x9FFFFFFF  }
0xc2: {  	(tm) =	ssettm $0x7FFFFFFF  }
0xc3: {  	_ =	shalt  }
tec
execute0_lowered:
.L_overlay_start_1:
0x0: {  	(tag) =	ssettag $0x1  }
0x1: {  	s4 =	rddreg [dreg:$0x0]  }
0x2: {  	s5 =	rddreg [dreg:$0x1]  }
0x3: {  	s0 =	rddreg [dreg:$0x2]  }
0x4: {  	s3 =	srdreg.scid;
	s1 =	stileid.u32;
	s2 =	simm.s32 $0x0  }
0x5: {  	s10 =	simm.s32 $0x3800;
	s11 =	simm.s32 $0x4800;
	s12 =	simm.s32 $0x5800  }
0x6: {  	s13 =	simm.s32 $0x6800;
	s14 =	simm.s32 $0x7800;
	s15 =	simm.s32 $0x8800  }
0x7: {  	s16 =	simm.s32 $0x9800;
	s17 =	simm.s32 $0x1;
	s18 =	simm.s32 $0x0  }
0x8: {  	s3 =	sand.u32 $0x1, s3;
	s6 =	smul.u32 $0x140000, s1;
	[smem:$0x7FF] =	sst s2  }
0x9: {  	s8 =	sshll.u32 s1, $0x1;
	s7 =	smul.u32 $0xA0000, s3;
	_ =	strace $0x8000004D  }
0xa: {  	s30 =	ssub.s32 $0x2, s3;
	s3 =	sor.u32 s3, s8;
	s8 =	simm.s32 $0x80  }
0xb: {  	s31 =	sshrl.u32 s30, $0x1;
	s9 =	smul.u32 $0x500, s3;
	s6 =	sadd.s32 s7, s6  }
0xc: {  	s3 =	sadd.s32 $0x6A00, s4;
	s7 =	ssub.s32 s30, s31;
	s6 =	sshrl.u32 s6, $0x4  }
0xd: {  	s6 =	sadd.s32 s6, s4;
	s4 =	sadd.s32 s5, s9;
	s5 =	smax.u32 s7, $0x1  }
0xe: {  	s7 =	simm.s32 $0x2;
	s9 =	simm.s32 $0x2800;
	s6 =	sadd.s32 $0x5AB000, s6  }
.LBB2_1:
0xf: {  	[tilespmem:s2], [sflag:$0x2] =	stream.linear.gather [hbm4b:s4+s2], $0x2800, $0x38;
	[tilespmem:$0xA800] =	vst v63  }
0x10: {  	_ =	swait.ge [sflag:s7], $0x2800  }
0x11: {  	[sflag:s7] =	ssyncset.done $0x0  }
0x12: {  	s19 =	simm.s32 $0x0;
	[sflag:s7] =	ssyncadd.s32 $0xFFFFD800  }
0x13: {  	[tilespmem:s9], [sflag:$0x1] =	stream.indirect.gather [hbm4b:s3+s8], $0x20, s19, s8, $0xb8;
	[tilespmem:$0xA800] =	vst v63  }
0x14: {  	s23 =	simm.s32 $0x80  }
0x15: {  	[tilespmem:s10], [sflag:$0x1] =	stream.indirect.gather [hbm4b:s3+s8], $0x20, s23, s8, $0xb8;
	[tilespmem:$0xA800] =	vst v63  }
0x16: {  	s24 =	simm.s32 $0x100  }
0x17: {  	[tilespmem:s11], [sflag:$0x1] =	stream.indirect.gather [hbm4b:s3+s8], $0x20, s24, s8, $0xb8;
	[tilespmem:$0xA800] =	vst v63  }
0x18: {  	s25 =	simm.s32 $0x180  }
0x19: {  	[tilespmem:s12], [sflag:$0x1] =	stream.indirect.gather [hbm4b:s3+s8], $0x20, s25, s8, $0xb8;
	[tilespmem:$0xA800] =	vst v63  }
0x1a: {  	s26 =	simm.s32 $0x200  }
0x1b: {  	[tilespmem:s13], [sflag:$0x1] =	stream.indirect.gather [hbm4b:s3+s8], $0x20, s26, s8, $0xb8;
	[tilespmem:$0xA800] =	vst v63  }
0x1c: {  	s28 =	simm.s32 $0x280  }
0x1d: {  	[tilespmem:s14], [sflag:$0x1] =	stream.indirect.gather [hbm4b:s3+s8], $0x20, s28, s8, $0xb8;
	[tilespmem:$0xA800] =	vst v63  }
0x1e: {  	s29 =	simm.s32 $0x300  }
0x1f: {  	[tilespmem:s15], [sflag:$0x1] =	stream.indirect.gather [hbm4b:s3+s8], $0x20, s29, s8, $0xb8;
	[tilespmem:$0xA800] =	vst v63  }
0x20: {  	s30 =	simm.s32 $0x380  }
0x21: {  	[tilespmem:s16], [sflag:$0x1] =	stream.indirect.gather [hbm4b:s3+s8], $0x20, s30, s8, $0xb8;
	[tilespmem:$0xA800] =	vst v63  }
0x22: {  	_ =	swait.ge [sflag:s17], $0x1000  }
0x23: {  	[sflag:s17] =	ssyncset.done $0x0  }
0x24: {  	[sflag:s17] =	ssyncadd.s32 $0xFFFFF000  }
0x25: {  	_ =	swait.ge [sflag:s17], $0x1000  }
0x26: {  	[sflag:s17] =	ssyncset.done $0x0  }
0x27: {  	[sflag:s17] =	ssyncadd.s32 $0xFFFFF000  }
0x28: {  	_ =	swait.ge [sflag:s17], $0x1000  }
0x29: {  	[sflag:s17] =	ssyncset.done $0x0  }
0x2a: {  	[sflag:s17] =	ssyncadd.s32 $0xFFFFF000  }
0x2b: {  	_ =	swait.ge [sflag:s17], $0x1000  }
0x2c: {  	[sflag:s17] =	ssyncset.done $0x0  }
0x2d: {  	[sflag:s17] =	ssyncadd.s32 $0xFFFFF000  }
0x2e: {  	_ =	swait.ge [sflag:s17], $0x1000  }
0x2f: {  	[sflag:s17] =	ssyncset.done $0x0  }
0x30: {  	[sflag:s17] =	ssyncadd.s32 $0xFFFFF000  }
0x31: {  	_ =	swait.ge [sflag:s17], $0x1000  }
0x32: {  	[sflag:s17] =	ssyncset.done $0x0  }
0x33: {  	[sflag:s17] =	ssyncadd.s32 $0xFFFFF000  }
0x34: {  	_ =	swait.ge [sflag:s17], $0x1000  }
0x35: {  	[sflag:s17] =	ssyncset.done $0x0  }
0x36: {  	[sflag:s17] =	ssyncadd.s32 $0xFFFFF000  }
0x37: {  	_ =	swait.ge [sflag:s17], $0x1000  }
0x38: {  	[sflag:s17] =	ssyncset.done $0x0  }
0x39: {  	s31 =	sadd.s32 $0x0, s6;
	[sflag:s17] =	ssyncadd.s32 $0xFFFFF000  }
0x3a: {  	[hbm4b:s31+s2] =	stream.linear.scatter [tilespmem:s9], [sflag:$0x2], $0x8000, $0x38;
	[tilespmem:$0xA800] =	vst v63  }
0x3b: {  	_ =	swait.ge [sflag:s7], $0x8000  }
0x3c: {  	s22 =	simm.s32 $0x2000;
	s19 =	simm.s32 $0x1000;
	[sflag:s7] =	ssyncset.done $0x0  }
.LBB2_2:
0x3d: {  	s23 =	sshra.s32 s19, $0x2  }
0x3e: {  	[sflag:s7] =	ssyncadd.s32 $0xFFFF8000;
	s21 =	smov.u32 s22;
	s20 =	sadd.s32 $0x1000, s22  }
0x3f: {  	[tilespmem:s9], [sflag:$0x1] =	stream.indirect.gather [hbm4b:s3+s8], $0x20, s23, s8, $0xb8;
	[tilespmem:$0xA800] =	vst v63  }
0x40: {  	p0 =	sne.s32 s22, $0x9000;
	s22 =	sadd.s32 $0x80, s23  }
0x41: {  	[tilespmem:s10], [sflag:$0x1] =	stream.indirect.gather [hbm4b:s3+s8], $0x20, s22, s8, $0xb8;
	[tilespmem:$0xA800] =	vst v63  }
0x42: {  	s22 =	sadd.s32 $0x100, s23  }
0x43: {  	[tilespmem:s11], [sflag:$0x1] =	stream.indirect.gather [hbm4b:s3+s8], $0x20, s22, s8, $0xb8;
	[tilespmem:$0xA800] =	vst v63  }
0x44: {  	s22 =	sadd.s32 $0x180, s23  }
0x45: {  	[tilespmem:s12], [sflag:$0x1] =	stream.indirect.gather [hbm4b:s3+s8], $0x20, s22, s8, $0xb8;
	[tilespmem:$0xA800] =	vst v63  }
0x46: {  	s22 =	sadd.s32 $0x200, s23  }
0x47: {  	[tilespmem:s13], [sflag:$0x1] =	stream.indirect.gather [hbm4b:s3+s8], $0x20, s22, s8, $0xb8;
	[tilespmem:$0xA800] =	vst v63  }
0x48: {  	s22 =	sadd.s32 $0x280, s23  }
0x49: {  	[tilespmem:s14], [sflag:$0x1] =	stream.indirect.gather [hbm4b:s3+s8], $0x20, s22, s8, $0xb8;
	[tilespmem:$0xA800] =	vst v63  }
0x4a: {  	s22 =	sadd.s32 $0x300, s23  }
0x4b: {  	[tilespmem:s15], [sflag:$0x1] =	stream.indirect.gather [hbm4b:s3+s8], $0x20, s22, s8, $0xb8;
	[tilespmem:$0xA800] =	vst v63  }
0x4c: {  	s22 =	sadd.s32 $0x380, s23  }
0x4d: {  	[tilespmem:s16], [sflag:$0x1] =	stream.indirect.gather [hbm4b:s3+s8], $0x20, s22, s8, $0xb8;
	[tilespmem:$0xA800] =	vst v63  }
0x4e: {  	_ =	swait.ge [sflag:s17], $0x1000  }
0x4f: {  	[sflag:s17] =	ssyncset.done $0x0  }
0x50: {  	[sflag:s17] =	ssyncadd.s32 $0xFFFFF000  }
0x51: {  	_ =	swait.ge [sflag:s17], $0x1000  }
0x52: {  	[sflag:s17] =	ssyncset.done $0x0  }
0x53: {  	[sflag:s17] =	ssyncadd.s32 $0xFFFFF000  }
0x54: {  	_ =	swait.ge [sflag:s17], $0x1000  }
0x55: {  	[sflag:s17] =	ssyncset.done $0x0  }
0x56: {  	[sflag:s17] =	ssyncadd.s32 $0xFFFFF000  }
0x57: {  	_ =	swait.ge [sflag:s17], $0x1000  }
0x58: {  	[sflag:s17] =	ssyncset.done $0x0  }
0x59: {  	[sflag:s17] =	ssyncadd.s32 $0xFFFFF000  }
0x5a: {  	_ =	swait.ge [sflag:s17], $0x1000  }
0x5b: {  	[sflag:s17] =	ssyncset.done $0x0  }
0x5c: {  	[sflag:s17] =	ssyncadd.s32 $0xFFFFF000  }
0x5d: {  	_ =	swait.ge [sflag:s17], $0x1000  }
0x5e: {  	[sflag:s17] =	ssyncset.done $0x0  }
0x5f: {  	[sflag:s17] =	ssyncadd.s32 $0xFFFFF000  }
0x60: {  	_ =	swait.ge [sflag:s17], $0x1000  }
0x61: {  	[sflag:s17] =	ssyncset.done $0x0  }
0x62: {  	[sflag:s17] =	ssyncadd.s32 $0xFFFFF000  }
0x63: {  	_ =	swait.ge [sflag:s17], $0x1000  }
.Ltmp0:
0x64: {  	[sflag:s17] =	ssyncset.done $0x0;
	(pc) =	sbr.rel @p0 .LBB2_2-.Ltmp0, $4  }
0x65: {  	s22 =	sadd.s32 s19, s6;
	s19 =	smov.u32 s21;
	[sflag:s17] =	ssyncadd.s32 $0xFFFFF000  }
0x66: {  	[hbm4b:s22+s2] =	stream.linear.scatter [tilespmem:s9], [sflag:$0x2], $0x8000, $0x38;
	[tilespmem:$0xA800] =	vst v63  }
0x67: {  	_ =	swait.ge [sflag:s7], $0x8000  }
0x68: {  	s22 =	smov.u32 s20;
	[sflag:s7] =	ssyncset.done $0x0  }
0x69: {  	s20 =	sshra.s32 s19, $0x2;
	[sflag:s7] =	ssyncadd.s32 $0xFFFF8000  }
0x6a: {  	[tilespmem:s9], [sflag:$0x1] =	stream.indirect.gather [hbm4b:s3+s8], $0x20, s20, s8, $0xb8;
	[tilespmem:$0xA800] =	vst v63  }
0x6b: {  	s21 =	sadd.s32 $0x80, s20  }
0x6c: {  	[tilespmem:s10], [sflag:$0x1] =	stream.indirect.gather [hbm4b:s3+s8], $0x20, s21, s8, $0xb8;
	[tilespmem:$0xA800] =	vst v63  }
0x6d: {  	s25 =	sadd.s32 $0x100, s20  }
0x6e: {  	[tilespmem:s11], [sflag:$0x1] =	stream.indirect.gather [hbm4b:s3+s8], $0x20, s25, s8, $0xb8;
	[tilespmem:$0xA800] =	vst v63  }
0x6f: {  	s26 =	sadd.s32 $0x180, s20  }
0x70: {  	[tilespmem:s12], [sflag:$0x1] =	stream.indirect.gather [hbm4b:s3+s8], $0x20, s26, s8, $0xb8;
	[tilespmem:$0xA800] =	vst v63  }
0x71: {  	s28 =	sadd.s32 $0x200, s20  }
0x72: {  	[tilespmem:s13], [sflag:$0x1] =	stream.indirect.gather [hbm4b:s3+s8], $0x20, s28, s8, $0xb8;
	[tilespmem:$0xA800] =	vst v63  }
0x73: {  	s29 =	sadd.s32 $0x280, s20  }
0x74: {  	[tilespmem:s14], [sflag:$0x1] =	stream.indirect.gather [hbm4b:s3+s8], $0x20, s29, s8, $0xb8;
	[tilespmem:$0xA800] =	vst v63  }
0x75: {  	s30 =	sadd.s32 $0x300, s20  }
0x76: {  	[tilespmem:s15], [sflag:$0x1] =	stream.indirect.gather [hbm4b:s3+s8], $0x20, s30, s8, $0xb8;
	[tilespmem:$0xA800] =	vst v63  }
0x77: {  	s20 =	sadd.s32 $0x380, s20  }
0x78: {  	[tilespmem:s16], [sflag:$0x1] =	stream.indirect.gather [hbm4b:s3+s8], $0x20, s20, s8, $0xb8;
	[tilespmem:$0xA800] =	vst v63  }
0x79: {  	_ =	swait.ge [sflag:s17], $0x1000  }
0x7a: {  	[sflag:s17] =	ssyncset.done $0x0  }
0x7b: {  	[sflag:s17] =	ssyncadd.s32 $0xFFFFF000  }
0x7c: {  	_ =	swait.ge [sflag:s17], $0x1000  }
0x7d: {  	[sflag:s17] =	ssyncset.done $0x0  }
0x7e: {  	[sflag:s17] =	ssyncadd.s32 $0xFFFFF000  }
0x7f: {  	_ =	swait.ge [sflag:s17], $0x1000  }
0x80: {  	[sflag:s17] =	ssyncset.done $0x0  }
0x81: {  	[sflag:s17] =	ssyncadd.s32 $0xFFFFF000  }
0x82: {  	_ =	swait.ge [sflag:s17], $0x1000  }
0x83: {  	[sflag:s17] =	ssyncset.done $0x0  }
0x84: {  	[sflag:s17] =	ssyncadd.s32 $0xFFFFF000  }
0x85: {  	_ =	swait.ge [sflag:s17], $0x1000  }
0x86: {  	[sflag:s17] =	ssyncset.done $0x0  }
0x87: {  	[sflag:s17] =	ssyncadd.s32 $0xFFFFF000  }
0x88: {  	_ =	swait.ge [sflag:s17], $0x1000  }
0x89: {  	[sflag:s17] =	ssyncset.done $0x0  }
0x8a: {  	[sflag:s17] =	ssyncadd.s32 $0xFFFFF000  }
0x8b: {  	_ =	swait.ge [sflag:s17], $0x1000  }
0x8c: {  	[sflag:s17] =	ssyncset.done $0x0  }
0x8d: {  	[sflag:s17] =	ssyncadd.s32 $0xFFFFF000  }
0x8e: {  	s18 =	sadd.s32 $0x1, s18;
	_ =	swait.ge [sflag:s17], $0x1000  }
0x8f: {  	p0 =	sne.s32 s18, s5;
	[sflag:s17] =	ssyncset.done $0x0  }
.Ltmp1:
0x90: {  	s31 =	sadd.s32 s19, s6;
	[sflag:s17] =	ssyncadd.s32 $0xFFFFF000;
	(pc) =	sbr.rel @p0 .LBB2_1-.Ltmp1, $4  }
0x91: {  	[hbm4b:s31+s2] =	stream.linear.scatter [tilespmem:s9], [sflag:$0x2], $0x8000, $0x38;
	[tilespmem:$0xA800] =	vst v63  }
0x92: {  	_ =	swait.ge [sflag:s7], $0x8000  }
0x93: {  	[sflag:s7] =	ssyncset.done $0x0  }
0x94: {  	[sflag:s7] =	ssyncadd.s32 $0xFFFF8000  }
0x95: {  	_ =	sfence.sel $0x180000  }
0x96: {  	[bflag:$0x0] =	sbarrier.arrive $0xFFFF  }
0x97: {  	p0 =	sne.s32 s1, $0x0;
	_ =	strace $0x9000004D  }
0x98: {  	s0 =	sadd.s32 @!p0 $0x100000, s0;
	[bflag:$0x2] =	sbarrier.arrive $0xFFFF  }
0x99: {  	[sflag:s0] =	ssyncadd.tile.s32 @!p0 $0x1;
	_ =	shalt  }
.Lfunc_end2:
_tile_overlayer_lowered:
.L_overlay_start_2:
0x9a: {  	(tag) =	ssettag $0x2  }
0x9b: {  	s0 =	rddreg [dreg:$0x0];
	s2 =	stileid.u32  }
0x9c: {  	s1 =	rddreg [dreg:$0x1];
	p0 =	sne.s32 s2, $0x0  }
0x9d: {  	s3 =	rddreg [dreg:$0x2];
	[bflag:$0x3] =	sbarrier.arrive $0xFFFF;
	s2 =	simm.s32 @!p0 $0x1C02  }
0x9e: {  	[timem:s3], [sflag:s2] =	dma.local @!p0 [hbm:s0], s1  }
0x9f: {  	s0 =	simm.s32 @!p0 $0x2  }
0xa0: {  	_ =	swait.ge @!p0 [sflag:s0], s1  }
0xa1: {  	s1 =	ssub.s32 @!p0 $0x0, s1;
	[sflag:s0] =	ssyncset.done @!p0 $0x0  }
0xa2: {  	[sflag:s0] =	ssyncadd.s32 @!p0 s1  }
0xa3: {  	[bflag:$0x3] =	sbarrier.arrive $0xFFFF  }
0xa4: {  	_ =	shalt  }

</sc_bundles>
